<compile_context>
chip_gen: v7x
topology: tpu7x:2x2x1
jax: 0.10.2.dev20260603
libtpu: 0.0.44.dev20260713+nightly
codegen_flags: <defaults>
</compile_context>

<pallas_src>
import jax
import jax.numpy as jnp
from jax import lax
from jax.experimental import pallas as pl
from jax.experimental.pallas import tpu as pltpu
from jax.experimental.pallas import tpu_sc as plsc

B, C_IN, N, DIM, KNN, PH, DFF = 2, 128, 1024, 256, 16, 64, 1024
PPAD = 16
TBLW = DIM + 128
TN = 256
TS = TN * KNN
NT = (B * N) // TN
NSAMP = float(B * N * KNN)
EPS = 1e-5

_HI = lax.Precision.HIGHEST


def _dot(a, b):
    return jnp.dot(a, b, precision=_HI, preferred_element_type=jnp.float32)


def _dotb(a, b):
    return jnp.dot(a.astype(jnp.bfloat16), b.astype(jnp.bfloat16),
                   preferred_element_type=jnp.float32)


def _fullspec(a):
    zeros = (0,) * a.ndim
    return pl.BlockSpec(a.shape, lambda *_: zeros)


def _fold_p1(s1v, s2v, wp1T16, bp1r, gp1r, bep1r):
    inv = 1.0 / NSAMP
    mu = [s1v[0:1, i:i + 1] * inv for i in range(3)]
    mp = bp1r
    for i in range(3):
        mp = mp + mu[i] * wp1T16[i:i + 1, :]
    var = jnp.zeros_like(bp1r)
    for i in range(3):
        for j in range(3):
            cov = s2v[i:i + 1, j:j + 1] * inv - mu[i] * mu[j]
            var = var + cov * (wp1T16[i:i + 1, :] * wp1T16[j:j + 1, :])
    sp = gp1r * lax.rsqrt(var + EPS)
    return wp1T16 * sp, sp * (bp1r - mp) + bep1r


def _proj_body(xt_ref, p16_ref, wsT, bs, wkT, bk, wqT, bq, wvT, bv,
               q_ref, v_ref, tbl_ref, idx_ref):
    xt = xt_ref[0]
    p16 = p16_ref[0]
    h = _dotb(xt, wsT[...]) + bs[...]
    q_ref[0] = _dotb(h, wqT[...]) + bq[...]
    v_ref[0] = _dotb(h, wvT[...]) + bv[...]
    k = _dotb(h, wkT[...]) + bk[...]
    tbl_ref[0] = jnp.concatenate(
        [k, p16, jnp.zeros((N, TBLW - DIM - PPAD), jnp.float32)], axis=1)
    pb = p16.astype(jnp.bfloat16)
    g = lax.dot_general(pb, pb, (((1,), (1,)), ((), ())),
                        preferred_element_type=jnp.float32)
    nrm = jnp.sum(p16 * p16, axis=1)
    d = (-2.0 * g + nrm[:, None]) + nrm[None, :]
    iota = lax.broadcasted_iota(jnp.int32, (N, N), 1)
    cols = []
    for _ in range(KNN):
        m = jnp.min(d, axis=1, keepdims=True)
        cand = jnp.where(d == m, iota, jnp.int32(2 * N))
        fi = jnp.min(cand, axis=1, keepdims=True)
        cols.append(fi)
        d = jnp.where(iota == fi, jnp.float32(jnp.inf), d)
    idx_ref[0] = jnp.concatenate(cols, axis=1)


def _proj(xt, p16, wsT, bs, wkT, bk, wqT, bq, wvT, bv):
    ws = [wsT, bs, wkT, bk, wqT, bq, wvT, bv]
    return pl.pallas_call(
        _proj_body,
        grid=(B,),
        in_specs=[
            pl.BlockSpec((1, N, C_IN), lambda b: (b, 0, 0)),
            pl.BlockSpec((1, N, PPAD), lambda b: (b, 0, 0)),
        ] + [_fullspec(w) for w in ws],
        out_specs=[
            pl.BlockSpec((1, N, DIM), lambda b: (b, 0, 0)),
            pl.BlockSpec((1, N, DIM), lambda b: (b, 0, 0)),
            pl.BlockSpec((1, N, TBLW), lambda b: (b, 0, 0)),
            pl.BlockSpec((1, N, KNN), lambda b: (b, 0, 0)),
        ],
        out_shape=[
            jax.ShapeDtypeStruct((B, N, DIM), jnp.float32),
            jax.ShapeDtypeStruct((B, N, DIM), jnp.float32),
            jax.ShapeDtypeStruct((B, N, TBLW), jnp.float32),
            jax.ShapeDtypeStruct((B, N, KNN), jnp.int32),
        ],
    )(xt, p16, wsT, bs, wkT, bk, wqT, bq, wvT, bv)


_GCH = 128
_NW = 32


def _gather_body(tbl_hbm, idx_hbm, out_hbm, idx_v, buf_a, buf_b,
                 ga, gb, wa, wb):
    nc = 2
    wid = lax.axis_index("s") * nc + lax.axis_index("c")
    rows_per_w = (B * N * KNN) // _NW
    base = wid * rows_per_w
    nch = rows_per_w // _GCH
    bufs = (buf_a, buf_b)
    gsem = (ga, gb)
    wsem = (wa, wb)
    pltpu.sync_copy(idx_hbm.at[pl.ds(base, rows_per_w)], idx_v)

    def g_start(c):
        p = c % 2
        return pltpu.async_copy(
            tbl_hbm.at[idx_v.at[pl.ds(c * _GCH, _GCH)]], bufs[p], gsem[p])

    def w_start(c):
        p = c % 2
        return pltpu.async_copy(
            bufs[p], out_hbm.at[pl.ds(base + c * _GCH, _GCH)], wsem[p])

    gh = [None] * nch
    wh = [None] * nch
    gh[0] = g_start(0)
    for c in range(nch):
        if c + 1 < nch:
            if c >= 1:
                wh[c - 1].wait()
            gh[c + 1] = g_start(c + 1)
        gh[c].wait()
        wh[c] = w_start(c)
    wh[nch - 2].wait()
    wh[nch - 1].wait()


def _gather_sc(tbl, idxg):
    mesh = plsc.VectorSubcoreMesh(core_axis_name="c", subcore_axis_name="s")
    k = pl.kernel(
        _gather_body,
        mesh=mesh,
        out_type=jax.ShapeDtypeStruct((B * N * KNN, TBLW), jnp.float32),
        scratch_types=[
            pltpu.VMEM(((B * N * KNN) // _NW,), jnp.int32),
            pltpu.VMEM((_GCH, TBLW), jnp.float32),
            pltpu.VMEM((_GCH, TBLW), jnp.float32),
            pltpu.SemaphoreType.DMA,
            pltpu.SemaphoreType.DMA,
            pltpu.SemaphoreType.DMA,
            pltpu.SemaphoreType.DMA,
        ],
    )
    return k(tbl, idxg)


def _pstats_body(p16_ref, pg_ref, s1_ref, s2_ref, acc1, acc2):
    i = pl.program_id(0)

    @pl.when(i == 0)
    def _():
        acc1[...] = jnp.zeros_like(acc1)
        acc2[...] = jnp.zeros_like(acc2)

    p16 = p16_ref[0]
    prep = jnp.broadcast_to(p16[:, None, :], (TN, KNN, PPAD))
    prep = prep.reshape(TS, PPAD)
    prel = prep - pg_ref[:, :PPAD]
    acc1[...] += jnp.sum(prel, axis=0, keepdims=True)
    rows = [jnp.sum(prel * prel[:, i:i + 1], axis=0, keepdims=True)
            for i in range(3)]
    acc2[...] += jnp.concatenate(rows, axis=0)

    @pl.when(i == pl.num_programs(0) - 1)
    def _():
        s1_ref[...] = acc1[...]
        s2_ref[...] = acc2[...]


def _pstats(p16, g):
    return pl.pallas_call(
        _pstats_body,
        grid=(NT,),
        in_specs=[
            pl.BlockSpec((1, TN, PPAD), lambda i: (i // (N // TN),
                                                   i % (N // TN), 0)),
            pl.BlockSpec((TS, 128), lambda i: (i, DIM // 128)),
        ],
        out_specs=[
            pl.BlockSpec((1, PPAD), lambda i: (0, 0)),
            pl.BlockSpec((3, PPAD), lambda i: (0, 0)),
        ],
        out_shape=[
            jax.ShapeDtypeStruct((1, PPAD), jnp.float32),
            jax.ShapeDtypeStruct((3, PPAD), jnp.float32),
        ],
        scratch_shapes=[
            pltpu.VMEM((1, PPAD), jnp.float32),
            pltpu.VMEM((3, PPAD), jnp.float32),
        ],
    )(p16, g)


def _ustats_body(q_ref, p16_ref, g_ref, s1_ref, s2_ref, wp1T16, bp1r, gp1r,
                 bep1r, wp2T, bp2, su_ref, c_ref, acc1, acc2):
    i = pl.program_id(0)

    @pl.when(i == 0)
    def _():
        acc1[...] = jnp.zeros_like(acc1)
        acc2[...] = jnp.zeros_like(acc2)

    wf, bf = _fold_p1(s1_ref[...], s2_ref[...], wp1T16[...], bp1r[...],
                      gp1r[...], bep1r[...])
    g = g_ref[...]
    kg = g[:, :DIM]
    pg = g[:, DIM:DIM + PPAD]
    p16 = p16_ref[0]
    prep = jnp.broadcast_to(p16[:, None, :], (TN, KNN, PPAD)).reshape(TS, PPAD)
    prel = prep - pg
    f = jnp.maximum(_dotb(prel, wf) + bf, 0.0)
    pe = _dotb(f, wp2T[...]) + bp2[...]
    q = q_ref[0]
    qrep = jnp.broadcast_to(q[:, None, :], (TN, KNN, DIM)).reshape(TS, DIM)
    u = qrep - kg + pe
    acc1[...] += jnp.sum(u, axis=0, keepdims=True)
    ub = u.astype(jnp.bfloat16)
    acc2[...] += lax.dot_general(ub, ub, (((0,), (0,)), ((), ())),
                                 preferred_element_type=jnp.float32)

    @pl.when(i == pl.num_programs(0) - 1)
    def _():
        su_ref[...] = acc1[...]
        c_ref[...] = acc2[...]


def _ustats(q, p16, g, s1, s2, wp1T16, bp1r, gp1r, bep1r, wp2T, bp2):
    ws = [s1, s2, wp1T16, bp1r, gp1r, bep1r, wp2T, bp2]
    nb = N // TN
    return pl.pallas_call(
        _ustats_body,
        grid=(NT,),
        in_specs=[
            pl.BlockSpec((1, TN, DIM), lambda i: (i // nb, i % nb, 0)),
            pl.BlockSpec((1, TN, PPAD), lambda i: (i // nb, i % nb, 0)),
            pl.BlockSpec((TS, TBLW), lambda i: (i, 0)),
        ] + [_fullspec(w) for w in ws],
        out_specs=[
            pl.BlockSpec((1, DIM), lambda i: (0, 0)),
            pl.BlockSpec((DIM, DIM), lambda i: (0, 0)),
        ],
        out_shape=[
            jax.ShapeDtypeStruct((1, DIM), jnp.float32),
            jax.ShapeDtypeStruct((DIM, DIM), jnp.float32),
        ],
        scratch_shapes=[
            pltpu.VMEM((1, DIM), jnp.float32),
            pltpu.VMEM((DIM, DIM), jnp.float32),
        ],
    )(q, p16, g, s1, s2, wp1T16, bp1r, gp1r, bep1r, wp2T, bp2)


def _final_body(q_ref, v_ref, x_ref, p16_ref, g_ref, s1_ref, s2_ref, wp1T16,
                bp1r, gp1r, bep1r, wp2T, bp2, wa1T, ba1, su_ref, c_ref,
                ga1r, bea1r, wa2T, ba2, weT, be, y_ref):
    wf, bf = _fold_p1(s1_ref[...], s2_ref[...], wp1T16[...], bp1r[...],
                      gp1r[...], bep1r[...])
    inv = 1.0 / NSAMP
    mu_u = su_ref[...] * inv
    mz = _dot(mu_u, wa1T[...])
    w1 = _dotb(c_ref[...] * inv, wa1T[...])
    ez2 = jnp.sum(wa1T[...] * w1, axis=0, keepdims=True)
    vz = ez2 - mz * mz
    sca = ga1r[...] * lax.rsqrt(vz + EPS)
    shf = bea1r[...] - sca * (mz + ba1[...])

    g = g_ref[...]
    kg = g[:, :DIM]
    pg = g[:, DIM:DIM + PPAD]
    p16 = p16_ref[0]
    prep = jnp.broadcast_to(p16[:, None, :], (TN, KNN, PPAD)).reshape(TS, PPAD)
    prel = prep - pg
    f = jnp.maximum(_dotb(prel, wf) + bf, 0.0)
    pe = _dotb(f, wp2T[...]) + bp2[...]
    q = q_ref[0]
    qrep = jnp.broadcast_to(q[:, None, :], (TN, KNN, DIM)).reshape(TS, DIM)
    u = qrep - kg + pe
    z = _dotb(u, wa1T[...])
    zr = jnp.maximum(z * sca + shf, 0.0).astype(jnp.bfloat16)
    attn = jnp.dot(zr, wa2T[...].astype(jnp.bfloat16),
                   preferred_element_type=jnp.float32) + ba2[...]
    a3 = attn.reshape(TN, KNN, DIM)
    m = jnp.max(a3, axis=1, keepdims=True)
    e = jnp.exp(a3 - m)
    den = jnp.exp(-m) + jnp.sum(e, axis=1, keepdims=True)
    asm = e / den
    v = v_ref[0]
    vrep = jnp.broadcast_to(v[:, None, :], (TN, KNN, DIM)).reshape(TS, DIM)
    val = (vrep + pe).reshape(TN, KNN, DIM)
    agg = jnp.sum(asm * val, axis=1)
    y = _dot(agg, weT[...]) + be[...]
    y_ref[0] = jnp.transpose(y, (1, 0)) + x_ref[0]


def _final(q, v, x, p16, g, s1, s2, wp1T16, bp1r, gp1r, bep1r, wp2T, bp2,
           wa1T, ba1, su, cmat, ga1r, bea1r, wa2T, ba2, weT, be):
    ws = [s1, s2, wp1T16, bp1r, gp1r, bep1r, wp2T, bp2, wa1T, ba1,
          su, cmat, ga1r, bea1r, wa2T, ba2, weT, be]
    nb = N // TN
    return pl.pallas_call(
        _final_body,
        grid=(NT,),
        in_specs=[
            pl.BlockSpec((1, TN, DIM), lambda i: (i // nb, i % nb, 0)),
            pl.BlockSpec((1, TN, DIM), lambda i: (i // nb, i % nb, 0)),
            pl.BlockSpec((1, C_IN, TN), lambda i: (i // nb, 0, i % nb)),
            pl.BlockSpec((1, TN, PPAD), lambda i: (i // nb, i % nb, 0)),
            pl.BlockSpec((TS, TBLW), lambda i: (i, 0)),
        ] + [_fullspec(w) for w in ws],
        out_specs=pl.BlockSpec((1, C_IN, TN), lambda i: (i // nb, 0, i % nb)),
        out_shape=jax.ShapeDtypeStruct((B, C_IN, N), jnp.float32),
    )(q, v, x, p16, g, s1, s2, wp1T16, bp1r, gp1r, bep1r, wp2T, bp2,
      wa1T, ba1, su, cmat, ga1r, bea1r, wa2T, ba2, weT, be)


def kernel(x, pos, w_start, b_start, w_key, b_key, w_query, b_query,
           w_value, b_value, w_p1, b_p1, g_p1, be_p1, w_p2, b_p2,
           w_a1, b_a1, g_a1, be_a1, w_a2, b_a2, w_end, b_end):
    xt = jnp.transpose(x, (0, 2, 1))
    posT = jnp.transpose(pos, (0, 2, 1))
    p16 = jnp.pad(posT, ((0, 0), (0, 0), (0, PPAD - 3)))

    q, v, tbl, idx = _proj(
        xt, p16,
        w_start.T, b_start[None, :], w_key.T, b_key[None, :],
        w_query.T, b_query[None, :], w_value.T, b_value[None, :])

    offs = (jnp.arange(B, dtype=jnp.int32) * N)[:, None, None]
    idxg = (idx + offs).reshape(-1)

    g = _gather_sc(tbl.reshape(B * N, TBLW), idxg)

    s1, s2 = _pstats(p16, g)
    wp1T16 = jnp.pad(w_p1.T, ((0, PPAD - 3), (0, 0)))

    su, cmat = _ustats(q, p16, g, s1, s2, wp1T16, b_p1[None, :],
                       g_p1[None, :], be_p1[None, :], w_p2.T, b_p2[None, :])

    y = _final(q, v, x, p16, g, s1, s2, wp1T16, b_p1[None, :],
               g_p1[None, :], be_p1[None, :], w_p2.T, b_p2[None, :],
               w_a1.T, b_a1[None, :], su, cmat, g_a1[None, :],
               be_a1[None, :], w_a2.T, b_a2[None, :], w_end.T,
               b_end[None, :])
    return y

# --- scband reference (transcript-rebuilt; emitter-appended) ---
"""Pipeline reference for scband-transformer-49572512530941 (READ-ONLY COPY).

The authoritative reference and input builder live on the scoring server;
editing this copy changes nothing except your own understanding.
"""

import jax, jax.numpy as jnp
import numpy as np

B, C_IN, N, DIM, KNN, PH, DFF = 2, 128, 1024, 256, 16, 64, 1024


def setup_inputs(seed: int = 0):
    key = jax.random.key(seed)
    ks = jax.random.split(key, 16)
    s = 0.05
    inp = {}
    inp['x'] = jax.random.normal(ks[0], (B, C_IN, N), jnp.float32)
    inp['pos'] = jax.random.normal(ks[1], (B, 3, N), jnp.float32)
    inp['w_start'] = jax.random.normal(ks[2], (DIM, C_IN), jnp.float32) * s
    inp['b_start'] = jnp.zeros((DIM,), jnp.float32)
    inp['w_key'] = jax.random.normal(ks[3], (DIM, DIM), jnp.float32) * s
    inp['b_key'] = jnp.zeros((DIM,), jnp.float32)
    inp['w_query'] = jax.random.normal(ks[4], (DIM, DIM), jnp.float32) * s
    inp['b_query'] = jnp.zeros((DIM,), jnp.float32)
    inp['w_value'] = jax.random.normal(ks[5], (DIM, DIM), jnp.float32) * s
    inp['b_value'] = jnp.zeros((DIM,), jnp.float32)
    inp['w_p1'] = jax.random.normal(ks[6], (PH, 3), jnp.float32) * s
    inp['b_p1'] = jnp.zeros((PH,), jnp.float32)
    inp['g_p1'] = jnp.ones((PH,), jnp.float32)
    inp['be_p1'] = jnp.zeros((PH,), jnp.float32)
    inp['w_p2'] = jax.random.normal(ks[7], (DIM, PH), jnp.float32) * s
    inp['b_p2'] = jnp.zeros((DIM,), jnp.float32)
    inp['w_a1'] = jax.random.normal(ks[8], (DFF, DIM), jnp.float32) * s
    inp['b_a1'] = jnp.zeros((DFF,), jnp.float32)
    inp['g_a1'] = jnp.ones((DFF,), jnp.float32)
    inp['be_a1'] = jnp.zeros((DFF,), jnp.float32)
    inp['w_a2'] = jax.random.normal(ks[9], (DIM, DFF), jnp.float32) * s
    inp['b_a2'] = jnp.zeros((DIM,), jnp.float32)
    inp['w_end'] = jax.random.normal(ks[10], (C_IN, DIM), jnp.float32) * s
    inp['b_end'] = jnp.zeros((C_IN,), jnp.float32)
    return inp


def _conv1d(x, w, b):
    return jnp.einsum('oc,bcn->bon', w, x) + b[None, :, None]


def _conv2d(x, w, b):
    return jnp.einsum('oc,bcnk->bonk', w, x) + b[None, :, None, None]


def _bn2d(x, g, be, eps=1e-5):
    m = jnp.mean(x, axis=(0, 2, 3), keepdims=True)
    v = jnp.var(x, axis=(0, 2, 3), keepdims=True)
    xh = (x - m) / jnp.sqrt(v + eps)
    return xh * g[None, :, None, None] + be[None, :, None, None]


def _grouping(feat, idx):
    b, c, n = feat.shape
    k = idx.shape[-1]
    idxe = jnp.broadcast_to(idx.reshape(b, 1, n * k), (b, c, n * k))
    return jnp.take_along_axis(feat, idxe, axis=2).reshape(b, c, n, k)


def _softmax_one(x, axis=-1):
    m = jnp.max(x, axis=axis, keepdims=True)
    e = jnp.exp(x - m)
    return e / (jnp.exp(-m) + jnp.sum(e, axis=axis, keepdims=True))


def _forward(x, pos, w_start, b_start, w_key, b_key, w_query, b_query, w_value, b_value, w_p1, b_p1, g_p1, be_p1, w_p2, b_p2, w_a1, b_a1, g_a1, be_a1, w_a2, b_a2, w_end, b_end):
    identity = x
    h = _conv1d(x, w_start, b_start)
    b, dim, n = h.shape
    pos_f = jnp.transpose(pos, (0, 2, 1))
    d = -2.0 * jnp.einsum('bnc,bmc->bnm', pos_f, pos_f)
    d = d + jnp.sum(pos_f ** 2, axis=-1)[:, :, None]
    d = d + jnp.sum(pos_f ** 2, axis=-1)[:, None, :]
    idx = jnp.argsort(d, axis=-1)[:, :, :KNN]
    key = _conv1d(h, w_key, b_key)
    value = _conv1d(h, w_value, b_value)
    query = _conv1d(h, w_query, b_query)
    key_g = _grouping(key, idx)
    qk_rel = query.reshape(b, dim, n, 1) - key_g
    pos_rel = pos.reshape(b, 3, n, 1) - _grouping(pos, idx)
    pe = _conv2d(jax.nn.relu(_bn2d(_conv2d(pos_rel, w_p1, b_p1), g_p1, be_p1)), w_p2, b_p2)
    attn = _conv2d(jax.nn.relu(_bn2d(_conv2d(qk_rel + pe, w_a1, b_a1), g_a1, be_a1)), w_a2, b_a2)
    attn = _softmax_one(attn, axis=-1)
    val = value.reshape(b, dim, n, 1) + pe
    agg = jnp.einsum('bcij,bcij->bci', attn, val)
    y = _conv1d(agg, w_end, b_end)
    return y + identity


def reference(x, pos, w_start, b_start, w_key, b_key, w_query, b_query, w_value, b_value, w_p1, b_p1, g_p1, be_p1, w_p2, b_p2, w_a1, b_a1, g_a1, be_a1, w_a2, b_a2, w_end, b_end):
    return _forward(x, pos, w_start, b_start, w_key, b_key, w_query, b_query, w_value, b_value, w_p1, b_p1, g_p1, be_p1, w_p2, b_p2, w_a1, b_a1, g_a1, be_a1, w_a2, b_a2, w_end, b_end)

if __name__ == "__main__":
    import jax
    _d = setup_inputs()
    print(jax.jit(kernel)(*tuple(_d.values())))

</pallas_src>

<mosaic_0001>
#map = affine_map<(d0, d1) -> (0, 0)>
#map1 = affine_map<(d0, d1) -> (0)>
module attributes {stable_mosaic.version = 14 : i64} {
  func.func @_gather_body(%arg0: i32, %arg1: i32, %arg2: memref<2048x384xf32, #tpu.memory_space<hbm>>, %arg3: memref<32768xi32, #tpu.memory_space<hbm>>, %arg4: memref<32768x384xf32, #tpu.memory_space<hbm>>, %arg5: memref<1024xi32, #tpu.memory_space<vmem>>, %arg6: memref<128x384xf32, #tpu.memory_space<vmem>>, %arg7: memref<128x384xf32, #tpu.memory_space<vmem>>, %arg8: memref<!tpu.dma_semaphore, #tpu.memory_space<semaphore_mem>>, %arg9: memref<!tpu.dma_semaphore, #tpu.memory_space<semaphore_mem>>, %arg10: memref<!tpu.dma_semaphore, #tpu.memory_space<semaphore_mem>>, %arg11: memref<!tpu.dma_semaphore, #tpu.memory_space<semaphore_mem>>) attributes {dimension_semantics = [#tpu.dimension_semantics<core_parallel>, #tpu.dimension_semantics<subcore_parallel>], iteration_bounds = array<i64: 2, 16>, scalar_prefetch = 0 : i64, scratch_operands = 7 : i64, tpu.core_type = #tpu.core_type<sc_vector_subcore>, window_params = [{transform_indices = #map}, {transform_indices = #map1}, {transform_indices = #map}]} {
    %mul3A = arith.constant 2 : i32
    %mul3A_0 = arith.muli %arg1, %mul3A : i32
    %add3A = arith.addi %mul3A_0, %arg0 : i32
    %mul3A_1 = arith.constant 1024 : i32
    %mul3A_2 = arith.muli %add3A, %mul3A_1 : i32
    "tpu.region"() ({
      %run_scoped3A = tpu.sem_alloc : memref<!tpu.dma_semaphore, #tpu.memory_space<semaphore_mem>>
      %dma_start3A_161 = tpu.memref_slice %arg3[%mul3A_2] : memref<32768xi32, #tpu.memory_space<hbm>> -> memref<1024xi32, #tpu.memory_space<hbm>>
      %dma_start3A_162 = tpu.memref_slice %arg3[%mul3A_2] : memref<32768xi32, #tpu.memory_space<hbm>> -> memref<1024xi32, #tpu.memory_space<hbm>>
      tpu.enqueue_dma source(%dma_start3A_162 : memref<1024xi32, #tpu.memory_space<hbm>>) target(%arg5 : memref<1024xi32, #tpu.memory_space<vmem>>) target_semaphore(%run_scoped3A : memref<!tpu.dma_semaphore, #tpu.memory_space<semaphore_mem>>)
      %dma_wait3A_163 = tpu.memref_slice %arg3[%mul3A_2] : memref<32768xi32, #tpu.memory_space<hbm>> -> memref<1024xi32, #tpu.memory_space<hbm>>
      %dma_wait3A_164 = tpu.memref_slice %arg3[%mul3A_2] : memref<32768xi32, #tpu.memory_space<hbm>> -> memref<1024xi32, #tpu.memory_space<hbm>>
      tpu.wait_dma2 semaphore(%run_scoped3A : memref<!tpu.dma_semaphore, #tpu.memory_space<semaphore_mem>>) src(%dma_wait3A_164 : memref<1024xi32, #tpu.memory_space<hbm>>) dst(%arg5 : memref<1024xi32, #tpu.memory_space<vmem>>)
      tpu.yield
    }) : () -> ()
    %dma_start3A = arith.constant 0 : i32
    %dma_start3A_3 = tpu.memref_slice %arg5[%dma_start3A] : memref<1024xi32, #tpu.memory_space<vmem>> -> memref<128xi32, #tpu.memory_space<vmem>>
    %dma_start3A_4 = arith.constant 0 : i32
    %dma_start3A_5 = arith.constant 0 : i32
    %dma_start3A_6 = tpu.memref_slice %arg2[%dma_start3A_4, %dma_start3A_5] : memref<2048x384xf32, #tpu.memory_space<hbm>> -> memref<2048x384xf32, #tpu.memory_space<hbm>>
    tpu.enqueue_indirect_dma source(%dma_start3A_6 : memref<2048x384xf32, #tpu.memory_space<hbm>>) target(%arg6 : memref<128x384xf32, #tpu.memory_space<vmem>>) offsets(%dma_start3A_3 : memref<128xi32, #tpu.memory_space<vmem>>) semaphore(%arg8 : memref<!tpu.dma_semaphore, #tpu.memory_space<semaphore_mem>>)
    %dma_start3A_7 = arith.constant 128 : i32
    %dma_start3A_8 = tpu.memref_slice %arg5[%dma_start3A_7] : memref<1024xi32, #tpu.memory_space<vmem>> -> memref<128xi32, #tpu.memory_space<vmem>>
    %dma_start3A_9 = arith.constant 0 : i32
    %dma_start3A_10 = arith.constant 0 : i32
    %dma_start3A_11 = tpu.memref_slice %arg2[%dma_start3A_9, %dma_start3A_10] : memref<2048x384xf32, #tpu.memory_space<hbm>> -> memref<2048x384xf32, #tpu.memory_space<hbm>>
    tpu.enqueue_indirect_dma source(%dma_start3A_11 : memref<2048x384xf32, #tpu.memory_space<hbm>>) target(%arg7 : memref<128x384xf32, #tpu.memory_space<vmem>>) offsets(%dma_start3A_8 : memref<128xi32, #tpu.memory_space<vmem>>) semaphore(%arg9 : memref<!tpu.dma_semaphore, #tpu.memory_space<semaphore_mem>>)
    %dma_wait3A = arith.constant 0 : i32
    %dma_wait3A_12 = tpu.memref_slice %arg5[%dma_wait3A] : memref<1024xi32, #tpu.memory_space<vmem>> -> memref<128xi32, #tpu.memory_space<vmem>>
    %dma_wait3A_13 = arith.constant 0 : i32
    %dma_wait3A_14 = arith.constant 0 : i32
    %dma_wait3A_15 = tpu.memref_slice %arg2[%dma_wait3A_13, %dma_wait3A_14] : memref<2048x384xf32, #tpu.memory_space<hbm>> -> memref<2048x384xf32, #tpu.memory_space<hbm>>
    tpu.wait_indirect_dma semaphore(%arg8 : memref<!tpu.dma_semaphore, #tpu.memory_space<semaphore_mem>>) src(%dma_wait3A_15 : memref<2048x384xf32, #tpu.memory_space<hbm>>) dst(%arg6 : memref<128x384xf32, #tpu.memory_space<vmem>>)
    %add3A_16 = arith.constant 0 : i32
    %add3A_17 = arith.addi %mul3A_2, %add3A_16 : i32
    %dma_start3A_18 = arith.constant 0 : i32
    %dma_start3A_19 = tpu.memref_slice %arg4[%add3A_17, %dma_start3A_18] : memref<32768x384xf32, #tpu.memory_space<hbm>> -> memref<128x384xf32, #tpu.memory_space<hbm>>
    %dma_start3A_20 = arith.constant 0 : i32
    %dma_start3A_21 = tpu.memref_slice %arg4[%add3A_17, %dma_start3A_20] : memref<32768x384xf32, #tpu.memory_space<hbm>> -> memref<128x384xf32, #tpu.memory_space<hbm>>
    tpu.enqueue_dma source(%arg6 : memref<128x384xf32, #tpu.memory_space<vmem>>) target(%dma_start3A_21 : memref<128x384xf32, #tpu.memory_space<hbm>>) target_semaphore(%arg10 : memref<!tpu.dma_semaphore, #tpu.memory_space<semaphore_mem>>)
    %dma_wait3A_22 = arith.constant 0 : i32
    %dma_wait3A_23 = tpu.memref_slice %arg4[%add3A_17, %dma_wait3A_22] : memref<32768x384xf32, #tpu.memory_space<hbm>> -> memref<128x384xf32, #tpu.memory_space<hbm>>
    %dma_wait3A_24 = arith.constant 0 : i32
    %dma_wait3A_25 = tpu.memref_slice %arg4[%add3A_17, %dma_wait3A_24] : memref<32768x384xf32, #tpu.memory_space<hbm>> -> memref<128x384xf32, #tpu.memory_space<hbm>>
    tpu.wait_dma2 semaphore(%arg10 : memref<!tpu.dma_semaphore, #tpu.memory_space<semaphore_mem>>) src(%arg6 : memref<128x384xf32, #tpu.memory_space<vmem>>) dst(%dma_wait3A_25 : memref<128x384xf32, #tpu.memory_space<hbm>>)
    %dma_start3A_26 = arith.constant 256 : i32
    %dma_start3A_27 = tpu.memref_slice %arg5[%dma_start3A_26] : memref<1024xi32, #tpu.memory_space<vmem>> -> memref<128xi32, #tpu.memory_space<vmem>>
    %dma_start3A_28 = arith.constant 0 : i32
    %dma_start3A_29 = arith.constant 0 : i32
    %dma_start3A_30 = tpu.memref_slice %arg2[%dma_start3A_28, %dma_start3A_29] : memref<2048x384xf32, #tpu.memory_space<hbm>> -> memref<2048x384xf32, #tpu.memory_space<hbm>>
    tpu.enqueue_indirect_dma source(%dma_start3A_30 : memref<2048x384xf32, #tpu.memory_space<hbm>>) target(%arg6 : memref<128x384xf32, #tpu.memory_space<vmem>>) offsets(%dma_start3A_27 : memref<128xi32, #tpu.memory_space<vmem>>) semaphore(%arg8 : memref<!tpu.dma_semaphore, #tpu.memory_space<semaphore_mem>>)
    %dma_wait3A_31 = arith.constant 128 : i32
    %dma_wait3A_32 = tpu.memref_slice %arg5[%dma_wait3A_31] : memref<1024xi32, #tpu.memory_space<vmem>> -> memref<128xi32, #tpu.memory_space<vmem>>
    %dma_wait3A_33 = arith.constant 0 : i32
    %dma_wait3A_34 = arith.constant 0 : i32
    %dma_wait3A_35 = tpu.memref_slice %arg2[%dma_wait3A_33, %dma_wait3A_34] : memref<2048x384xf32, #tpu.memory_space<hbm>> -> memref<2048x384xf32, #tpu.memory_space<hbm>>
    tpu.wait_indirect_dma semaphore(%arg9 : memref<!tpu.dma_semaphore, #tpu.memory_space<semaphore_mem>>) src(%dma_wait3A_35 : memref<2048x384xf32, #tpu.memory_space<hbm>>) dst(%arg7 : memref<128x384xf32, #tpu.memory_space<vmem>>)
    %add3A_36 = arith.constant 128 : i32
    %add3A_37 = arith.addi %mul3A_2, %add3A_36 : i32
    %dma_start3A_38 = arith.constant 0 : i32
    %dma_start3A_39 = tpu.memref_slice %arg4[%add3A_37, %dma_start3A_38] : memref<32768x384xf32, #tpu.memory_space<hbm>> -> memref<128x384xf32, #tpu.memory_space<hbm>>
    %dma_start3A_40 = arith.constant 0 : i32
    %dma_start3A_41 = tpu.memref_slice %arg4[%add3A_37, %dma_start3A_40] : memref<32768x384xf32, #tpu.memory_space<hbm>> -> memref<128x384xf32, #tpu.memory_space<hbm>>
    tpu.enqueue_dma source(%arg7 : memref<128x384xf32, #tpu.memory_space<vmem>>) target(%dma_start3A_41 : memref<128x384xf32, #tpu.memory_space<hbm>>) target_semaphore(%arg11 : memref<!tpu.dma_semaphore, #tpu.memory_space<semaphore_mem>>)
    %dma_wait3A_42 = arith.constant 0 : i32
    %dma_wait3A_43 = tpu.memref_slice %arg4[%add3A_37, %dma_wait3A_42] : memref<32768x384xf32, #tpu.memory_space<hbm>> -> memref<128x384xf32, #tpu.memory_space<hbm>>
    %dma_wait3A_44 = arith.constant 0 : i32
    %dma_wait3A_45 = tpu.memref_slice %arg4[%add3A_37, %dma_wait3A_44] : memref<32768x384xf32, #tpu.memory_space<hbm>> -> memref<128x384xf32, #tpu.memory_space<hbm>>
    tpu.wait_dma2 semaphore(%arg11 : memref<!tpu.dma_semaphore, #tpu.memory_space<semaphore_mem>>) src(%arg7 : memref<128x384xf32, #tpu.memory_space<vmem>>) dst(%dma_wait3A_45 : memref<128x384xf32, #tpu.memory_space<hbm>>)
    %dma_start3A_46 = arith.constant 384 : i32
    %dma_start3A_47 = tpu.memref_slice %arg5[%dma_start3A_46] : memref<1024xi32, #tpu.memory_space<vmem>> -> memref<128xi32, #tpu.memory_space<vmem>>
    %dma_start3A_48 = arith.constant 0 : i32
    %dma_start3A_49 = arith.constant 0 : i32
    %dma_start3A_50 = tpu.memref_slice %arg2[%dma_start3A_48, %dma_start3A_49] : memref<2048x384xf32, #tpu.memory_space<hbm>> -> memref<2048x384xf32, #tpu.memory_space<hbm>>
    tpu.enqueue_indirect_dma source(%dma_start3A_50 : memref<2048x384xf32, #tpu.memory_space<hbm>>) target(%arg7 : memref<128x384xf32, #tpu.memory_space<vmem>>) offsets(%dma_start3A_47 : memref<128xi32, #tpu.memory_space<vmem>>) semaphore(%arg9 : memref<!tpu.dma_semaphore, #tpu.memory_space<semaphore_mem>>)
    %dma_wait3A_51 = arith.constant 256 : i32
    %dma_wait3A_52 = tpu.memref_slice %arg5[%dma_wait3A_51] : memref<1024xi32, #tpu.memory_space<vmem>> -> memref<128xi32, #tpu.memory_space<vmem>>
    %dma_wait3A_53 = arith.constant 0 : i32
    %dma_wait3A_54 = arith.constant 0 : i32
    %dma_wait3A_55 = tpu.memref_slice %arg2[%dma_wait3A_53, %dma_wait3A_54] : memref<2048x384xf32, #tpu.memory_space<hbm>> -> memref<2048x384xf32, #tpu.memory_space<hbm>>
    tpu.wait_indirect_dma semaphore(%arg8 : memref<!tpu.dma_semaphore, #tpu.memory_space<semaphore_mem>>) src(%dma_wait3A_55 : memref<2048x384xf32, #tpu.memory_space<hbm>>) dst(%arg6 : memref<128x384xf32, #tpu.memory_space<vmem>>)
    %add3A_56 = arith.constant 256 : i32
    %add3A_57 = arith.addi %mul3A_2, %add3A_56 : i32
    %dma_start3A_58 = arith.constant 0 : i32
    %dma_start3A_59 = tpu.memref_slice %arg4[%add3A_57, %dma_start3A_58] : memref<32768x384xf32, #tpu.memory_space<hbm>> -> memref<128x384xf32, #tpu.memory_space<hbm>>
    %dma_start3A_60 = arith.constant 0 : i32
    %dma_start3A_61 = tpu.memref_slice %arg4[%add3A_57, %dma_start3A_60] : memref<32768x384xf32, #tpu.memory_space<hbm>> -> memref<128x384xf32, #tpu.memory_space<hbm>>
    tpu.enqueue_dma source(%arg6 : memref<128x384xf32, #tpu.memory_space<vmem>>) target(%dma_start3A_61 : memref<128x384xf32, #tpu.memory_space<hbm>>) target_semaphore(%arg10 : memref<!tpu.dma_semaphore, #tpu.memory_space<semaphore_mem>>)
    %dma_wait3A_62 = arith.constant 0 : i32
    %dma_wait3A_63 = tpu.memref_slice %arg4[%add3A_57, %dma_wait3A_62] : memref<32768x384xf32, #tpu.memory_space<hbm>> -> memref<128x384xf32, #tpu.memory_space<hbm>>
    %dma_wait3A_64 = arith.constant 0 : i32
    %dma_wait3A_65 = tpu.memref_slice %arg4[%add3A_57, %dma_wait3A_64] : memref<32768x384xf32, #tpu.memory_space<hbm>> -> memref<128x384xf32, #tpu.memory_space<hbm>>
    tpu.wait_dma2 semaphore(%arg10 : memref<!tpu.dma_semaphore, #tpu.memory_space<semaphore_mem>>) src(%arg6 : memref<128x384xf32, #tpu.memory_space<vmem>>) dst(%dma_wait3A_65 : memref<128x384xf32, #tpu.memory_space<hbm>>)
    %dma_start3A_66 = arith.constant 512 : i32
    %dma_start3A_67 = tpu.memref_slice %arg5[%dma_start3A_66] : memref<1024xi32, #tpu.memory_space<vmem>> -> memref<128xi32, #tpu.memory_space<vmem>>
    %dma_start3A_68 = arith.constant 0 : i32
    %dma_start3A_69 = arith.constant 0 : i32
    %dma_start3A_70 = tpu.memref_slice %arg2[%dma_start3A_68, %dma_start3A_69] : memref<2048x384xf32, #tpu.memory_space<hbm>> -> memref<2048x384xf32, #tpu.memory_space<hbm>>
    tpu.enqueue_indirect_dma source(%dma_start3A_70 : memref<2048x384xf32, #tpu.memory_space<hbm>>) target(%arg6 : memref<128x384xf32, #tpu.memory_space<vmem>>) offsets(%dma_start3A_67 : memref<128xi32, #tpu.memory_space<vmem>>) semaphore(%arg8 : memref<!tpu.dma_semaphore, #tpu.memory_space<semaphore_mem>>)
    %dma_wait3A_71 = arith.constant 384 : i32
    %dma_wait3A_72 = tpu.memref_slice %arg5[%dma_wait3A_71] : memref<1024xi32, #tpu.memory_space<vmem>> -> memref<128xi32, #tpu.memory_space<vmem>>
    %dma_wait3A_73 = arith.constant 0 : i32
    %dma_wait3A_74 = arith.constant 0 : i32
    %dma_wait3A_75 = tpu.memref_slice %arg2[%dma_wait3A_73, %dma_wait3A_74] : memref<2048x384xf32, #tpu.memory_space<hbm>> -> memref<2048x384xf32, #tpu.memory_space<hbm>>
    tpu.wait_indirect_dma semaphore(%arg9 : memref<!tpu.dma_semaphore, #tpu.memory_space<semaphore_mem>>) src(%dma_wait3A_75 : memref<2048x384xf32, #tpu.memory_space<hbm>>) dst(%arg7 : memref<128x384xf32, #tpu.memory_space<vmem>>)
    %add3A_76 = arith.constant 384 : i32
    %add3A_77 = arith.addi %mul3A_2, %add3A_76 : i32
    %dma_start3A_78 = arith.constant 0 : i32
    %dma_start3A_79 = tpu.memref_slice %arg4[%add3A_77, %dma_start3A_78] : memref<32768x384xf32, #tpu.memory_space<hbm>> -> memref<128x384xf32, #tpu.memory_space<hbm>>
    %dma_start3A_80 = arith.constant 0 : i32
    %dma_start3A_81 = tpu.memref_slice %arg4[%add3A_77, %dma_start3A_80] : memref<32768x384xf32, #tpu.memory_space<hbm>> -> memref<128x384xf32, #tpu.memory_space<hbm>>
    tpu.enqueue_dma source(%arg7 : memref<128x384xf32, #tpu.memory_space<vmem>>) target(%dma_start3A_81 : memref<128x384xf32, #tpu.memory_space<hbm>>) target_semaphore(%arg11 : memref<!tpu.dma_semaphore, #tpu.memory_space<semaphore_mem>>)
    %dma_wait3A_82 = arith.constant 0 : i32
    %dma_wait3A_83 = tpu.memref_slice %arg4[%add3A_77, %dma_wait3A_82] : memref<32768x384xf32, #tpu.memory_space<hbm>> -> memref<128x384xf32, #tpu.memory_space<hbm>>
    %dma_wait3A_84 = arith.constant 0 : i32
    %dma_wait3A_85 = tpu.memref_slice %arg4[%add3A_77, %dma_wait3A_84] : memref<32768x384xf32, #tpu.memory_space<hbm>> -> memref<128x384xf32, #tpu.memory_space<hbm>>
    tpu.wait_dma2 semaphore(%arg11 : memref<!tpu.dma_semaphore, #tpu.memory_space<semaphore_mem>>) src(%arg7 : memref<128x384xf32, #tpu.memory_space<vmem>>) dst(%dma_wait3A_85 : memref<128x384xf32, #tpu.memory_space<hbm>>)
    %dma_start3A_86 = arith.constant 640 : i32
    %dma_start3A_87 = tpu.memref_slice %arg5[%dma_start3A_86] : memref<1024xi32, #tpu.memory_space<vmem>> -> memref<128xi32, #tpu.memory_space<vmem>>
    %dma_start3A_88 = arith.constant 0 : i32
    %dma_start3A_89 = arith.constant 0 : i32
    %dma_start3A_90 = tpu.memref_slice %arg2[%dma_start3A_88, %dma_start3A_89] : memref<2048x384xf32, #tpu.memory_space<hbm>> -> memref<2048x384xf32, #tpu.memory_space<hbm>>
    tpu.enqueue_indirect_dma source(%dma_start3A_90 : memref<2048x384xf32, #tpu.memory_space<hbm>>) target(%arg7 : memref<128x384xf32, #tpu.memory_space<vmem>>) offsets(%dma_start3A_87 : memref<128xi32, #tpu.memory_space<vmem>>) semaphore(%arg9 : memref<!tpu.dma_semaphore, #tpu.memory_space<semaphore_mem>>)
    %dma_wait3A_91 = arith.constant 512 : i32
    %dma_wait3A_92 = tpu.memref_slice %arg5[%dma_wait3A_91] : memref<1024xi32, #tpu.memory_space<vmem>> -> memref<128xi32, #tpu.memory_space<vmem>>
    %dma_wait3A_93 = arith.constant 0 : i32
    %dma_wait3A_94 = arith.constant 0 : i32
    %dma_wait3A_95 = tpu.memref_slice %arg2[%dma_wait3A_93, %dma_wait3A_94] : memref<2048x384xf32, #tpu.memory_space<hbm>> -> memref<2048x384xf32, #tpu.memory_space<hbm>>
    tpu.wait_indirect_dma semaphore(%arg8 : memref<!tpu.dma_semaphore, #tpu.memory_space<semaphore_mem>>) src(%dma_wait3A_95 : memref<2048x384xf32, #tpu.memory_space<hbm>>) dst(%arg6 : memref<128x384xf32, #tpu.memory_space<vmem>>)
    %add3A_96 = arith.constant 512 : i32
    %add3A_97 = arith.addi %mul3A_2, %add3A_96 : i32
    %dma_start3A_98 = arith.constant 0 : i32
    %dma_start3A_99 = tpu.memref_slice %arg4[%add3A_97, %dma_start3A_98] : memref<32768x384xf32, #tpu.memory_space<hbm>> -> memref<128x384xf32, #tpu.memory_space<hbm>>
    %dma_start3A_100 = arith.constant 0 : i32
    %dma_start3A_101 = tpu.memref_slice %arg4[%add3A_97, %dma_start3A_100] : memref<32768x384xf32, #tpu.memory_space<hbm>> -> memref<128x384xf32, #tpu.memory_space<hbm>>
    tpu.enqueue_dma source(%arg6 : memref<128x384xf32, #tpu.memory_space<vmem>>) target(%dma_start3A_101 : memref<128x384xf32, #tpu.memory_space<hbm>>) target_semaphore(%arg10 : memref<!tpu.dma_semaphore, #tpu.memory_space<semaphore_mem>>)
    %dma_wait3A_102 = arith.constant 0 : i32
    %dma_wait3A_103 = tpu.memref_slice %arg4[%add3A_97, %dma_wait3A_102] : memref<32768x384xf32, #tpu.memory_space<hbm>> -> memref<128x384xf32, #tpu.memory_space<hbm>>
    %dma_wait3A_104 = arith.constant 0 : i32
    %dma_wait3A_105 = tpu.memref_slice %arg4[%add3A_97, %dma_wait3A_104] : memref<32768x384xf32, #tpu.memory_space<hbm>> -> memref<128x384xf32, #tpu.memory_space<hbm>>
    tpu.wait_dma2 semaphore(%arg10 : memref<!tpu.dma_semaphore, #tpu.memory_space<semaphore_mem>>) src(%arg6 : memref<128x384xf32, #tpu.memory_space<vmem>>) dst(%dma_wait3A_105 : memref<128x384xf32, #tpu.memory_space<hbm>>)
    %dma_start3A_106 = arith.constant 768 : i32
    %dma_start3A_107 = tpu.memref_slice %arg5[%dma_start3A_106] : memref<1024xi32, #tpu.memory_space<vmem>> -> memref<128xi32, #tpu.memory_space<vmem>>
    %dma_start3A_108 = arith.constant 0 : i32
    %dma_start3A_109 = arith.constant 0 : i32
    %dma_start3A_110 = tpu.memref_slice %arg2[%dma_start3A_108, %dma_start3A_109] : memref<2048x384xf32, #tpu.memory_space<hbm>> -> memref<2048x384xf32, #tpu.memory_space<hbm>>
    tpu.enqueue_indirect_dma source(%dma_start3A_110 : memref<2048x384xf32, #tpu.memory_space<hbm>>) target(%arg6 : memref<128x384xf32, #tpu.memory_space<vmem>>) offsets(%dma_start3A_107 : memref<128xi32, #tpu.memory_space<vmem>>) semaphore(%arg8 : memref<!tpu.dma_semaphore, #tpu.memory_space<semaphore_mem>>)
    %dma_wait3A_111 = arith.constant 640 : i32
    %dma_wait3A_112 = tpu.memref_slice %arg5[%dma_wait3A_111] : memref<1024xi32, #tpu.memory_space<vmem>> -> memref<128xi32, #tpu.memory_space<vmem>>
    %dma_wait3A_113 = arith.constant 0 : i32
    %dma_wait3A_114 = arith.constant 0 : i32
    %dma_wait3A_115 = tpu.memref_slice %arg2[%dma_wait3A_113, %dma_wait3A_114] : memref<2048x384xf32, #tpu.memory_space<hbm>> -> memref<2048x384xf32, #tpu.memory_space<hbm>>
    tpu.wait_indirect_dma semaphore(%arg9 : memref<!tpu.dma_semaphore, #tpu.memory_space<semaphore_mem>>) src(%dma_wait3A_115 : memref<2048x384xf32, #tpu.memory_space<hbm>>) dst(%arg7 : memref<128x384xf32, #tpu.memory_space<vmem>>)
    %add3A_116 = arith.constant 640 : i32
    %add3A_117 = arith.addi %mul3A_2, %add3A_116 : i32
    %dma_start3A_118 = arith.constant 0 : i32
    %dma_start3A_119 = tpu.memref_slice %arg4[%add3A_117, %dma_start3A_118] : memref<32768x384xf32, #tpu.memory_space<hbm>> -> memref<128x384xf32, #tpu.memory_space<hbm>>
    %dma_start3A_120 = arith.constant 0 : i32
    %dma_start3A_121 = tpu.memref_slice %arg4[%add3A_117, %dma_start3A_120] : memref<32768x384xf32, #tpu.memory_space<hbm>> -> memref<128x384xf32, #tpu.memory_space<hbm>>
    tpu.enqueue_dma source(%arg7 : memref<128x384xf32, #tpu.memory_space<vmem>>) target(%dma_start3A_121 : memref<128x384xf32, #tpu.memory_space<hbm>>) target_semaphore(%arg11 : memref<!tpu.dma_semaphore, #tpu.memory_space<semaphore_mem>>)
    %dma_wait3A_122 = arith.constant 0 : i32
    %dma_wait3A_123 = tpu.memref_slice %arg4[%add3A_117, %dma_wait3A_122] : memref<32768x384xf32, #tpu.memory_space<hbm>> -> memref<128x384xf32, #tpu.memory_space<hbm>>
    %dma_wait3A_124 = arith.constant 0 : i32
    %dma_wait3A_125 = tpu.memref_slice %arg4[%add3A_117, %dma_wait3A_124] : memref<32768x384xf32, #tpu.memory_space<hbm>> -> memref<128x384xf32, #tpu.memory_space<hbm>>
    tpu.wait_dma2 semaphore(%arg11 : memref<!tpu.dma_semaphore, #tpu.memory_space<semaphore_mem>>) src(%arg7 : memref<128x384xf32, #tpu.memory_space<vmem>>) dst(%dma_wait3A_125 : memref<128x384xf32, #tpu.memory_space<hbm>>)
    %dma_start3A_126 = arith.constant 896 : i32
    %dma_start3A_127 = tpu.memref_slice %arg5[%dma_start3A_126] : memref<1024xi32, #tpu.memory_space<vmem>> -> memref<128xi32, #tpu.memory_space<vmem>>
    %dma_start3A_128 = arith.constant 0 : i32
    %dma_start3A_129 = arith.constant 0 : i32
    %dma_start3A_130 = tpu.memref_slice %arg2[%dma_start3A_128, %dma_start3A_129] : memref<2048x384xf32, #tpu.memory_space<hbm>> -> memref<2048x384xf32, #tpu.memory_space<hbm>>
    tpu.enqueue_indirect_dma source(%dma_start3A_130 : memref<2048x384xf32, #tpu.memory_space<hbm>>) target(%arg7 : memref<128x384xf32, #tpu.memory_space<vmem>>) offsets(%dma_start3A_127 : memref<128xi32, #tpu.memory_space<vmem>>) semaphore(%arg9 : memref<!tpu.dma_semaphore, #tpu.memory_space<semaphore_mem>>)
    %dma_wait3A_131 = arith.constant 768 : i32
    %dma_wait3A_132 = tpu.memref_slice %arg5[%dma_wait3A_131] : memref<1024xi32, #tpu.memory_space<vmem>> -> memref<128xi32, #tpu.memory_space<vmem>>
    %dma_wait3A_133 = arith.constant 0 : i32
    %dma_wait3A_134 = arith.constant 0 : i32
    %dma_wait3A_135 = tpu.memref_slice %arg2[%dma_wait3A_133, %dma_wait3A_134] : memref<2048x384xf32, #tpu.memory_space<hbm>> -> memref<2048x384xf32, #tpu.memory_space<hbm>>
    tpu.wait_indirect_dma semaphore(%arg8 : memref<!tpu.dma_semaphore, #tpu.memory_space<semaphore_mem>>) src(%dma_wait3A_135 : memref<2048x384xf32, #tpu.memory_space<hbm>>) dst(%arg6 : memref<128x384xf32, #tpu.memory_space<vmem>>)
    %add3A_136 = arith.constant 768 : i32
    %add3A_137 = arith.addi %mul3A_2, %add3A_136 : i32
    %dma_start3A_138 = arith.constant 0 : i32
    %dma_start3A_139 = tpu.memref_slice %arg4[%add3A_137, %dma_start3A_138] : memref<32768x384xf32, #tpu.memory_space<hbm>> -> memref<128x384xf32, #tpu.memory_space<hbm>>
    %dma_start3A_140 = arith.constant 0 : i32
    %dma_start3A_141 = tpu.memref_slice %arg4[%add3A_137, %dma_start3A_140] : memref<32768x384xf32, #tpu.memory_space<hbm>> -> memref<128x384xf32, #tpu.memory_space<hbm>>
    tpu.enqueue_dma source(%arg6 : memref<128x384xf32, #tpu.memory_space<vmem>>) target(%dma_start3A_141 : memref<128x384xf32, #tpu.memory_space<hbm>>) target_semaphore(%arg10 : memref<!tpu.dma_semaphore, #tpu.memory_space<semaphore_mem>>)
    %dma_wait3A_142 = arith.constant 896 : i32
    %dma_wait3A_143 = tpu.memref_slice %arg5[%dma_wait3A_142] : memref<1024xi32, #tpu.memory_space<vmem>> -> memref<128xi32, #tpu.memory_space<vmem>>
    %dma_wait3A_144 = arith.constant 0 : i32
    %dma_wait3A_145 = arith.constant 0 : i32
    %dma_wait3A_146 = tpu.memref_slice %arg2[%dma_wait3A_144, %dma_wait3A_145] : memref<2048x384xf32, #tpu.memory_space<hbm>> -> memref<2048x384xf32, #tpu.memory_space<hbm>>
    tpu.wait_indirect_dma semaphore(%arg9 : memref<!tpu.dma_semaphore, #tpu.memory_space<semaphore_mem>>) src(%dma_wait3A_146 : memref<2048x384xf32, #tpu.memory_space<hbm>>) dst(%arg7 : memref<128x384xf32, #tpu.memory_space<vmem>>)
    %add3A_147 = arith.constant 896 : i32
    %add3A_148 = arith.addi %mul3A_2, %add3A_147 : i32
    %dma_start3A_149 = arith.constant 0 : i32
    %dma_start3A_150 = tpu.memref_slice %arg4[%add3A_148, %dma_start3A_149] : memref<32768x384xf32, #tpu.memory_space<hbm>> -> memref<128x384xf32, #tpu.memory_space<hbm>>
    %dma_start3A_151 = arith.constant 0 : i32
    %dma_start3A_152 = tpu.memref_slice %arg4[%add3A_148, %dma_start3A_151] : memref<32768x384xf32, #tpu.memory_space<hbm>> -> memref<128x384xf32, #tpu.memory_space<hbm>>
    tpu.enqueue_dma source(%arg7 : memref<128x384xf32, #tpu.memory_space<vmem>>) target(%dma_start3A_152 : memref<128x384xf32, #tpu.memory_space<hbm>>) target_semaphore(%arg11 : memref<!tpu.dma_semaphore, #tpu.memory_space<semaphore_mem>>)
    %dma_wait3A_153 = arith.constant 0 : i32
    %dma_wait3A_154 = tpu.memref_slice %arg4[%add3A_137, %dma_wait3A_153] : memref<32768x384xf32, #tpu.memory_space<hbm>> -> memref<128x384xf32, #tpu.memory_space<hbm>>
    %dma_wait3A_155 = arith.constant 0 : i32
    %dma_wait3A_156 = tpu.memref_slice %arg4[%add3A_137, %dma_wait3A_155] : memref<32768x384xf32, #tpu.memory_space<hbm>> -> memref<128x384xf32, #tpu.memory_space<hbm>>
    tpu.wait_dma2 semaphore(%arg10 : memref<!tpu.dma_semaphore, #tpu.memory_space<semaphore_mem>>) src(%arg6 : memref<128x384xf32, #tpu.memory_space<vmem>>) dst(%dma_wait3A_156 : memref<128x384xf32, #tpu.memory_space<hbm>>)
    %dma_wait3A_157 = arith.constant 0 : i32
    %dma_wait3A_158 = tpu.memref_slice %arg4[%add3A_148, %dma_wait3A_157] : memref<32768x384xf32, #tpu.memory_space<hbm>> -> memref<128x384xf32, #tpu.memory_space<hbm>>
    %dma_wait3A_159 = arith.constant 0 : i32
    %dma_wait3A_160 = tpu.memref_slice %arg4[%add3A_148, %dma_wait3A_159] : memref<32768x384xf32, #tpu.memory_space<hbm>> -> memref<128x384xf32, #tpu.memory_space<hbm>>
    tpu.wait_dma2 semaphore(%arg11 : memref<!tpu.dma_semaphore, #tpu.memory_space<semaphore_mem>>) src(%arg7 : memref<128x384xf32, #tpu.memory_space<vmem>>) dst(%dma_wait3A_160 : memref<128x384xf32, #tpu.memory_space<hbm>>)
    return
  }
}

module attributes {stable_mosaic.version = 14 : i64} {
  func.func @_proj_body(%arg0: i32, %arg1: memref<1x1024x128xf32, #tpu.memory_space<vmem>>, %arg2: memref<1x1024x16xf32, #tpu.memory_space<vmem>>, %arg3: memref<128x256xf32, #tpu.memory_space<vmem>>, %arg4: memref<1x256xf32, #tpu.memory_space<vmem>>, %arg5: memref<256x256xf32, #tpu.memory_space<vmem>>, %arg6: memref<1x256xf32, #tpu.memory_space<vmem>>, %arg7: memref<256x256xf32, #tpu.memory_space<vmem>>, %arg8: memref<1x256xf32, #tpu.memory_space<vmem>>, %arg9: memref<256x256xf32, #tpu.memory_space<vmem>>, %arg10: memref<1x256xf32, #tpu.memory_space<vmem>>, %arg11: memref<1x1024x256xf32, #tpu.memory_space<vmem>>, %arg12: memref<1x1024x256xf32, #tpu.memory_space<vmem>>, %arg13: memref<1x1024x384xf32, #tpu.memory_space<vmem>>, %arg14: memref<1x1024x16xi32, #tpu.memory_space<vmem>>) attributes {dimension_semantics = [#tpu.dimension_semantics<arbitrary>], iteration_bounds = array<i64: 2>, scalar_prefetch = 0 : i64, scratch_operands = 0 : i64, tpu.core_type = #tpu.core_type<tc>, window_params = [{transform_indices = @transform_0, window_bounds = array<i64: 1, 1024, 128>}, {transform_indices = @transform_1, window_bounds = array<i64: 1, 1024, 16>}, {pipeline_mode = #tpu.pipeline_mode<synchronous>, transform_indices = @transform_2, window_bounds = array<i64: 128, 256>}, {pipeline_mode = #tpu.pipeline_mode<synchronous>, transform_indices = @transform_3, window_bounds = array<i64: 1, 256>}, {pipeline_mode = #tpu.pipeline_mode<synchronous>, transform_indices = @transform_4, window_bounds = array<i64: 256, 256>}, {pipeline_mode = #tpu.pipeline_mode<synchronous>, transform_indices = @transform_5, window_bounds = array<i64: 1, 256>}, {pipeline_mode = #tpu.pipeline_mode<synchronous>, transform_indices = @transform_6, window_bounds = array<i64: 256, 256>}, {pipeline_mode = #tpu.pipeline_mode<synchronous>, transform_indices = @transform_7, window_bounds = array<i64: 1, 256>}, {pipeline_mode = #tpu.pipeline_mode<synchronous>, transform_indices = @transform_8, window_bounds = array<i64: 256, 256>}, {pipeline_mode = #tpu.pipeline_mode<synchronous>, transform_indices = @transform_9, window_bounds = array<i64: 1, 256>}, {transform_indices = @transform_10, window_bounds = array<i64: 1, 1024, 256>}, {transform_indices = @transform_11, window_bounds = array<i64: 1, 1024, 256>}, {transform_indices = @transform_12, window_bounds = array<i64: 1, 1024, 384>}, {transform_indices = @transform_13, window_bounds = array<i64: 1, 1024, 16>}]} {
    %get3A = arith.constant 0 : index
    %get3A_0 = arith.constant 0 : index
    %get3A_1 = arith.constant 0 : index
    %get3A_2 = vector.load %arg1[%get3A, %get3A_0, %get3A_1] : memref<1x1024x128xf32, #tpu.memory_space<vmem>>, vector<1x1024x128xf32>
    %get3A_3 = vector.shape_cast %get3A_2 : vector<1x1024x128xf32> to vector<1024x128xf32>
    %get3A_4 = arith.constant 0 : index
    %get3A_5 = arith.constant 0 : index
    %get3A_6 = arith.constant 0 : index
    %get3A_7 = vector.load %arg2[%get3A_4, %get3A_5, %get3A_6] : memref<1x1024x16xf32, #tpu.memory_space<vmem>>, vector<1x1024x16xf32>
    %get3A_8 = vector.shape_cast %get3A_7 : vector<1x1024x16xf32> to vector<1024x16xf32>
    %get3A_9 = arith.constant 0 : index
    %get3A_10 = arith.constant 0 : index
    %get3A_11 = vector.load %arg3[%get3A_9, %get3A_10] : memref<128x256xf32, #tpu.memory_space<vmem>>, vector<128x256xf32>
    %convert_element_type3A = arith.truncf %get3A_3 : vector<1024x128xf32> to vector<1024x128xbf16>
    %convert_element_type3A_12 = arith.truncf %get3A_11 : vector<128x256xf32> to vector<128x256xbf16>
    %dot_general3A = arith.constant dense<0.000000e+00> : vector<1024x256xf32>
    %dot_general3A_13 = tpu.matmul %convert_element_type3A, %convert_element_type3A_12, %dot_general3A {dimension_numbers = #tpu.dot_dimension_numbers<[1], [0], [0], [1], [0, 0, 1, 1], [], []>, transpose_lhs_hint = false} : vector<1024x128xbf16>, vector<128x256xbf16>, vector<1024x256xf32> -> vector<1024x256xf32>
    %get3A_14 = arith.constant 0 : index
    %get3A_15 = arith.constant 0 : index
    %get3A_16 = vector.load %arg4[%get3A_14, %get3A_15] : memref<1x256xf32, #tpu.memory_space<vmem>>, vector<1x256xf32>
    %add3A = vector.broadcast %get3A_16 : vector<1x256xf32> to vector<1024x256xf32>
    %add3A_17 = arith.addf %dot_general3A_13, %add3A : vector<1024x256xf32>
    %get3A_18 = arith.constant 0 : index
    %get3A_19 = arith.constant 0 : index
    %get3A_20 = vector.load %arg7[%get3A_18, %get3A_19] : memref<256x256xf32, #tpu.memory_space<vmem>>, vector<256x256xf32>
    %convert_element_type3A_21 = arith.truncf %add3A_17 : vector<1024x256xf32> to vector<1024x256xbf16>
    %convert_element_type3A_22 = arith.truncf %get3A_20 : vector<256x256xf32> to vector<256x256xbf16>
    %dot_general3A_23 = arith.constant dense<0.000000e+00> : vector<1024x256xf32>
    %dot_general3A_24 = tpu.matmul %convert_element_type3A_21, %convert_element_type3A_22, %dot_general3A_23 {dimension_numbers = #tpu.dot_dimension_numbers<[1], [0], [0], [1], [0, 0, 1, 1], [], []>, transpose_lhs_hint = false} : vector<1024x256xbf16>, vector<256x256xbf16>, vector<1024x256xf32> -> vector<1024x256xf32>
    %get3A_25 = arith.constant 0 : index
    %get3A_26 = arith.constant 0 : index
    %get3A_27 = vector.load %arg8[%get3A_25, %get3A_26] : memref<1x256xf32, #tpu.memory_space<vmem>>, vector<1x256xf32>
    %add3A_28 = vector.broadcast %get3A_27 : vector<1x256xf32> to vector<1024x256xf32>
    %add3A_29 = arith.addf %dot_general3A_24, %add3A_28 : vector<1024x256xf32>
    %swap3A = arith.constant 0 : index
    %swap3A_30 = arith.constant 0 : index
    %swap3A_31 = arith.constant 0 : index
    %swap3A_32 = vector.load %arg11[%swap3A, %swap3A_30, %swap3A_31] : memref<1x1024x256xf32, #tpu.memory_space<vmem>>, vector<1x1024x256xf32>
    %swap3A_33 = vector.shape_cast %swap3A_32 : vector<1x1024x256xf32> to vector<1024x256xf32>
    %swap3A_34 = vector.shape_cast %add3A_29 : vector<1024x256xf32> to vector<1x1024x256xf32>
    tpu.vector_store %arg11[%swap3A, %swap3A_30, %swap3A_31], %swap3A_34 {strides = array<i32>} : memref<1x1024x256xf32, #tpu.memory_space<vmem>>, vector<1x1024x256xf32>,
    %get3A_35 = arith.constant 0 : index
    %get3A_36 = arith.constant 0 : index
    %get3A_37 = vector.load %arg9[%get3A_35, %get3A_36] : memref<256x256xf32, #tpu.memory_space<vmem>>, vector<256x256xf32>
    %convert_element_type3A_38 = arith.truncf %add3A_17 : vector<1024x256xf32> to vector<1024x256xbf16>
    %convert_element_type3A_39 = arith.truncf %get3A_37 : vector<256x256xf32> to vector<256x256xbf16>
    %dot_general3A_40 = arith.constant dense<0.000000e+00> : vector<1024x256xf32>
    %dot_general3A_41 = tpu.matmul %convert_element_type3A_38, %convert_element_type3A_39, %dot_general3A_40 {dimension_numbers = #tpu.dot_dimension_numbers<[1], [0], [0], [1], [0, 0, 1, 1], [], []>, transpose_lhs_hint = false} : vector<1024x256xbf16>, vector<256x256xbf16>, vector<1024x256xf32> -> vector<1024x256xf32>
    %get3A_42 = arith.constant 0 : index
    %get3A_43 = arith.constant 0 : index
    %get3A_44 = vector.load %arg10[%get3A_42, %get3A_43] : memref<1x256xf32, #tpu.memory_space<vmem>>, vector<1x256xf32>
    %add3A_45 = vector.broadcast %get3A_44 : vector<1x256xf32> to vector<1024x256xf32>
    %add3A_46 = arith.addf %dot_general3A_41, %add3A_45 : vector<1024x256xf32>
    %swap3A_47 = arith.constant 0 : index
    %swap3A_48 = arith.constant 0 : index
    %swap3A_49 = arith.constant 0 : index
    %swap3A_50 = vector.load %arg12[%swap3A_47, %swap3A_48, %swap3A_49] : memref<1x1024x256xf32, #tpu.memory_space<vmem>>, vector<1x1024x256xf32>
    %swap3A_51 = vector.shape_cast %swap3A_50 : vector<1x1024x256xf32> to vector<1024x256xf32>
    %swap3A_52 = vector.shape_cast %add3A_46 : vector<1024x256xf32> to vector<1x1024x256xf32>
    tpu.vector_store %arg12[%swap3A_47, %swap3A_48, %swap3A_49], %swap3A_52 {strides = array<i32>} : memref<1x1024x256xf32, #tpu.memory_space<vmem>>, vector<1x1024x256xf32>,
    %get3A_53 = arith.constant 0 : index
    %get3A_54 = arith.constant 0 : index
    %get3A_55 = vector.load %arg5[%get3A_53, %get3A_54] : memref<256x256xf32, #tpu.memory_space<vmem>>, vector<256x256xf32>
    %convert_element_type3A_56 = arith.truncf %add3A_17 : vector<1024x256xf32> to vector<1024x256xbf16>
    %convert_element_type3A_57 = arith.truncf %get3A_55 : vector<256x256xf32> to vector<256x256xbf16>
    %dot_general3A_58 = arith.constant dense<0.000000e+00> : vector<1024x256xf32>
    %dot_general3A_59 = tpu.matmul %convert_element_type3A_56, %convert_element_type3A_57, %dot_general3A_58 {dimension_numbers = #tpu.dot_dimension_numbers<[1], [0], [0], [1], [0, 0, 1, 1], [], []>, transpose_lhs_hint = false} : vector<1024x256xbf16>, vector<256x256xbf16>, vector<1024x256xf32> -> vector<1024x256xf32>
    %get3A_60 = arith.constant 0 : index
    %get3A_61 = arith.constant 0 : index
    %get3A_62 = vector.load %arg6[%get3A_60, %get3A_61] : memref<1x256xf32, #tpu.memory_space<vmem>>, vector<1x256xf32>
    %add3A_63 = vector.broadcast %get3A_62 : vector<1x256xf32> to vector<1024x256xf32>
    %add3A_64 = arith.addf %dot_general3A_59, %add3A_63 : vector<1024x256xf32>
    %broadcast_in_dim3A = arith.constant 0.000000e+00 : f32
    %broadcast_in_dim3A_65 = vector.broadcast %broadcast_in_dim3A : f32 to vector<1024x112xf32>
    %concatenate3A = tpu.concatenate %add3A_64, %get3A_8, %broadcast_in_dim3A_65 in 1 : vector<1024x256xf32>, vector<1024x16xf32>, vector<1024x112xf32> -> vector<1024x384xf32>
    %swap3A_66 = arith.constant 0 : index
    %swap3A_67 = arith.constant 0 : index
    %swap3A_68 = arith.constant 0 : index
    %swap3A_69 = vector.load %arg13[%swap3A_66, %swap3A_67, %swap3A_68] : memref<1x1024x384xf32, #tpu.memory_space<vmem>>, vector<1x1024x384xf32>
    %swap3A_70 = vector.shape_cast %swap3A_69 : vector<1x1024x384xf32> to vector<1024x384xf32>
    %swap3A_71 = vector.shape_cast %concatenate3A : vector<1024x384xf32> to vector<1x1024x384xf32>
    tpu.vector_store %arg13[%swap3A_66, %swap3A_67, %swap3A_68], %swap3A_71 {strides = array<i32>} : memref<1x1024x384xf32, #tpu.memory_space<vmem>>, vector<1x1024x384xf32>,
    %convert_element_type3A_72 = arith.truncf %get3A_8 : vector<1024x16xf32> to vector<1024x16xbf16>
    %dot_general3A_73 = arith.constant dense<0.000000e+00> : vector<1024x1024xf32>
    %dot_general3A_74 = tpu.matmul %convert_element_type3A_72, %convert_element_type3A_72, %dot_general3A_73 {dimension_numbers = #tpu.dot_dimension_numbers<[1], [1], [0], [0], [0, 0, 1, 0], [], []>, transpose_lhs_hint = false} : vector<1024x16xbf16>, vector<1024x16xbf16>, vector<1024x1024xf32> -> vector<1024x1024xf32>
    %mul3A = arith.mulf %get3A_8, %get3A_8 : vector<1024x16xf32>
    %reduce_sum3A = arith.constant dense<0.000000e+00> : vector<1024xf32>
    %reduce_sum3A_75 = vector.multi_reduction <add>, %mul3A, %reduce_sum3A [1] : vector<1024x16xf32> to vector<1024xf32>
    %mul3A_76 = arith.constant -2.000000e+00 : f32
    %mul3A_77 = vector.broadcast %mul3A_76 : f32 to vector<1024x1024xf32>
    %mul3A_78 = arith.mulf %mul3A_77, %dot_general3A_74 : vector<1024x1024xf32>
    %broadcast_in_dim3A_79 = vector.shape_cast %reduce_sum3A_75 : vector<1024xf32> to vector<1024x1xf32>
    %add3A_80 = vector.broadcast %broadcast_in_dim3A_79 : vector<1024x1xf32> to vector<1024x1024xf32>
    %add3A_81 = arith.addf %mul3A_78, %add3A_80 : vector<1024x1024xf32>
    %broadcast_in_dim3A_82 = vector.shape_cast %reduce_sum3A_75 : vector<1024xf32> to vector<1x1024xf32>
    %add3A_83 = vector.broadcast %broadcast_in_dim3A_82 : vector<1x1024xf32> to vector<1024x1024xf32>
    %add3A_84 = arith.addf %add3A_81, %add3A_83 : vector<1024x1024xf32>
    %iota3A = tpu.iota {dimensions = array<i32: 1>} : vector<1024x1024xi32>
    %reduce_min3A = arith.constant dense<0x7F800000> : vector<1024xf32>
    %reduce_min3A_85 = vector.multi_reduction <minimumf>, %add3A_84, %reduce_min3A [1] : vector<1024x1024xf32> to vector<1024xf32>
    %broadcast_in_dim3A_86 = vector.shape_cast %reduce_min3A_85 : vector<1024xf32> to vector<1024x1xf32>
    %eq3A = vector.broadcast %broadcast_in_dim3A_86 : vector<1024x1xf32> to vector<1024x1024xf32>
    %eq3A_87 = arith.cmpf oeq, %add3A_84, %eq3A : vector<1024x1024xf32>
    %jit3A = arith.constant 2048 : i32
    %broadcast_in_dim3A_88 = vector.broadcast %jit3A : i32 to vector<1024x1024xi32>
    %select_n3A = arith.select %eq3A_87, %iota3A, %broadcast_in_dim3A_88 : vector<1024x1024xi1>, vector<1024x1024xi32>
    %reduce_min3A_89 = arith.constant dense<2147483647> : vector<1024xi32>
    %reduce_min3A_90 = vector.multi_reduction <minsi>, %select_n3A, %reduce_min3A_89 [1] : vector<1024x1024xi32> to vector<1024xi32>
    %broadcast_in_dim3A_91 = vector.shape_cast %reduce_min3A_90 : vector<1024xi32> to vector<1024x1xi32>
    %eq3A_92 = vector.broadcast %broadcast_in_dim3A_91 : vector<1024x1xi32> to vector<1024x1024xi32>
    %eq3A_93 = arith.cmpi eq, %iota3A, %eq3A_92 : vector<1024x1024xi32>
    %jit3A_94 = arith.constant 0x7F800000 : f32
    %broadcast_in_dim3A_95 = vector.broadcast %jit3A_94 : f32 to vector<1024x1024xf32>
    %select_n3A_96 = arith.select %eq3A_93, %broadcast_in_dim3A_95, %add3A_84 : vector<1024x1024xi1>, vector<1024x1024xf32>
    %reduce_min3A_97 = arith.constant dense<0x7F800000> : vector<1024xf32>
    %reduce_min3A_98 = vector.multi_reduction <minimumf>, %select_n3A_96, %reduce_min3A_97 [1] : vector<1024x1024xf32> to vector<1024xf32>
    %broadcast_in_dim3A_99 = vector.shape_cast %reduce_min3A_98 : vector<1024xf32> to vector<1024x1xf32>
    %eq3A_100 = vector.broadcast %broadcast_in_dim3A_99 : vector<1024x1xf32> to vector<1024x1024xf32>
    %eq3A_101 = arith.cmpf oeq, %select_n3A_96, %eq3A_100 : vector<1024x1024xf32>
    %jit3A_102 = arith.constant 2048 : i32
    %broadcast_in_dim3A_103 = vector.broadcast %jit3A_102 : i32 to vector<1024x1024xi32>
    %select_n3A_104 = arith.select %eq3A_101, %iota3A, %broadcast_in_dim3A_103 : vector<1024x1024xi1>, vector<1024x1024xi32>
    %reduce_min3A_105 = arith.constant dense<2147483647> : vector<1024xi32>
    %reduce_min3A_106 = vector.multi_reduction <minsi>, %select_n3A_104, %reduce_min3A_105 [1] : vector<1024x1024xi32> to vector<1024xi32>
    %broadcast_in_dim3A_107 = vector.shape_cast %reduce_min3A_106 : vector<1024xi32> to vector<1024x1xi32>
    %eq3A_108 = vector.broadcast %broadcast_in_dim3A_107 : vector<1024x1xi32> to vector<1024x1024xi32>
    %eq3A_109 = arith.cmpi eq, %iota3A, %eq3A_108 : vector<1024x1024xi32>
    %jit3A_110 = arith.constant 0x7F800000 : f32
    %broadcast_in_dim3A_111 = vector.broadcast %jit3A_110 : f32 to vector<1024x1024xf32>
    %select_n3A_112 = arith.select %eq3A_109, %broadcast_in_dim3A_111, %select_n3A_96 : vector<1024x1024xi1>, vector<1024x1024xf32>
    %reduce_min3A_113 = arith.constant dense<0x7F800000> : vector<1024xf32>
    %reduce_min3A_114 = vector.multi_reduction <minimumf>, %select_n3A_112, %reduce_min3A_113 [1] : vector<1024x1024xf32> to vector<1024xf32>
    %broadcast_in_dim3A_115 = vector.shape_cast %reduce_min3A_114 : vector<1024xf32> to vector<1024x1xf32>
    %eq3A_116 = vector.broadcast %broadcast_in_dim3A_115 : vector<1024x1xf32> to vector<1024x1024xf32>
    %eq3A_117 = arith.cmpf oeq, %select_n3A_112, %eq3A_116 : vector<1024x1024xf32>
    %jit3A_118 = arith.constant 2048 : i32
    %broadcast_in_dim3A_119 = vector.broadcast %jit3A_118 : i32 to vector<1024x1024xi32>
    %select_n3A_120 = arith.select %eq3A_117, %iota3A, %broadcast_in_dim3A_119 : vector<1024x1024xi1>, vector<1024x1024xi32>
    %reduce_min3A_121 = arith.constant dense<2147483647> : vector<1024xi32>
    %reduce_min3A_122 = vector.multi_reduction <minsi>, %select_n3A_120, %reduce_min3A_121 [1] : vector<1024x1024xi32> to vector<1024xi32>
    %broadcast_in_dim3A_123 = vector.shape_cast %reduce_min3A_122 : vector<1024xi32> to vector<1024x1xi32>
    %eq3A_124 = vector.broadcast %broadcast_in_dim3A_123 : vector<1024x1xi32> to vector<1024x1024xi32>
    %eq3A_125 = arith.cmpi eq, %iota3A, %eq3A_124 : vector<1024x1024xi32>
    %jit3A_126 = arith.constant 0x7F800000 : f32
    %broadcast_in_dim3A_127 = vector.broadcast %jit3A_126 : f32 to vector<1024x1024xf32>
    %select_n3A_128 = arith.select %eq3A_125, %broadcast_in_dim3A_127, %select_n3A_112 : vector<1024x1024xi1>, vector<1024x1024xf32>
    %reduce_min3A_129 = arith.constant dense<0x7F800000> : vector<1024xf32>
    %reduce_min3A_130 = vector.multi_reduction <minimumf>, %select_n3A_128, %reduce_min3A_129 [1] : vector<1024x1024xf32> to vector<1024xf32>
    %broadcast_in_dim3A_131 = vector.shape_cast %reduce_min3A_130 : vector<1024xf32> to vector<1024x1xf32>
    %eq3A_132 = vector.broadcast %broadcast_in_dim3A_131 : vector<1024x1xf32> to vector<1024x1024xf32>
    %eq3A_133 = arith.cmpf oeq, %select_n3A_128, %eq3A_132 : vector<1024x1024xf32>
    %jit3A_134 = arith.constant 2048 : i32
    %broadcast_in_dim3A_135 = vector.broadcast %jit3A_134 : i32 to vector<1024x1024xi32>
    %select_n3A_136 = arith.select %eq3A_133, %iota3A, %broadcast_in_dim3A_135 : vector<1024x1024xi1>, vector<1024x1024xi32>
    %reduce_min3A_137 = arith.constant dense<2147483647> : vector<1024xi32>
    %reduce_min3A_138 = vector.multi_reduction <minsi>, %select_n3A_136, %reduce_min3A_137 [1] : vector<1024x1024xi32> to vector<1024xi32>
    %broadcast_in_dim3A_139 = vector.shape_cast %reduce_min3A_138 : vector<1024xi32> to vector<1024x1xi32>
    %eq3A_140 = vector.broadcast %broadcast_in_dim3A_139 : vector<1024x1xi32> to vector<1024x1024xi32>
    %eq3A_141 = arith.cmpi eq, %iota3A, %eq3A_140 : vector<1024x1024xi32>
    %jit3A_142 = arith.constant 0x7F800000 : f32
    %broadcast_in_dim3A_143 = vector.broadcast %jit3A_142 : f32 to vector<1024x1024xf32>
    %select_n3A_144 = arith.select %eq3A_141, %broadcast_in_dim3A_143, %select_n3A_128 : vector<1024x1024xi1>, vector<1024x1024xf32>
    %reduce_min3A_145 = arith.constant dense<0x7F800000> : vector<1024xf32>
    %reduce_min3A_146 = vector.multi_reduction <minimumf>, %select_n3A_144, %reduce_min3A_145 [1] : vector<1024x1024xf32> to vector<1024xf32>
    %broadcast_in_dim3A_147 = vector.shape_cast %reduce_min3A_146 : vector<1024xf32> to vector<1024x1xf32>
    %eq3A_148 = vector.broadcast %broadcast_in_dim3A_147 : vector<1024x1xf32> to vector<1024x1024xf32>
    %eq3A_149 = arith.cmpf oeq, %select_n3A_144, %eq3A_148 : vector<1024x1024xf32>
    %jit3A_150 = arith.constant 2048 : i32
    %broadcast_in_dim3A_151 = vector.broadcast %jit3A_150 : i32 to vector<1024x1024xi32>
    %select_n3A_152 = arith.select %eq3A_149, %iota3A, %broadcast_in_dim3A_151 : vector<1024x1024xi1>, vector<1024x1024xi32>
    %reduce_min3A_153 = arith.constant dense<2147483647> : vector<1024xi32>
    %reduce_min3A_154 = vector.multi_reduction <minsi>, %select_n3A_152, %reduce_min3A_153 [1] : vector<1024x1024xi32> to vector<1024xi32>
    %broadcast_in_dim3A_155 = vector.shape_cast %reduce_min3A_154 : vector<1024xi32> to vector<1024x1xi32>
    %eq3A_156 = vector.broadcast %broadcast_in_dim3A_155 : vector<1024x1xi32> to vector<1024x1024xi32>
    %eq3A_157 = arith.cmpi eq, %iota3A, %eq3A_156 : vector<1024x1024xi32>
    %jit3A_158 = arith.constant 0x7F800000 : f32
    %broadcast_in_dim3A_159 = vector.broadcast %jit3A_158 : f32 to vector<1024x1024xf32>
    %select_n3A_160 = arith.select %eq3A_157, %broadcast_in_dim3A_159, %select_n3A_144 : vector<1024x1024xi1>, vector<1024x1024xf32>
    %reduce_min3A_161 = arith.constant dense<0x7F800000> : vector<1024xf32>
    %reduce_min3A_162 = vector.multi_reduction <minimumf>, %select_n3A_160, %reduce_min3A_161 [1] : vector<1024x1024xf32> to vector<1024xf32>
    %broadcast_in_dim3A_163 = vector.shape_cast %reduce_min3A_162 : vector<1024xf32> to vector<1024x1xf32>
    %eq3A_164 = vector.broadcast %broadcast_in_dim3A_163 : vector<1024x1xf32> to vector<1024x1024xf32>
    %eq3A_165 = arith.cmpf oeq, %select_n3A_160, %eq3A_164 : vector<1024x1024xf32>
    %jit3A_166 = arith.constant 2048 : i32
    %broadcast_in_dim3A_167 = vector.broadcast %jit3A_166 : i32 to vector<1024x1024xi32>
    %select_n3A_168 = arith.select %eq3A_165, %iota3A, %broadcast_in_dim3A_167 : vector<1024x1024xi1>, vector<1024x1024xi32>
    %reduce_min3A_169 = arith.constant dense<2147483647> : vector<1024xi32>
    %reduce_min3A_170 = vector.multi_reduction <minsi>, %select_n3A_168, %reduce_min3A_169 [1] : vector<1024x1024xi32> to vector<1024xi32>
    %broadcast_in_dim3A_171 = vector.shape_cast %reduce_min3A_170 : vector<1024xi32> to vector<1024x1xi32>
    %eq3A_172 = vector.broadcast %broadcast_in_dim3A_171 : vector<1024x1xi32> to vector<1024x1024xi32>
    %eq3A_173 = arith.cmpi eq, %iota3A, %eq3A_172 : vector<1024x1024xi32>
    %jit3A_174 = arith.constant 0x7F800000 : f32
    %broadcast_in_dim3A_175 = vector.broadcast %jit3A_174 : f32 to vector<1024x1024xf32>
    %select_n3A_176 = arith.select %eq3A_173, %broadcast_in_dim3A_175, %select_n3A_160 : vector<1024x1024xi1>, vector<1024x1024xf32>
    %reduce_min3A_177 = arith.constant dense<0x7F800000> : vector<1024xf32>
    %reduce_min3A_178 = vector.multi_reduction <minimumf>, %select_n3A_176, %reduce_min3A_177 [1] : vector<1024x1024xf32> to vector<1024xf32>
    %broadcast_in_dim3A_179 = vector.shape_cast %reduce_min3A_178 : vector<1024xf32> to vector<1024x1xf32>
    %eq3A_180 = vector.broadcast %broadcast_in_dim3A_179 : vector<1024x1xf32> to vector<1024x1024xf32>
    %eq3A_181 = arith.cmpf oeq, %select_n3A_176, %eq3A_180 : vector<1024x1024xf32>
    %jit3A_182 = arith.constant 2048 : i32
    %broadcast_in_dim3A_183 = vector.broadcast %jit3A_182 : i32 to vector<1024x1024xi32>
    %select_n3A_184 = arith.select %eq3A_181, %iota3A, %broadcast_in_dim3A_183 : vector<1024x1024xi1>, vector<1024x1024xi32>
    %reduce_min3A_185 = arith.constant dense<2147483647> : vector<1024xi32>
    %reduce_min3A_186 = vector.multi_reduction <minsi>, %select_n3A_184, %reduce_min3A_185 [1] : vector<1024x1024xi32> to vector<1024xi32>
    %broadcast_in_dim3A_187 = vector.shape_cast %reduce_min3A_186 : vector<1024xi32> to vector<1024x1xi32>
    %eq3A_188 = vector.broadcast %broadcast_in_dim3A_187 : vector<1024x1xi32> to vector<1024x1024xi32>
    %eq3A_189 = arith.cmpi eq, %iota3A, %eq3A_188 : vector<1024x1024xi32>
    %jit3A_190 = arith.constant 0x7F800000 : f32
    %broadcast_in_dim3A_191 = vector.broadcast %jit3A_190 : f32 to vector<1024x1024xf32>
    %select_n3A_192 = arith.select %eq3A_189, %broadcast_in_dim3A_191, %select_n3A_176 : vector<1024x1024xi1>, vector<1024x1024xf32>
    %reduce_min3A_193 = arith.constant dense<0x7F800000> : vector<1024xf32>
    %reduce_min3A_194 = vector.multi_reduction <minimumf>, %select_n3A_192, %reduce_min3A_193 [1] : vector<1024x1024xf32> to vector<1024xf32>
    %broadcast_in_dim3A_195 = vector.shape_cast %reduce_min3A_194 : vector<1024xf32> to vector<1024x1xf32>
    %eq3A_196 = vector.broadcast %broadcast_in_dim3A_195 : vector<1024x1xf32> to vector<1024x1024xf32>
    %eq3A_197 = arith.cmpf oeq, %select_n3A_192, %eq3A_196 : vector<1024x1024xf32>
    %jit3A_198 = arith.constant 2048 : i32
    %broadcast_in_dim3A_199 = vector.broadcast %jit3A_198 : i32 to vector<1024x1024xi32>
    %select_n3A_200 = arith.select %eq3A_197, %iota3A, %broadcast_in_dim3A_199 : vector<1024x1024xi1>, vector<1024x1024xi32>
    %reduce_min3A_201 = arith.constant dense<2147483647> : vector<1024xi32>
    %reduce_min3A_202 = vector.multi_reduction <minsi>, %select_n3A_200, %reduce_min3A_201 [1] : vector<1024x1024xi32> to vector<1024xi32>
    %broadcast_in_dim3A_203 = vector.shape_cast %reduce_min3A_202 : vector<1024xi32> to vector<1024x1xi32>
    %eq3A_204 = vector.broadcast %broadcast_in_dim3A_203 : vector<1024x1xi32> to vector<1024x1024xi32>
    %eq3A_205 = arith.cmpi eq, %iota3A, %eq3A_204 : vector<1024x1024xi32>
    %jit3A_206 = arith.constant 0x7F800000 : f32
    %broadcast_in_dim3A_207 = vector.broadcast %jit3A_206 : f32 to vector<1024x1024xf32>
    %select_n3A_208 = arith.select %eq3A_205, %broadcast_in_dim3A_207, %select_n3A_192 : vector<1024x1024xi1>, vector<1024x1024xf32>
    %reduce_min3A_209 = arith.constant dense<0x7F800000> : vector<1024xf32>
    %reduce_min3A_210 = vector.multi_reduction <minimumf>, %select_n3A_208, %reduce_min3A_209 [1] : vector<1024x1024xf32> to vector<1024xf32>
    %broadcast_in_dim3A_211 = vector.shape_cast %reduce_min3A_210 : vector<1024xf32> to vector<1024x1xf32>
    %eq3A_212 = vector.broadcast %broadcast_in_dim3A_211 : vector<1024x1xf32> to vector<1024x1024xf32>
    %eq3A_213 = arith.cmpf oeq, %select_n3A_208, %eq3A_212 : vector<1024x1024xf32>
    %jit3A_214 = arith.constant 2048 : i32
    %broadcast_in_dim3A_215 = vector.broadcast %jit3A_214 : i32 to vector<1024x1024xi32>
    %select_n3A_216 = arith.select %eq3A_213, %iota3A, %broadcast_in_dim3A_215 : vector<1024x1024xi1>, vector<1024x1024xi32>
    %reduce_min3A_217 = arith.constant dense<2147483647> : vector<1024xi32>
    %reduce_min3A_218 = vector.multi_reduction <minsi>, %select_n3A_216, %reduce_min3A_217 [1] : vector<1024x1024xi32> to vector<1024xi32>
    %broadcast_in_dim3A_219 = vector.shape_cast %reduce_min3A_218 : vector<1024xi32> to vector<1024x1xi32>
    %eq3A_220 = vector.broadcast %broadcast_in_dim3A_219 : vector<1024x1xi32> to vector<1024x1024xi32>
    %eq3A_221 = arith.cmpi eq, %iota3A, %eq3A_220 : vector<1024x1024xi32>
    %jit3A_222 = arith.constant 0x7F800000 : f32
    %broadcast_in_dim3A_223 = vector.broadcast %jit3A_222 : f32 to vector<1024x1024xf32>
    %select_n3A_224 = arith.select %eq3A_221, %broadcast_in_dim3A_223, %select_n3A_208 : vector<1024x1024xi1>, vector<1024x1024xf32>
    %reduce_min3A_225 = arith.constant dense<0x7F800000> : vector<1024xf32>
    %reduce_min3A_226 = vector.multi_reduction <minimumf>, %select_n3A_224, %reduce_min3A_225 [1] : vector<1024x1024xf32> to vector<1024xf32>
    %broadcast_in_dim3A_227 = vector.shape_cast %reduce_min3A_226 : vector<1024xf32> to vector<1024x1xf32>
    %eq3A_228 = vector.broadcast %broadcast_in_dim3A_227 : vector<1024x1xf32> to vector<1024x1024xf32>
    %eq3A_229 = arith.cmpf oeq, %select_n3A_224, %eq3A_228 : vector<1024x1024xf32>
    %jit3A_230 = arith.constant 2048 : i32
    %broadcast_in_dim3A_231 = vector.broadcast %jit3A_230 : i32 to vector<1024x1024xi32>
    %select_n3A_232 = arith.select %eq3A_229, %iota3A, %broadcast_in_dim3A_231 : vector<1024x1024xi1>, vector<1024x1024xi32>
    %reduce_min3A_233 = arith.constant dense<2147483647> : vector<1024xi32>
    %reduce_min3A_234 = vector.multi_reduction <minsi>, %select_n3A_232, %reduce_min3A_233 [1] : vector<1024x1024xi32> to vector<1024xi32>
    %broadcast_in_dim3A_235 = vector.shape_cast %reduce_min3A_234 : vector<1024xi32> to vector<1024x1xi32>
    %eq3A_236 = vector.broadcast %broadcast_in_dim3A_235 : vector<1024x1xi32> to vector<1024x1024xi32>
    %eq3A_237 = arith.cmpi eq, %iota3A, %eq3A_236 : vector<1024x1024xi32>
    %jit3A_238 = arith.constant 0x7F800000 : f32
    %broadcast_in_dim3A_239 = vector.broadcast %jit3A_238 : f32 to vector<1024x1024xf32>
    %select_n3A_240 = arith.select %eq3A_237, %broadcast_in_dim3A_239, %select_n3A_224 : vector<1024x1024xi1>, vector<1024x1024xf32>
    %reduce_min3A_241 = arith.constant dense<0x7F800000> : vector<1024xf32>
    %reduce_min3A_242 = vector.multi_reduction <minimumf>, %select_n3A_240, %reduce_min3A_241 [1] : vector<1024x1024xf32> to vector<1024xf32>
    %broadcast_in_dim3A_243 = vector.shape_cast %reduce_min3A_242 : vector<1024xf32> to vector<1024x1xf32>
    %eq3A_244 = vector.broadcast %broadcast_in_dim3A_243 : vector<1024x1xf32> to vector<1024x1024xf32>
    %eq3A_245 = arith.cmpf oeq, %select_n3A_240, %eq3A_244 : vector<1024x1024xf32>
    %jit3A_246 = arith.constant 2048 : i32
    %broadcast_in_dim3A_247 = vector.broadcast %jit3A_246 : i32 to vector<1024x1024xi32>
    %select_n3A_248 = arith.select %eq3A_245, %iota3A, %broadcast_in_dim3A_247 : vector<1024x1024xi1>, vector<1024x1024xi32>
    %reduce_min3A_249 = arith.constant dense<2147483647> : vector<1024xi32>
    %reduce_min3A_250 = vector.multi_reduction <minsi>, %select_n3A_248, %reduce_min3A_249 [1] : vector<1024x1024xi32> to vector<1024xi32>
    %broadcast_in_dim3A_251 = vector.shape_cast %reduce_min3A_250 : vector<1024xi32> to vector<1024x1xi32>
    %eq3A_252 = vector.broadcast %broadcast_in_dim3A_251 : vector<1024x1xi32> to vector<1024x1024xi32>
    %eq3A_253 = arith.cmpi eq, %iota3A, %eq3A_252 : vector<1024x1024xi32>
    %jit3A_254 = arith.constant 0x7F800000 : f32
    %broadcast_in_dim3A_255 = vector.broadcast %jit3A_254 : f32 to vector<1024x1024xf32>
    %select_n3A_256 = arith.select %eq3A_253, %broadcast_in_dim3A_255, %select_n3A_240 : vector<1024x1024xi1>, vector<1024x1024xf32>
    %reduce_min3A_257 = arith.constant dense<0x7F800000> : vector<1024xf32>
    %reduce_min3A_258 = vector.multi_reduction <minimumf>, %select_n3A_256, %reduce_min3A_257 [1] : vector<1024x1024xf32> to vector<1024xf32>
    %broadcast_in_dim3A_259 = vector.shape_cast %reduce_min3A_258 : vector<1024xf32> to vector<1024x1xf32>
    %eq3A_260 = vector.broadcast %broadcast_in_dim3A_259 : vector<1024x1xf32> to vector<1024x1024xf32>
    %eq3A_261 = arith.cmpf oeq, %select_n3A_256, %eq3A_260 : vector<1024x1024xf32>
    %jit3A_262 = arith.constant 2048 : i32
    %broadcast_in_dim3A_263 = vector.broadcast %jit3A_262 : i32 to vector<1024x1024xi32>
    %select_n3A_264 = arith.select %eq3A_261, %iota3A, %broadcast_in_dim3A_263 : vector<1024x1024xi1>, vector<1024x1024xi32>
    %reduce_min3A_265 = arith.constant dense<2147483647> : vector<1024xi32>
    %reduce_min3A_266 = vector.multi_reduction <minsi>, %select_n3A_264, %reduce_min3A_265 [1] : vector<1024x1024xi32> to vector<1024xi32>
    %broadcast_in_dim3A_267 = vector.shape_cast %reduce_min3A_266 : vector<1024xi32> to vector<1024x1xi32>
    %eq3A_268 = vector.broadcast %broadcast_in_dim3A_267 : vector<1024x1xi32> to vector<1024x1024xi32>
    %eq3A_269 = arith.cmpi eq, %iota3A, %eq3A_268 : vector<1024x1024xi32>
    %jit3A_270 = arith.constant 0x7F800000 : f32
    %broadcast_in_dim3A_271 = vector.broadcast %jit3A_270 : f32 to vector<1024x1024xf32>
    %select_n3A_272 = arith.select %eq3A_269, %broadcast_in_dim3A_271, %select_n3A_256 : vector<1024x1024xi1>, vector<1024x1024xf32>
    %reduce_min3A_273 = arith.constant dense<0x7F800000> : vector<1024xf32>
    %reduce_min3A_274 = vector.multi_reduction <minimumf>, %select_n3A_272, %reduce_min3A_273 [1] : vector<1024x1024xf32> to vector<1024xf32>
    %broadcast_in_dim3A_275 = vector.shape_cast %reduce_min3A_274 : vector<1024xf32> to vector<1024x1xf32>
    %eq3A_276 = vector.broadcast %broadcast_in_dim3A_275 : vector<1024x1xf32> to vector<1024x1024xf32>
    %eq3A_277 = arith.cmpf oeq, %select_n3A_272, %eq3A_276 : vector<1024x1024xf32>
    %jit3A_278 = arith.constant 2048 : i32
    %broadcast_in_dim3A_279 = vector.broadcast %jit3A_278 : i32 to vector<1024x1024xi32>
    %select_n3A_280 = arith.select %eq3A_277, %iota3A, %broadcast_in_dim3A_279 : vector<1024x1024xi1>, vector<1024x1024xi32>
    %reduce_min3A_281 = arith.constant dense<2147483647> : vector<1024xi32>
    %reduce_min3A_282 = vector.multi_reduction <minsi>, %select_n3A_280, %reduce_min3A_281 [1] : vector<1024x1024xi32> to vector<1024xi32>
    %broadcast_in_dim3A_283 = vector.shape_cast %reduce_min3A_282 : vector<1024xi32> to vector<1024x1xi32>
    %eq3A_284 = vector.broadcast %broadcast_in_dim3A_283 : vector<1024x1xi32> to vector<1024x1024xi32>
    %eq3A_285 = arith.cmpi eq, %iota3A, %eq3A_284 : vector<1024x1024xi32>
    %jit3A_286 = arith.constant 0x7F800000 : f32
    %broadcast_in_dim3A_287 = vector.broadcast %jit3A_286 : f32 to vector<1024x1024xf32>
    %select_n3A_288 = arith.select %eq3A_285, %broadcast_in_dim3A_287, %select_n3A_272 : vector<1024x1024xi1>, vector<1024x1024xf32>
    %reduce_min3A_289 = arith.constant dense<0x7F800000> : vector<1024xf32>
    %reduce_min3A_290 = vector.multi_reduction <minimumf>, %select_n3A_288, %reduce_min3A_289 [1] : vector<1024x1024xf32> to vector<1024xf32>
    %broadcast_in_dim3A_291 = vector.shape_cast %reduce_min3A_290 : vector<1024xf32> to vector<1024x1xf32>
    %eq3A_292 = vector.broadcast %broadcast_in_dim3A_291 : vector<1024x1xf32> to vector<1024x1024xf32>
    %eq3A_293 = arith.cmpf oeq, %select_n3A_288, %eq3A_292 : vector<1024x1024xf32>
    %jit3A_294 = arith.constant 2048 : i32
    %broadcast_in_dim3A_295 = vector.broadcast %jit3A_294 : i32 to vector<1024x1024xi32>
    %select_n3A_296 = arith.select %eq3A_293, %iota3A, %broadcast_in_dim3A_295 : vector<1024x1024xi1>, vector<1024x1024xi32>
    %reduce_min3A_297 = arith.constant dense<2147483647> : vector<1024xi32>
    %reduce_min3A_298 = vector.multi_reduction <minsi>, %select_n3A_296, %reduce_min3A_297 [1] : vector<1024x1024xi32> to vector<1024xi32>
    %broadcast_in_dim3A_299 = vector.shape_cast %reduce_min3A_298 : vector<1024xi32> to vector<1024x1xi32>
    %eq3A_300 = vector.broadcast %broadcast_in_dim3A_299 : vector<1024x1xi32> to vector<1024x1024xi32>
    %eq3A_301 = arith.cmpi eq, %iota3A, %eq3A_300 : vector<1024x1024xi32>
    %jit3A_302 = arith.constant 0x7F800000 : f32
    %broadcast_in_dim3A_303 = vector.broadcast %jit3A_302 : f32 to vector<1024x1024xf32>
    %select_n3A_304 = arith.select %eq3A_301, %broadcast_in_dim3A_303, %select_n3A_288 : vector<1024x1024xi1>, vector<1024x1024xf32>
    %reduce_min3A_305 = arith.constant dense<0x7F800000> : vector<1024xf32>
    %reduce_min3A_306 = vector.multi_reduction <minimumf>, %select_n3A_304, %reduce_min3A_305 [1] : vector<1024x1024xf32> to vector<1024xf32>
    %broadcast_in_dim3A_307 = vector.shape_cast %reduce_min3A_306 : vector<1024xf32> to vector<1024x1xf32>
    %eq3A_308 = vector.broadcast %broadcast_in_dim3A_307 : vector<1024x1xf32> to vector<1024x1024xf32>
    %eq3A_309 = arith.cmpf oeq, %select_n3A_304, %eq3A_308 : vector<1024x1024xf32>
    %jit3A_310 = arith.constant 2048 : i32
    %broadcast_in_dim3A_311 = vector.broadcast %jit3A_310 : i32 to vector<1024x1024xi32>
    %select_n3A_312 = arith.select %eq3A_309, %iota3A, %broadcast_in_dim3A_311 : vector<1024x1024xi1>, vector<1024x1024xi32>
    %reduce_min3A_313 = arith.constant dense<2147483647> : vector<1024xi32>
    %reduce_min3A_314 = vector.multi_reduction <minsi>, %select_n3A_312, %reduce_min3A_313 [1] : vector<1024x1024xi32> to vector<1024xi32>
    %broadcast_in_dim3A_315 = vector.shape_cast %reduce_min3A_314 : vector<1024xi32> to vector<1024x1xi32>
    %eq3A_316 = vector.broadcast %broadcast_in_dim3A_315 : vector<1024x1xi32> to vector<1024x1024xi32>
    %eq3A_317 = arith.cmpi eq, %iota3A, %eq3A_316 : vector<1024x1024xi32>
    %jit3A_318 = arith.constant 0x7F800000 : f32
    %broadcast_in_dim3A_319 = vector.broadcast %jit3A_318 : f32 to vector<1024x1024xf32>
    %select_n3A_320 = arith.select %eq3A_317, %broadcast_in_dim3A_319, %select_n3A_304 : vector<1024x1024xi1>, vector<1024x1024xf32>
    %reduce_min3A_321 = arith.constant dense<0x7F800000> : vector<1024xf32>
    %reduce_min3A_322 = vector.multi_reduction <minimumf>, %select_n3A_320, %reduce_min3A_321 [1] : vector<1024x1024xf32> to vector<1024xf32>
    %broadcast_in_dim3A_323 = vector.shape_cast %reduce_min3A_322 : vector<1024xf32> to vector<1024x1xf32>
    %eq3A_324 = vector.broadcast %broadcast_in_dim3A_323 : vector<1024x1xf32> to vector<1024x1024xf32>
    %eq3A_325 = arith.cmpf oeq, %select_n3A_320, %eq3A_324 : vector<1024x1024xf32>
    %jit3A_326 = arith.constant 2048 : i32
    %broadcast_in_dim3A_327 = vector.broadcast %jit3A_326 : i32 to vector<1024x1024xi32>
    %select_n3A_328 = arith.select %eq3A_325, %iota3A, %broadcast_in_dim3A_327 : vector<1024x1024xi1>, vector<1024x1024xi32>
    %reduce_min3A_329 = arith.constant dense<2147483647> : vector<1024xi32>
    %reduce_min3A_330 = vector.multi_reduction <minsi>, %select_n3A_328, %reduce_min3A_329 [1] : vector<1024x1024xi32> to vector<1024xi32>
    %broadcast_in_dim3A_331 = vector.shape_cast %reduce_min3A_330 : vector<1024xi32> to vector<1024x1xi32>
    %concatenate3A_332 = tpu.concatenate %broadcast_in_dim3A_91, %broadcast_in_dim3A_107, %broadcast_in_dim3A_123, %broadcast_in_dim3A_139, %broadcast_in_dim3A_155, %broadcast_in_dim3A_171, %broadcast_in_dim3A_187, %broadcast_in_dim3A_203, %broadcast_in_dim3A_219, %broadcast_in_dim3A_235, %broadcast_in_dim3A_251, %broadcast_in_dim3A_267, %broadcast_in_dim3A_283, %broadcast_in_dim3A_299, %broadcast_in_dim3A_315, %broadcast_in_dim3A_331 in 1 : vector<1024x1xi32>, vector<1024x1xi32>, vector<1024x1xi32>, vector<1024x1xi32>, vector<1024x1xi32>, vector<1024x1xi32>, vector<1024x1xi32>, vector<1024x1xi32>, vector<1024x1xi32>, vector<1024x1xi32>, vector<1024x1xi32>, vector<1024x1xi32>, vector<1024x1xi32>, vector<1024x1xi32>, vector<1024x1xi32>, vector<1024x1xi32> -> vector<1024x16xi32>
    %swap3A_333 = arith.constant 0 : index
    %swap3A_334 = arith.constant 0 : index
    %swap3A_335 = arith.constant 0 : index
    %swap3A_336 = vector.load %arg14[%swap3A_333, %swap3A_334, %swap3A_335] : memref<1x1024x16xi32, #tpu.memory_space<vmem>>, vector<1x1024x16xi32>
    %swap3A_337 = vector.shape_cast %swap3A_336 : vector<1x1024x16xi32> to vector<1024x16xi32>
    %swap3A_338 = vector.shape_cast %concatenate3A_332 : vector<1024x16xi32> to vector<1x1024x16xi32>
    tpu.vector_store %arg14[%swap3A_333, %swap3A_334, %swap3A_335], %swap3A_338 {strides = array<i32>} : memref<1x1024x16xi32, #tpu.memory_space<vmem>>, vector<1x1024x16xi32>,
    return
  }
  func.func @transform_0(%arg0: i32) -> (i32, i32, i32) {
    %c0_i32 = arith.constant 0 : i32
    %c0_i32_0 = arith.constant 0 : i32
    %c0_i32_1 = arith.constant 0 : i32
    return %arg0, %c0_i32, %c0_i32_0 : i32, i32, i32
  }
  func.func @transform_1(%arg0: i32) -> (i32, i32, i32) {
    %c0_i32 = arith.constant 0 : i32
    %c0_i32_0 = arith.constant 0 : i32
    %c0_i32_1 = arith.constant 0 : i32
    return %arg0, %c0_i32, %c0_i32_0 : i32, i32, i32
  }
  func.func @transform_2(%arg0: i32) -> (i32, i32) {
    %c0_i32 = arith.constant 0 : i32
    %c0_i32_0 = arith.constant 0 : i32
    %c0_i32_1 = arith.constant 0 : i32
    return %c0_i32, %c0_i32_0 : i32, i32
  }
  func.func @transform_3(%arg0: i32) -> (i32, i32) {
    %c0_i32 = arith.constant 0 : i32
    %c0_i32_0 = arith.constant 0 : i32
    %c0_i32_1 = arith.constant 0 : i32
    return %c0_i32, %c0_i32_0 : i32, i32
  }
  func.func @transform_4(%arg0: i32) -> (i32, i32) {
    %c0_i32 = arith.constant 0 : i32
    %c0_i32_0 = arith.constant 0 : i32
    %c0_i32_1 = arith.constant 0 : i32
    return %c0_i32, %c0_i32_0 : i32, i32
  }
  func.func @transform_5(%arg0: i32) -> (i32, i32) {
    %c0_i32 = arith.constant 0 : i32
    %c0_i32_0 = arith.constant 0 : i32
    %c0_i32_1 = arith.constant 0 : i32
    return %c0_i32, %c0_i32_0 : i32, i32
  }
  func.func @transform_6(%arg0: i32) -> (i32, i32) {
    %c0_i32 = arith.constant 0 : i32
    %c0_i32_0 = arith.constant 0 : i32
    %c0_i32_1 = arith.constant 0 : i32
    return %c0_i32, %c0_i32_0 : i32, i32
  }
  func.func @transform_7(%arg0: i32) -> (i32, i32) {
    %c0_i32 = arith.constant 0 : i32
    %c0_i32_0 = arith.constant 0 : i32
    %c0_i32_1 = arith.constant 0 : i32
    return %c0_i32, %c0_i32_0 : i32, i32
  }
  func.func @transform_8(%arg0: i32) -> (i32, i32) {
    %c0_i32 = arith.constant 0 : i32
    %c0_i32_0 = arith.constant 0 : i32
    %c0_i32_1 = arith.constant 0 : i32
    return %c0_i32, %c0_i32_0 : i32, i32
  }
  func.func @transform_9(%arg0: i32) -> (i32, i32) {
    %c0_i32 = arith.constant 0 : i32
    %c0_i32_0 = arith.constant 0 : i32
    %c0_i32_1 = arith.constant 0 : i32
    return %c0_i32, %c0_i32_0 : i32, i32
  }
  func.func @transform_10(%arg0: i32) -> (i32, i32, i32) {
    %c0_i32 = arith.constant 0 : i32
    %c0_i32_0 = arith.constant 0 : i32
    %c0_i32_1 = arith.constant 0 : i32
    return %arg0, %c0_i32, %c0_i32_0 : i32, i32, i32
  }
  func.func @transform_11(%arg0: i32) -> (i32, i32, i32) {
    %c0_i32 = arith.constant 0 : i32
    %c0_i32_0 = arith.constant 0 : i32
    %c0_i32_1 = arith.constant 0 : i32
    return %arg0, %c0_i32, %c0_i32_0 : i32, i32, i32
  }
  func.func @transform_12(%arg0: i32) -> (i32, i32, i32) {
    %c0_i32 = arith.constant 0 : i32
    %c0_i32_0 = arith.constant 0 : i32
    %c0_i32_1 = arith.constant 0 : i32
    return %arg0, %c0_i32, %c0_i32_0 : i32, i32, i32
  }
  func.func @transform_13(%arg0: i32) -> (i32, i32, i32) {
    %c0_i32 = arith.constant 0 : i32
    %c0_i32_0 = arith.constant 0 : i32
    %c0_i32_1 = arith.constant 0 : i32
    return %arg0, %c0_i32, %c0_i32_0 : i32, i32, i32
  }
}

module attributes {stable_mosaic.version = 14 : i64} {
  func.func @_pstats_body(%arg0: i32, %arg1: memref<1x256x16xf32, #tpu.memory_space<vmem>>, %arg2: memref<4096x128xf32, #tpu.memory_space<vmem>>, %arg3: memref<1x16xf32, #tpu.memory_space<vmem>>, %arg4: memref<3x16xf32, #tpu.memory_space<vmem>>, %arg5: memref<1x16xf32, #tpu.memory_space<vmem>>, %arg6: memref<3x16xf32, #tpu.memory_space<vmem>>) attributes {dimension_semantics = [#tpu.dimension_semantics<arbitrary>], iteration_bounds = array<i64: 8>, scalar_prefetch = 0 : i64, scratch_operands = 2 : i64, tpu.core_type = #tpu.core_type<tc>, window_params = [{transform_indices = @transform_0, window_bounds = array<i64: 1, 256, 16>}, {transform_indices = @transform_1, window_bounds = array<i64: 4096, 128>}, {pipeline_mode = #tpu.pipeline_mode<synchronous>, transform_indices = @transform_2, window_bounds = array<i64: 1, 16>}, {pipeline_mode = #tpu.pipeline_mode<synchronous>, transform_indices = @transform_3, window_bounds = array<i64: 3, 16>}]} {
    %eq3A = arith.constant 0 : i32
    %eq3A_0 = arith.cmpi eq, %arg0, %eq3A : i32
    %convert_element_type3A = arith.extui %eq3A_0 : i1 to i32
    %cond3A = arith.constant 0 : i32
    %cond3A_1 = arith.cmpi ne, %convert_element_type3A, %cond3A : i32
    scf.if %cond3A_1 {
      %broadcast_in_dim3A_46 = arith.constant 0.000000e+00 : f32
      %broadcast_in_dim3A_47 = vector.broadcast %broadcast_in_dim3A_46 : f32 to vector<1x16xf32>
      %swap3A_48 = arith.constant 0 : index
      %swap3A_49 = arith.constant 0 : index
      %swap3A_50 = vector.load %arg5[%swap3A_48, %swap3A_49] : memref<1x16xf32, #tpu.memory_space<vmem>>, vector<1x16xf32>
      tpu.vector_store %arg5[%swap3A_48, %swap3A_49], %broadcast_in_dim3A_47 {strides = array<i32>} : memref<1x16xf32, #tpu.memory_space<vmem>>, vector<1x16xf32>,
      %broadcast_in_dim3A_51 = arith.constant 0.000000e+00 : f32
      %broadcast_in_dim3A_52 = vector.broadcast %broadcast_in_dim3A_51 : f32 to vector<3x16xf32>
      %swap3A_53 = arith.constant 0 : index
      %swap3A_54 = arith.constant 0 : index
      %swap3A_55 = vector.load %arg6[%swap3A_53, %swap3A_54] : memref<3x16xf32, #tpu.memory_space<vmem>>, vector<3x16xf32>
      tpu.vector_store %arg6[%swap3A_53, %swap3A_54], %broadcast_in_dim3A_52 {strides = array<i32>} : memref<3x16xf32, #tpu.memory_space<vmem>>, vector<3x16xf32>,
    } else {
    }
    %get3A = arith.constant 0 : index
    %get3A_2 = arith.constant 0 : index
    %get3A_3 = arith.constant 0 : index
    %get3A_4 = vector.load %arg1[%get3A, %get3A_2, %get3A_3] : memref<1x256x16xf32, #tpu.memory_space<vmem>>, vector<1x256x16xf32>
    %get3A_5 = vector.shape_cast %get3A_4 : vector<1x256x16xf32> to vector<256x16xf32>
    %broadcast_in_dim3A = vector.shape_cast %get3A_5 : vector<256x16xf32> to vector<256x1x16xf32>
    %broadcast_in_dim3A_6 = vector.shape_cast %broadcast_in_dim3A : vector<256x1x16xf32> to vector<256x1x16xf32>
    %broadcast_in_dim3A_7 = vector.broadcast %broadcast_in_dim3A_6 : vector<256x1x16xf32> to vector<256x16x16xf32>
    %reshape3A = vector.shape_cast %broadcast_in_dim3A_7 : vector<256x16x16xf32> to vector<4096x16xf32>
    %get3A_8 = arith.constant 0 : index
    %get3A_9 = arith.constant 0 : index
    %get3A_10 = vector.load %arg2[%get3A_8, %get3A_9] : memref<4096x128xf32, #tpu.memory_space<vmem>>, vector<4096x16xf32>
    %sub3A = arith.subf %reshape3A, %get3A_10 : vector<4096x16xf32>
    %get3A_11 = arith.constant 0 : index
    %get3A_12 = arith.constant 0 : index
    %get3A_13 = vector.load %arg5[%get3A_11, %get3A_12] : memref<1x16xf32, #tpu.memory_space<vmem>>, vector<1x16xf32>
    %reduce_sum3A = arith.constant dense<0.000000e+00> : vector<16xf32>
    %reduce_sum3A_14 = vector.multi_reduction <add>, %sub3A, %reduce_sum3A [0] : vector<4096x16xf32> to vector<16xf32>
    %broadcast_in_dim3A_15 = vector.shape_cast %reduce_sum3A_14 : vector<16xf32> to vector<1x16xf32>
    %add3A = arith.addf %get3A_13, %broadcast_in_dim3A_15 : vector<1x16xf32>
    %swap3A = arith.constant 0 : index
    %swap3A_16 = arith.constant 0 : index
    %swap3A_17 = vector.load %arg5[%swap3A, %swap3A_16] : memref<1x16xf32, #tpu.memory_space<vmem>>, vector<1x16xf32>
    tpu.vector_store %arg5[%swap3A, %swap3A_16], %add3A {strides = array<i32>} : memref<1x16xf32, #tpu.memory_space<vmem>>, vector<1x16xf32>,
    %slice3A = vector.extract_strided_slice %sub3A {offsets = [0, 0], sizes = [4096, 1], strides = [1, 1]} : vector<4096x16xf32> to vector<4096x1xf32>
    %mul3A = vector.broadcast %slice3A : vector<4096x1xf32> to vector<4096x16xf32>
    %mul3A_18 = arith.mulf %sub3A, %mul3A : vector<4096x16xf32>
    %reduce_sum3A_19 = arith.constant dense<0.000000e+00> : vector<16xf32>
    %reduce_sum3A_20 = vector.multi_reduction <add>, %mul3A_18, %reduce_sum3A_19 [0] : vector<4096x16xf32> to vector<16xf32>
    %broadcast_in_dim3A_21 = vector.shape_cast %reduce_sum3A_20 : vector<16xf32> to vector<1x16xf32>
    %slice3A_22 = vector.extract_strided_slice %sub3A {offsets = [0, 1], sizes = [4096, 1], strides = [1, 1]} : vector<4096x16xf32> to vector<4096x1xf32>
    %mul3A_23 = vector.broadcast %slice3A_22 : vector<4096x1xf32> to vector<4096x16xf32>
    %mul3A_24 = arith.mulf %sub3A, %mul3A_23 : vector<4096x16xf32>
    %reduce_sum3A_25 = arith.constant dense<0.000000e+00> : vector<16xf32>
    %reduce_sum3A_26 = vector.multi_reduction <add>, %mul3A_24, %reduce_sum3A_25 [0] : vector<4096x16xf32> to vector<16xf32>
    %broadcast_in_dim3A_27 = vector.shape_cast %reduce_sum3A_26 : vector<16xf32> to vector<1x16xf32>
    %slice3A_28 = vector.extract_strided_slice %sub3A {offsets = [0, 2], sizes = [4096, 1], strides = [1, 1]} : vector<4096x16xf32> to vector<4096x1xf32>
    %mul3A_29 = vector.broadcast %slice3A_28 : vector<4096x1xf32> to vector<4096x16xf32>
    %mul3A_30 = arith.mulf %sub3A, %mul3A_29 : vector<4096x16xf32>
    %reduce_sum3A_31 = arith.constant dense<0.000000e+00> : vector<16xf32>
    %reduce_sum3A_32 = vector.multi_reduction <add>, %mul3A_30, %reduce_sum3A_31 [0] : vector<4096x16xf32> to vector<16xf32>
    %broadcast_in_dim3A_33 = vector.shape_cast %reduce_sum3A_32 : vector<16xf32> to vector<1x16xf32>
    %get3A_34 = arith.constant 0 : index
    %get3A_35 = arith.constant 0 : index
    %get3A_36 = vector.load %arg6[%get3A_34, %get3A_35] : memref<3x16xf32, #tpu.memory_space<vmem>>, vector<3x16xf32>
    %concatenate3A = tpu.concatenate %broadcast_in_dim3A_21, %broadcast_in_dim3A_27, %broadcast_in_dim3A_33 in 0 : vector<1x16xf32>, vector<1x16xf32>, vector<1x16xf32> -> vector<3x16xf32>
    %add3A_37 = arith.addf %get3A_36, %concatenate3A : vector<3x16xf32>
    %swap3A_38 = arith.constant 0 : index
    %swap3A_39 = arith.constant 0 : index
    %swap3A_40 = vector.load %arg6[%swap3A_38, %swap3A_39] : memref<3x16xf32, #tpu.memory_space<vmem>>, vector<3x16xf32>
    tpu.vector_store %arg6[%swap3A_38, %swap3A_39], %add3A_37 {strides = array<i32>} : memref<3x16xf32, #tpu.memory_space<vmem>>, vector<3x16xf32>,
    %eq3A_41 = arith.constant 7 : i32
    %eq3A_42 = arith.cmpi eq, %arg0, %eq3A_41 : i32
    %convert_element_type3A_43 = arith.extui %eq3A_42 : i1 to i32
    %cond3A_44 = arith.constant 0 : i32
    %cond3A_45 = arith.cmpi ne, %convert_element_type3A_43, %cond3A_44 : i32
    scf.if %cond3A_45 {
      %get3A_46 = arith.constant 0 : index
      %get3A_47 = arith.constant 0 : index
      %get3A_48 = vector.load %arg5[%get3A_46, %get3A_47] : memref<1x16xf32, #tpu.memory_space<vmem>>, vector<1x16xf32>
      %swap3A_49 = arith.constant 0 : index
      %swap3A_50 = arith.constant 0 : index
      %swap3A_51 = vector.load %arg3[%swap3A_49, %swap3A_50] : memref<1x16xf32, #tpu.memory_space<vmem>>, vector<1x16xf32>
      tpu.vector_store %arg3[%swap3A_49, %swap3A_50], %get3A_48 {strides = array<i32>} : memref<1x16xf32, #tpu.memory_space<vmem>>, vector<1x16xf32>,
      %get3A_52 = arith.constant 0 : index
      %get3A_53 = arith.constant 0 : index
      %get3A_54 = vector.load %arg6[%get3A_52, %get3A_53] : memref<3x16xf32, #tpu.memory_space<vmem>>, vector<3x16xf32>
      %swap3A_55 = arith.constant 0 : index
      %swap3A_56 = arith.constant 0 : index
      %swap3A_57 = vector.load %arg4[%swap3A_55, %swap3A_56] : memref<3x16xf32, #tpu.memory_space<vmem>>, vector<3x16xf32>
      tpu.vector_store %arg4[%swap3A_55, %swap3A_56], %get3A_54 {strides = array<i32>} : memref<3x16xf32, #tpu.memory_space<vmem>>, vector<3x16xf32>,
    } else {
    }
    return
  }
  func.func @transform_0(%arg0: i32) -> (i32, i32, i32) {
    %jit3A = arith.constant 4 : i32
    %div3A = arith.divsi %arg0, %jit3A : i32
    %sign3A = arith.constant 0 : i32
    %sign3A_0 = arith.cmpi sgt, %arg0, %sign3A : i32
    %sign3A_1 = arith.extui %sign3A_0 : i1 to i32
    %sign3A_2 = arith.constant 0 : i32
    %sign3A_3 = arith.cmpi slt, %arg0, %sign3A_2 : i32
    %sign3A_4 = arith.extui %sign3A_3 : i1 to i32
    %sign3A_5 = arith.subi %sign3A_1, %sign3A_4 : i32
    %sign3A_6 = arith.constant 0 : i32
    %sign3A_7 = arith.cmpi sgt, %jit3A, %sign3A_6 : i32
    %sign3A_8 = arith.extui %sign3A_7 : i1 to i32
    %sign3A_9 = arith.constant 0 : i32
    %sign3A_10 = arith.cmpi slt, %jit3A, %sign3A_9 : i32
    %sign3A_11 = arith.extui %sign3A_10 : i1 to i32
    %sign3A_12 = arith.subi %sign3A_8, %sign3A_11 : i32
    %ne3A = arith.cmpi ne, %sign3A_5, %sign3A_12 : i32
    %rem3A = arith.remsi %arg0, %jit3A : i32
    %ne3A_13 = arith.constant 0 : i32
    %ne3A_14 = arith.cmpi ne, %rem3A, %ne3A_13 : i32
    %and3A = arith.andi %ne3A, %ne3A_14 : i1
    %sub3A = arith.constant 1 : i32
    %sub3A_15 = arith.subi %div3A, %sub3A : i32
    %select_n3A = arith.select %and3A, %sub3A_15, %div3A : i32
    %jit3A_16 = arith.constant 4 : i32
    %eq3A = arith.constant 0 : i32
    %eq3A_17 = arith.cmpi eq, %jit3A_16, %eq3A : i32
    %jit3A_18 = arith.constant 1 : i32
    %select_n3A_19 = arith.select %eq3A_17, %jit3A_18, %jit3A_16 : i32
    %rem3A_20 = arith.remsi %arg0, %select_n3A_19 : i32
    %ne3A_21 = arith.constant 0 : i32
    %ne3A_22 = arith.cmpi ne, %rem3A_20, %ne3A_21 : i32
    %lt3A = arith.constant 0 : i32
    %lt3A_23 = arith.cmpi slt, %rem3A_20, %lt3A : i32
    %lt3A_24 = arith.constant 0 : i32
    %lt3A_25 = arith.cmpi slt, %select_n3A_19, %lt3A_24 : i32
    %ne3A_26 = arith.xori %lt3A_23, %lt3A_25 : i1
    %and3A_27 = arith.andi %ne3A_26, %ne3A_22 : i1
    %add3A = arith.addi %rem3A_20, %select_n3A_19 : i32
    %select_n3A_28 = arith.select %and3A_27, %add3A, %rem3A_20 : i32
    %c0_i32 = arith.constant 0 : i32
    %c0_i32_29 = arith.constant 0 : i32
    return %select_n3A, %select_n3A_28, %c0_i32 : i32, i32, i32
  }
  func.func @transform_1(%arg0: i32) -> (i32, i32) {
    %c2_i32 = arith.constant 2 : i32
    %c0_i32 = arith.constant 0 : i32
    return %arg0, %c2_i32 : i32, i32
  }
  func.func @transform_2(%arg0: i32) -> (i32, i32) {
    %c0_i32 = arith.constant 0 : i32
    %c0_i32_0 = arith.constant 0 : i32
    %c0_i32_1 = arith.constant 0 : i32
    return %c0_i32, %c0_i32_0 : i32, i32
  }
  func.func @transform_3(%arg0: i32) -> (i32, i32) {
    %c0_i32 = arith.constant 0 : i32
    %c0_i32_0 = arith.constant 0 : i32
    %c0_i32_1 = arith.constant 0 : i32
    return %c0_i32, %c0_i32_0 : i32, i32
  }
}

module attributes {stable_mosaic.version = 14 : i64} {
  func.func @_ustats_body(%arg0: i32, %arg1: memref<1x256x256xf32, #tpu.memory_space<vmem>>, %arg2: memref<1x256x16xf32, #tpu.memory_space<vmem>>, %arg3: memref<4096x384xf32, #tpu.memory_space<vmem>>, %arg4: memref<1x16xf32, #tpu.memory_space<vmem>>, %arg5: memref<3x16xf32, #tpu.memory_space<vmem>>, %arg6: memref<16x64xf32, #tpu.memory_space<vmem>>, %arg7: memref<1x64xf32, #tpu.memory_space<vmem>>, %arg8: memref<1x64xf32, #tpu.memory_space<vmem>>, %arg9: memref<1x64xf32, #tpu.memory_space<vmem>>, %arg10: memref<64x256xf32, #tpu.memory_space<vmem>>, %arg11: memref<1x256xf32, #tpu.memory_space<vmem>>, %arg12: memref<1x256xf32, #tpu.memory_space<vmem>>, %arg13: memref<256x256xf32, #tpu.memory_space<vmem>>, %arg14: memref<1x256xf32, #tpu.memory_space<vmem>>, %arg15: memref<256x256xf32, #tpu.memory_space<vmem>>) attributes {dimension_semantics = [#tpu.dimension_semantics<arbitrary>], iteration_bounds = array<i64: 8>, scalar_prefetch = 0 : i64, scratch_operands = 2 : i64, tpu.core_type = #tpu.core_type<tc>, window_params = [{transform_indices = @transform_0, window_bounds = array<i64: 1, 256, 256>}, {transform_indices = @transform_1, window_bounds = array<i64: 1, 256, 16>}, {transform_indices = @transform_2, window_bounds = array<i64: 4096, 384>}, {pipeline_mode = #tpu.pipeline_mode<synchronous>, transform_indices = @transform_3, window_bounds = array<i64: 1, 16>}, {pipeline_mode = #tpu.pipeline_mode<synchronous>, transform_indices = @transform_4, window_bounds = array<i64: 3, 16>}, {pipeline_mode = #tpu.pipeline_mode<synchronous>, transform_indices = @transform_5, window_bounds = array<i64: 16, 64>}, {pipeline_mode = #tpu.pipeline_mode<synchronous>, transform_indices = @transform_6, window_bounds = array<i64: 1, 64>}, {pipeline_mode = #tpu.pipeline_mode<synchronous>, transform_indices = @transform_7, window_bounds = array<i64: 1, 64>}, {pipeline_mode = #tpu.pipeline_mode<synchronous>, transform_indices = @transform_8, window_bounds = array<i64: 1, 64>}, {pipeline_mode = #tpu.pipeline_mode<synchronous>, transform_indices = @transform_9, window_bounds = array<i64: 64, 256>}, {pipeline_mode = #tpu.pipeline_mode<synchronous>, transform_indices = @transform_10, window_bounds = array<i64: 1, 256>}, {pipeline_mode = #tpu.pipeline_mode<synchronous>, transform_indices = @transform_11, window_bounds = array<i64: 1, 256>}, {pipeline_mode = #tpu.pipeline_mode<synchronous>, transform_indices = @transform_12, window_bounds = array<i64: 256, 256>}]} {
    %eq3A = arith.constant 0 : i32
    %eq3A_0 = arith.cmpi eq, %arg0, %eq3A : i32
    %convert_element_type3A = arith.extui %eq3A_0 : i1 to i32
    %cond3A = arith.constant 0 : i32
    %cond3A_1 = arith.cmpi ne, %convert_element_type3A, %cond3A : i32
    scf.if %cond3A_1 {
      %broadcast_in_dim3A_224 = arith.constant 0.000000e+00 : f32
      %broadcast_in_dim3A_225 = vector.broadcast %broadcast_in_dim3A_224 : f32 to vector<1x256xf32>
      %swap3A_226 = arith.constant 0 : index
      %swap3A_227 = arith.constant 0 : index
      %swap3A_228 = vector.load %arg14[%swap3A_226, %swap3A_227] : memref<1x256xf32, #tpu.memory_space<vmem>>, vector<1x256xf32>
      tpu.vector_store %arg14[%swap3A_226, %swap3A_227], %broadcast_in_dim3A_225 {strides = array<i32>} : memref<1x256xf32, #tpu.memory_space<vmem>>, vector<1x256xf32>,
      %broadcast_in_dim3A_229 = arith.constant 0.000000e+00 : f32
      %broadcast_in_dim3A_230 = vector.broadcast %broadcast_in_dim3A_229 : f32 to vector<256x256xf32>
      %swap3A_231 = arith.constant 0 : index
      %swap3A_232 = arith.constant 0 : index
      %swap3A_233 = vector.load %arg15[%swap3A_231, %swap3A_232] : memref<256x256xf32, #tpu.memory_space<vmem>>, vector<256x256xf32>
      tpu.vector_store %arg15[%swap3A_231, %swap3A_232], %broadcast_in_dim3A_230 {strides = array<i32>} : memref<256x256xf32, #tpu.memory_space<vmem>>, vector<256x256xf32>,
    } else {
    }
    %get3A = arith.constant 0 : index
    %get3A_2 = arith.constant 0 : index
    %get3A_3 = vector.load %arg4[%get3A, %get3A_2] : memref<1x16xf32, #tpu.memory_space<vmem>>, vector<1x16xf32>
    %get3A_4 = arith.constant 0 : index
    %get3A_5 = arith.constant 0 : index
    %get3A_6 = vector.load %arg5[%get3A_4, %get3A_5] : memref<3x16xf32, #tpu.memory_space<vmem>>, vector<3x16xf32>
    %get3A_7 = arith.constant 0 : index
    %get3A_8 = arith.constant 0 : index
    %get3A_9 = vector.load %arg6[%get3A_7, %get3A_8] : memref<16x64xf32, #tpu.memory_space<vmem>>, vector<16x64xf32>
    %get3A_10 = arith.constant 0 : index
    %get3A_11 = arith.constant 0 : index
    %get3A_12 = vector.load %arg7[%get3A_10, %get3A_11] : memref<1x64xf32, #tpu.memory_space<vmem>>, vector<1x64xf32>
    %get3A_13 = arith.constant 0 : index
    %get3A_14 = arith.constant 0 : index
    %get3A_15 = vector.load %arg8[%get3A_13, %get3A_14] : memref<1x64xf32, #tpu.memory_space<vmem>>, vector<1x64xf32>
    %get3A_16 = arith.constant 0 : index
    %get3A_17 = arith.constant 0 : index
    %get3A_18 = vector.load %arg9[%get3A_16, %get3A_17] : memref<1x64xf32, #tpu.memory_space<vmem>>, vector<1x64xf32>
    %slice3A = vector.extract_strided_slice %get3A_3 {offsets = [0, 0], sizes = [1, 1], strides = [1, 1]} : vector<1x16xf32> to vector<1x1xf32>
    %mul3A = arith.constant 3.05175781E-5 : f32
    %mul3A_19 = vector.broadcast %mul3A : f32 to vector<1x1xf32>
    %mul3A_20 = arith.mulf %slice3A, %mul3A_19 : vector<1x1xf32>
    %slice3A_21 = vector.extract_strided_slice %get3A_3 {offsets = [0, 1], sizes = [1, 1], strides = [1, 1]} : vector<1x16xf32> to vector<1x1xf32>
    %mul3A_22 = arith.constant 3.05175781E-5 : f32
    %mul3A_23 = vector.broadcast %mul3A_22 : f32 to vector<1x1xf32>
    %mul3A_24 = arith.mulf %slice3A_21, %mul3A_23 : vector<1x1xf32>
    %slice3A_25 = vector.extract_strided_slice %get3A_3 {offsets = [0, 2], sizes = [1, 1], strides = [1, 1]} : vector<1x16xf32> to vector<1x1xf32>
    %mul3A_26 = arith.constant 3.05175781E-5 : f32
    %mul3A_27 = vector.broadcast %mul3A_26 : f32 to vector<1x1xf32>
    %mul3A_28 = arith.mulf %slice3A_25, %mul3A_27 : vector<1x1xf32>
    %slice3A_29 = vector.extract_strided_slice %get3A_9 {offsets = [0, 0], sizes = [1, 64], strides = [1, 1]} : vector<16x64xf32> to vector<1x64xf32>
    %mul3A_30 = vector.broadcast %mul3A_20 : vector<1x1xf32> to vector<1x64xf32>
    %mul3A_31 = arith.mulf %mul3A_30, %slice3A_29 : vector<1x64xf32>
    %add3A = arith.addf %get3A_12, %mul3A_31 : vector<1x64xf32>
    %slice3A_32 = vector.extract_strided_slice %get3A_9 {offsets = [1, 0], sizes = [1, 64], strides = [1, 1]} : vector<16x64xf32> to vector<1x64xf32>
    %mul3A_33 = vector.broadcast %mul3A_24 : vector<1x1xf32> to vector<1x64xf32>
    %mul3A_34 = arith.mulf %mul3A_33, %slice3A_32 : vector<1x64xf32>
    %add3A_35 = arith.addf %add3A, %mul3A_34 : vector<1x64xf32>
    %slice3A_36 = vector.extract_strided_slice %get3A_9 {offsets = [2, 0], sizes = [1, 64], strides = [1, 1]} : vector<16x64xf32> to vector<1x64xf32>
    %mul3A_37 = vector.broadcast %mul3A_28 : vector<1x1xf32> to vector<1x64xf32>
    %mul3A_38 = arith.mulf %mul3A_37, %slice3A_36 : vector<1x64xf32>
    %add3A_39 = arith.addf %add3A_35, %mul3A_38 : vector<1x64xf32>
    %broadcast_in_dim3A = arith.constant 0.000000e+00 : f32
    %broadcast_in_dim3A_40 = vector.broadcast %broadcast_in_dim3A : f32 to vector<1x64xf32>
    %slice3A_41 = vector.extract_strided_slice %get3A_6 {offsets = [0, 0], sizes = [1, 1], strides = [1, 1]} : vector<3x16xf32> to vector<1x1xf32>
    %mul3A_42 = arith.constant 3.05175781E-5 : f32
    %mul3A_43 = vector.broadcast %mul3A_42 : f32 to vector<1x1xf32>
    %mul3A_44 = arith.mulf %slice3A_41, %mul3A_43 : vector<1x1xf32>
    %mul3A_45 = arith.mulf %mul3A_20, %mul3A_20 : vector<1x1xf32>
    %sub3A = arith.subf %mul3A_44, %mul3A_45 : vector<1x1xf32>
    %slice3A_46 = vector.extract_strided_slice %get3A_9 {offsets = [0, 0], sizes = [1, 64], strides = [1, 1]} : vector<16x64xf32> to vector<1x64xf32>
    %slice3A_47 = vector.extract_strided_slice %get3A_9 {offsets = [0, 0], sizes = [1, 64], strides = [1, 1]} : vector<16x64xf32> to vector<1x64xf32>
    %mul3A_48 = arith.mulf %slice3A_46, %slice3A_47 : vector<1x64xf32>
    %mul3A_49 = vector.broadcast %sub3A : vector<1x1xf32> to vector<1x64xf32>
    %mul3A_50 = arith.mulf %mul3A_49, %mul3A_48 : vector<1x64xf32>
    %add3A_51 = arith.addf %broadcast_in_dim3A_40, %mul3A_50 : vector<1x64xf32>
    %slice3A_52 = vector.extract_strided_slice %get3A_6 {offsets = [0, 1], sizes = [1, 1], strides = [1, 1]} : vector<3x16xf32> to vector<1x1xf32>
    %mul3A_53 = arith.constant 3.05175781E-5 : f32
    %mul3A_54 = vector.broadcast %mul3A_53 : f32 to vector<1x1xf32>
    %mul3A_55 = arith.mulf %slice3A_52, %mul3A_54 : vector<1x1xf32>
    %mul3A_56 = arith.mulf %mul3A_20, %mul3A_24 : vector<1x1xf32>
    %sub3A_57 = arith.subf %mul3A_55, %mul3A_56 : vector<1x1xf32>
    %slice3A_58 = vector.extract_strided_slice %get3A_9 {offsets = [0, 0], sizes = [1, 64], strides = [1, 1]} : vector<16x64xf32> to vector<1x64xf32>
    %slice3A_59 = vector.extract_strided_slice %get3A_9 {offsets = [1, 0], sizes = [1, 64], strides = [1, 1]} : vector<16x64xf32> to vector<1x64xf32>
    %mul3A_60 = arith.mulf %slice3A_58, %slice3A_59 : vector<1x64xf32>
    %mul3A_61 = vector.broadcast %sub3A_57 : vector<1x1xf32> to vector<1x64xf32>
    %mul3A_62 = arith.mulf %mul3A_61, %mul3A_60 : vector<1x64xf32>
    %add3A_63 = arith.addf %add3A_51, %mul3A_62 : vector<1x64xf32>
    %slice3A_64 = vector.extract_strided_slice %get3A_6 {offsets = [0, 2], sizes = [1, 1], strides = [1, 1]} : vector<3x16xf32> to vector<1x1xf32>
    %mul3A_65 = arith.constant 3.05175781E-5 : f32
    %mul3A_66 = vector.broadcast %mul3A_65 : f32 to vector<1x1xf32>
    %mul3A_67 = arith.mulf %slice3A_64, %mul3A_66 : vector<1x1xf32>
    %mul3A_68 = arith.mulf %mul3A_20, %mul3A_28 : vector<1x1xf32>
    %sub3A_69 = arith.subf %mul3A_67, %mul3A_68 : vector<1x1xf32>
    %slice3A_70 = vector.extract_strided_slice %get3A_9 {offsets = [0, 0], sizes = [1, 64], strides = [1, 1]} : vector<16x64xf32> to vector<1x64xf32>
    %slice3A_71 = vector.extract_strided_slice %get3A_9 {offsets = [2, 0], sizes = [1, 64], strides = [1, 1]} : vector<16x64xf32> to vector<1x64xf32>
    %mul3A_72 = arith.mulf %slice3A_70, %slice3A_71 : vector<1x64xf32>
    %mul3A_73 = vector.broadcast %sub3A_69 : vector<1x1xf32> to vector<1x64xf32>
    %mul3A_74 = arith.mulf %mul3A_73, %mul3A_72 : vector<1x64xf32>
    %add3A_75 = arith.addf %add3A_63, %mul3A_74 : vector<1x64xf32>
    %slice3A_76 = vector.extract_strided_slice %get3A_6 {offsets = [1, 0], sizes = [1, 1], strides = [1, 1]} : vector<3x16xf32> to vector<1x1xf32>
    %mul3A_77 = arith.constant 3.05175781E-5 : f32
    %mul3A_78 = vector.broadcast %mul3A_77 : f32 to vector<1x1xf32>
    %mul3A_79 = arith.mulf %slice3A_76, %mul3A_78 : vector<1x1xf32>
    %mul3A_80 = arith.mulf %mul3A_24, %mul3A_20 : vector<1x1xf32>
    %sub3A_81 = arith.subf %mul3A_79, %mul3A_80 : vector<1x1xf32>
    %slice3A_82 = vector.extract_strided_slice %get3A_9 {offsets = [1, 0], sizes = [1, 64], strides = [1, 1]} : vector<16x64xf32> to vector<1x64xf32>
    %slice3A_83 = vector.extract_strided_slice %get3A_9 {offsets = [0, 0], sizes = [1, 64], strides = [1, 1]} : vector<16x64xf32> to vector<1x64xf32>
    %mul3A_84 = arith.mulf %slice3A_82, %slice3A_83 : vector<1x64xf32>
    %mul3A_85 = vector.broadcast %sub3A_81 : vector<1x1xf32> to vector<1x64xf32>
    %mul3A_86 = arith.mulf %mul3A_85, %mul3A_84 : vector<1x64xf32>
    %add3A_87 = arith.addf %add3A_75, %mul3A_86 : vector<1x64xf32>
    %slice3A_88 = vector.extract_strided_slice %get3A_6 {offsets = [1, 1], sizes = [1, 1], strides = [1, 1]} : vector<3x16xf32> to vector<1x1xf32>
    %mul3A_89 = arith.constant 3.05175781E-5 : f32
    %mul3A_90 = vector.broadcast %mul3A_89 : f32 to vector<1x1xf32>
    %mul3A_91 = arith.mulf %slice3A_88, %mul3A_90 : vector<1x1xf32>
    %mul3A_92 = arith.mulf %mul3A_24, %mul3A_24 : vector<1x1xf32>
    %sub3A_93 = arith.subf %mul3A_91, %mul3A_92 : vector<1x1xf32>
    %slice3A_94 = vector.extract_strided_slice %get3A_9 {offsets = [1, 0], sizes = [1, 64], strides = [1, 1]} : vector<16x64xf32> to vector<1x64xf32>
    %slice3A_95 = vector.extract_strided_slice %get3A_9 {offsets = [1, 0], sizes = [1, 64], strides = [1, 1]} : vector<16x64xf32> to vector<1x64xf32>
    %mul3A_96 = arith.mulf %slice3A_94, %slice3A_95 : vector<1x64xf32>
    %mul3A_97 = vector.broadcast %sub3A_93 : vector<1x1xf32> to vector<1x64xf32>
    %mul3A_98 = arith.mulf %mul3A_97, %mul3A_96 : vector<1x64xf32>
    %add3A_99 = arith.addf %add3A_87, %mul3A_98 : vector<1x64xf32>
    %slice3A_100 = vector.extract_strided_slice %get3A_6 {offsets = [1, 2], sizes = [1, 1], strides = [1, 1]} : vector<3x16xf32> to vector<1x1xf32>
    %mul3A_101 = arith.constant 3.05175781E-5 : f32
    %mul3A_102 = vector.broadcast %mul3A_101 : f32 to vector<1x1xf32>
    %mul3A_103 = arith.mulf %slice3A_100, %mul3A_102 : vector<1x1xf32>
    %mul3A_104 = arith.mulf %mul3A_24, %mul3A_28 : vector<1x1xf32>
    %sub3A_105 = arith.subf %mul3A_103, %mul3A_104 : vector<1x1xf32>
    %slice3A_106 = vector.extract_strided_slice %get3A_9 {offsets = [1, 0], sizes = [1, 64], strides = [1, 1]} : vector<16x64xf32> to vector<1x64xf32>
    %slice3A_107 = vector.extract_strided_slice %get3A_9 {offsets = [2, 0], sizes = [1, 64], strides = [1, 1]} : vector<16x64xf32> to vector<1x64xf32>
    %mul3A_108 = arith.mulf %slice3A_106, %slice3A_107 : vector<1x64xf32>
    %mul3A_109 = vector.broadcast %sub3A_105 : vector<1x1xf32> to vector<1x64xf32>
    %mul3A_110 = arith.mulf %mul3A_109, %mul3A_108 : vector<1x64xf32>
    %add3A_111 = arith.addf %add3A_99, %mul3A_110 : vector<1x64xf32>
    %slice3A_112 = vector.extract_strided_slice %get3A_6 {offsets = [2, 0], sizes = [1, 1], strides = [1, 1]} : vector<3x16xf32> to vector<1x1xf32>
    %mul3A_113 = arith.constant 3.05175781E-5 : f32
    %mul3A_114 = vector.broadcast %mul3A_113 : f32 to vector<1x1xf32>
    %mul3A_115 = arith.mulf %slice3A_112, %mul3A_114 : vector<1x1xf32>
    %mul3A_116 = arith.mulf %mul3A_28, %mul3A_20 : vector<1x1xf32>
    %sub3A_117 = arith.subf %mul3A_115, %mul3A_116 : vector<1x1xf32>
    %slice3A_118 = vector.extract_strided_slice %get3A_9 {offsets = [2, 0], sizes = [1, 64], strides = [1, 1]} : vector<16x64xf32> to vector<1x64xf32>
    %slice3A_119 = vector.extract_strided_slice %get3A_9 {offsets = [0, 0], sizes = [1, 64], strides = [1, 1]} : vector<16x64xf32> to vector<1x64xf32>
    %mul3A_120 = arith.mulf %slice3A_118, %slice3A_119 : vector<1x64xf32>
    %mul3A_121 = vector.broadcast %sub3A_117 : vector<1x1xf32> to vector<1x64xf32>
    %mul3A_122 = arith.mulf %mul3A_121, %mul3A_120 : vector<1x64xf32>
    %add3A_123 = arith.addf %add3A_111, %mul3A_122 : vector<1x64xf32>
    %slice3A_124 = vector.extract_strided_slice %get3A_6 {offsets = [2, 1], sizes = [1, 1], strides = [1, 1]} : vector<3x16xf32> to vector<1x1xf32>
    %mul3A_125 = arith.constant 3.05175781E-5 : f32
    %mul3A_126 = vector.broadcast %mul3A_125 : f32 to vector<1x1xf32>
    %mul3A_127 = arith.mulf %slice3A_124, %mul3A_126 : vector<1x1xf32>
    %mul3A_128 = arith.mulf %mul3A_28, %mul3A_24 : vector<1x1xf32>
    %sub3A_129 = arith.subf %mul3A_127, %mul3A_128 : vector<1x1xf32>
    %slice3A_130 = vector.extract_strided_slice %get3A_9 {offsets = [2, 0], sizes = [1, 64], strides = [1, 1]} : vector<16x64xf32> to vector<1x64xf32>
    %slice3A_131 = vector.extract_strided_slice %get3A_9 {offsets = [1, 0], sizes = [1, 64], strides = [1, 1]} : vector<16x64xf32> to vector<1x64xf32>
    %mul3A_132 = arith.mulf %slice3A_130, %slice3A_131 : vector<1x64xf32>
    %mul3A_133 = vector.broadcast %sub3A_129 : vector<1x1xf32> to vector<1x64xf32>
    %mul3A_134 = arith.mulf %mul3A_133, %mul3A_132 : vector<1x64xf32>
    %add3A_135 = arith.addf %add3A_123, %mul3A_134 : vector<1x64xf32>
    %slice3A_136 = vector.extract_strided_slice %get3A_6 {offsets = [2, 2], sizes = [1, 1], strides = [1, 1]} : vector<3x16xf32> to vector<1x1xf32>
    %mul3A_137 = arith.constant 3.05175781E-5 : f32
    %mul3A_138 = vector.broadcast %mul3A_137 : f32 to vector<1x1xf32>
    %mul3A_139 = arith.mulf %slice3A_136, %mul3A_138 : vector<1x1xf32>
    %mul3A_140 = arith.mulf %mul3A_28, %mul3A_28 : vector<1x1xf32>
    %sub3A_141 = arith.subf %mul3A_139, %mul3A_140 : vector<1x1xf32>
    %slice3A_142 = vector.extract_strided_slice %get3A_9 {offsets = [2, 0], sizes = [1, 64], strides = [1, 1]} : vector<16x64xf32> to vector<1x64xf32>
    %slice3A_143 = vector.extract_strided_slice %get3A_9 {offsets = [2, 0], sizes = [1, 64], strides = [1, 1]} : vector<16x64xf32> to vector<1x64xf32>
    %mul3A_144 = arith.mulf %slice3A_142, %slice3A_143 : vector<1x64xf32>
    %mul3A_145 = vector.broadcast %sub3A_141 : vector<1x1xf32> to vector<1x64xf32>
    %mul3A_146 = arith.mulf %mul3A_145, %mul3A_144 : vector<1x64xf32>
    %add3A_147 = arith.addf %add3A_135, %mul3A_146 : vector<1x64xf32>
    %add3A_148 = arith.constant 9.99999974E-6 : f32
    %add3A_149 = vector.broadcast %add3A_148 : f32 to vector<1x64xf32>
    %add3A_150 = arith.addf %add3A_147, %add3A_149 : vector<1x64xf32>
    %rsqrt3A = math.rsqrt %add3A_150 : vector<1x64xf32>
    %mul3A_151 = arith.mulf %get3A_15, %rsqrt3A : vector<1x64xf32>
    %mul3A_152 = vector.broadcast %mul3A_151 : vector<1x64xf32> to vector<16x64xf32>
    %mul3A_153 = arith.mulf %get3A_9, %mul3A_152 : vector<16x64xf32>
    %sub3A_154 = arith.subf %get3A_12, %add3A_39 : vector<1x64xf32>
    %mul3A_155 = arith.mulf %mul3A_151, %sub3A_154 : vector<1x64xf32>
    %add3A_156 = arith.addf %mul3A_155, %get3A_18 : vector<1x64xf32>
    %get3A_157 = arith.constant 0 : index
    %get3A_158 = arith.constant 0 : index
    %get3A_159 = vector.load %arg3[%get3A_157, %get3A_158] : memref<4096x384xf32, #tpu.memory_space<vmem>>, vector<4096x384xf32>
    %slice3A_160 = vector.extract_strided_slice %get3A_159 {offsets = [0, 0], sizes = [4096, 256], strides = [1, 1]} : vector<4096x384xf32> to vector<4096x256xf32>
    %slice3A_161 = vector.extract_strided_slice %get3A_159 {offsets = [0, 256], sizes = [4096, 16], strides = [1, 1]} : vector<4096x384xf32> to vector<4096x16xf32>
    %get3A_162 = arith.constant 0 : index
    %get3A_163 = arith.constant 0 : index
    %get3A_164 = arith.constant 0 : index
    %get3A_165 = vector.load %arg2[%get3A_162, %get3A_163, %get3A_164] : memref<1x256x16xf32, #tpu.memory_space<vmem>>, vector<1x256x16xf32>
    %get3A_166 = vector.shape_cast %get3A_165 : vector<1x256x16xf32> to vector<256x16xf32>
    %broadcast_in_dim3A_167 = vector.shape_cast %get3A_166 : vector<256x16xf32> to vector<256x1x16xf32>
    %broadcast_in_dim3A_168 = vector.shape_cast %broadcast_in_dim3A_167 : vector<256x1x16xf32> to vector<256x1x16xf32>
    %broadcast_in_dim3A_169 = vector.broadcast %broadcast_in_dim3A_168 : vector<256x1x16xf32> to vector<256x16x16xf32>
    %reshape3A = vector.shape_cast %broadcast_in_dim3A_169 : vector<256x16x16xf32> to vector<4096x16xf32>
    %sub3A_170 = arith.subf %reshape3A, %slice3A_161 : vector<4096x16xf32>
    %convert_element_type3A_171 = arith.truncf %sub3A_170 : vector<4096x16xf32> to vector<4096x16xbf16>
    %convert_element_type3A_172 = arith.truncf %mul3A_153 : vector<16x64xf32> to vector<16x64xbf16>
    %dot_general3A = arith.constant dense<0.000000e+00> : vector<4096x64xf32>
    %dot_general3A_173 = tpu.matmul %convert_element_type3A_171, %convert_element_type3A_172, %dot_general3A {dimension_numbers = #tpu.dot_dimension_numbers<[1], [0], [0], [1], [0, 0, 1, 1], [], []>, transpose_lhs_hint = false} : vector<4096x16xbf16>, vector<16x64xbf16>, vector<4096x64xf32> -> vector<4096x64xf32>
    %add3A_174 = vector.broadcast %add3A_156 : vector<1x64xf32> to vector<4096x64xf32>
    %add3A_175 = arith.addf %dot_general3A_173, %add3A_174 : vector<4096x64xf32>
    %max3A = arith.constant 0.000000e+00 : f32
    %max3A_176 = vector.broadcast %max3A : f32 to vector<4096x64xf32>
    %max3A_177 = arith.maximumf %add3A_175, %max3A_176 : vector<4096x64xf32>
    %get3A_178 = arith.constant 0 : index
    %get3A_179 = arith.constant 0 : index
    %get3A_180 = vector.load %arg10[%get3A_178, %get3A_179] : memref<64x256xf32, #tpu.memory_space<vmem>>, vector<64x256xf32>
    %convert_element_type3A_181 = arith.truncf %max3A_177 : vector<4096x64xf32> to vector<4096x64xbf16>
    %convert_element_type3A_182 = arith.truncf %get3A_180 : vector<64x256xf32> to vector<64x256xbf16>
    %dot_general3A_183 = arith.constant dense<0.000000e+00> : vector<4096x256xf32>
    %dot_general3A_184 = tpu.matmul %convert_element_type3A_181, %convert_element_type3A_182, %dot_general3A_183 {dimension_numbers = #tpu.dot_dimension_numbers<[1], [0], [0], [1], [0, 0, 1, 1], [], []>, transpose_lhs_hint = false} : vector<4096x64xbf16>, vector<64x256xbf16>, vector<4096x256xf32> -> vector<4096x256xf32>
    %get3A_185 = arith.constant 0 : index
    %get3A_186 = arith.constant 0 : index
    %get3A_187 = vector.load %arg11[%get3A_185, %get3A_186] : memref<1x256xf32, #tpu.memory_space<vmem>>, vector<1x256xf32>
    %add3A_188 = vector.broadcast %get3A_187 : vector<1x256xf32> to vector<4096x256xf32>
    %add3A_189 = arith.addf %dot_general3A_184, %add3A_188 : vector<4096x256xf32>
    %get3A_190 = arith.constant 0 : index
    %get3A_191 = arith.constant 0 : index
    %get3A_192 = arith.constant 0 : index
    %get3A_193 = vector.load %arg1[%get3A_190, %get3A_191, %get3A_192] : memref<1x256x256xf32, #tpu.memory_space<vmem>>, vector<1x256x256xf32>
    %get3A_194 = vector.shape_cast %get3A_193 : vector<1x256x256xf32> to vector<256x256xf32>
    %broadcast_in_dim3A_195 = vector.shape_cast %get3A_194 : vector<256x256xf32> to vector<256x1x256xf32>
    %broadcast_in_dim3A_196 = vector.shape_cast %broadcast_in_dim3A_195 : vector<256x1x256xf32> to vector<256x1x256xf32>
    %broadcast_in_dim3A_197 = vector.broadcast %broadcast_in_dim3A_196 : vector<256x1x256xf32> to vector<256x16x256xf32>
    %reshape3A_198 = vector.shape_cast %broadcast_in_dim3A_197 : vector<256x16x256xf32> to vector<4096x256xf32>
    %sub3A_199 = arith.subf %reshape3A_198, %slice3A_160 : vector<4096x256xf32>
    %add3A_200 = arith.addf %sub3A_199, %add3A_189 : vector<4096x256xf32>
    %get3A_201 = arith.constant 0 : index
    %get3A_202 = arith.constant 0 : index
    %get3A_203 = vector.load %arg14[%get3A_201, %get3A_202] : memref<1x256xf32, #tpu.memory_space<vmem>>, vector<1x256xf32>
    %reduce_sum3A = arith.constant dense<0.000000e+00> : vector<256xf32>
    %reduce_sum3A_204 = vector.multi_reduction <add>, %add3A_200, %reduce_sum3A [0] : vector<4096x256xf32> to vector<256xf32>
    %broadcast_in_dim3A_205 = vector.shape_cast %reduce_sum3A_204 : vector<256xf32> to vector<1x256xf32>
    %add3A_206 = arith.addf %get3A_203, %broadcast_in_dim3A_205 : vector<1x256xf32>
    %swap3A = arith.constant 0 : index
    %swap3A_207 = arith.constant 0 : index
    %swap3A_208 = vector.load %arg14[%swap3A, %swap3A_207] : memref<1x256xf32, #tpu.memory_space<vmem>>, vector<1x256xf32>
    tpu.vector_store %arg14[%swap3A, %swap3A_207], %add3A_206 {strides = array<i32>} : memref<1x256xf32, #tpu.memory_space<vmem>>, vector<1x256xf32>,
    %convert_element_type3A_209 = arith.truncf %add3A_200 : vector<4096x256xf32> to vector<4096x256xbf16>
    %get3A_210 = arith.constant 0 : index
    %get3A_211 = arith.constant 0 : index
    %get3A_212 = vector.load %arg15[%get3A_210, %get3A_211] : memref<256x256xf32, #tpu.memory_space<vmem>>, vector<256x256xf32>
    %dot_general3A_213 = arith.constant dense<0.000000e+00> : vector<256x256xf32>
    %dot_general3A_214 = tpu.matmul %convert_element_type3A_209, %convert_element_type3A_209, %dot_general3A_213 {dimension_numbers = #tpu.dot_dimension_numbers<[0], [0], [1], [1], [0, 1, 1, 1], [], []>, transpose_lhs_hint = false} : vector<4096x256xbf16>, vector<4096x256xbf16>, vector<256x256xf32> -> vector<256x256xf32>
    %add3A_215 = arith.addf %get3A_212, %dot_general3A_214 : vector<256x256xf32>
    %swap3A_216 = arith.constant 0 : index
    %swap3A_217 = arith.constant 0 : index
    %swap3A_218 = vector.load %arg15[%swap3A_216, %swap3A_217] : memref<256x256xf32, #tpu.memory_space<vmem>>, vector<256x256xf32>
    tpu.vector_store %arg15[%swap3A_216, %swap3A_217], %add3A_215 {strides = array<i32>} : memref<256x256xf32, #tpu.memory_space<vmem>>, vector<256x256xf32>,
    %eq3A_219 = arith.constant 7 : i32
    %eq3A_220 = arith.cmpi eq, %arg0, %eq3A_219 : i32
    %convert_element_type3A_221 = arith.extui %eq3A_220 : i1 to i32
    %cond3A_222 = arith.constant 0 : i32
    %cond3A_223 = arith.cmpi ne, %convert_element_type3A_221, %cond3A_222 : i32
    scf.if %cond3A_223 {
      %get3A_224 = arith.constant 0 : index
      %get3A_225 = arith.constant 0 : index
      %get3A_226 = vector.load %arg14[%get3A_224, %get3A_225] : memref<1x256xf32, #tpu.memory_space<vmem>>, vector<1x256xf32>
      %swap3A_227 = arith.constant 0 : index
      %swap3A_228 = arith.constant 0 : index
      %swap3A_229 = vector.load %arg12[%swap3A_227, %swap3A_228] : memref<1x256xf32, #tpu.memory_space<vmem>>, vector<1x256xf32>
      tpu.vector_store %arg12[%swap3A_227, %swap3A_228], %get3A_226 {strides = array<i32>} : memref<1x256xf32, #tpu.memory_space<vmem>>, vector<1x256xf32>,
      %get3A_230 = arith.constant 0 : index
      %get3A_231 = arith.constant 0 : index
      %get3A_232 = vector.load %arg15[%get3A_230, %get3A_231] : memref<256x256xf32, #tpu.memory_space<vmem>>, vector<256x256xf32>
      %swap3A_233 = arith.constant 0 : index
      %swap3A_234 = arith.constant 0 : index
      %swap3A_235 = vector.load %arg13[%swap3A_233, %swap3A_234] : memref<256x256xf32, #tpu.memory_space<vmem>>, vector<256x256xf32>
      tpu.vector_store %arg13[%swap3A_233, %swap3A_234], %get3A_232 {strides = array<i32>} : memref<256x256xf32, #tpu.memory_space<vmem>>, vector<256x256xf32>,
    } else {
    }
    return
  }
  func.func @transform_0(%arg0: i32) -> (i32, i32, i32) {
    %jit3A = arith.constant 4 : i32
    %div3A = arith.divsi %arg0, %jit3A : i32
    %sign3A = arith.constant 0 : i32
    %sign3A_0 = arith.cmpi sgt, %arg0, %sign3A : i32
    %sign3A_1 = arith.extui %sign3A_0 : i1 to i32
    %sign3A_2 = arith.constant 0 : i32
    %sign3A_3 = arith.cmpi slt, %arg0, %sign3A_2 : i32
    %sign3A_4 = arith.extui %sign3A_3 : i1 to i32
    %sign3A_5 = arith.subi %sign3A_1, %sign3A_4 : i32
    %sign3A_6 = arith.constant 0 : i32
    %sign3A_7 = arith.cmpi sgt, %jit3A, %sign3A_6 : i32
    %sign3A_8 = arith.extui %sign3A_7 : i1 to i32
    %sign3A_9 = arith.constant 0 : i32
    %sign3A_10 = arith.cmpi slt, %jit3A, %sign3A_9 : i32
    %sign3A_11 = arith.extui %sign3A_10 : i1 to i32
    %sign3A_12 = arith.subi %sign3A_8, %sign3A_11 : i32
    %ne3A = arith.cmpi ne, %sign3A_5, %sign3A_12 : i32
    %rem3A = arith.remsi %arg0, %jit3A : i32
    %ne3A_13 = arith.constant 0 : i32
    %ne3A_14 = arith.cmpi ne, %rem3A, %ne3A_13 : i32
    %and3A = arith.andi %ne3A, %ne3A_14 : i1
    %sub3A = arith.constant 1 : i32
    %sub3A_15 = arith.subi %div3A, %sub3A : i32
    %select_n3A = arith.select %and3A, %sub3A_15, %div3A : i32
    %jit3A_16 = arith.constant 4 : i32
    %eq3A = arith.constant 0 : i32
    %eq3A_17 = arith.cmpi eq, %jit3A_16, %eq3A : i32
    %jit3A_18 = arith.constant 1 : i32
    %select_n3A_19 = arith.select %eq3A_17, %jit3A_18, %jit3A_16 : i32
    %rem3A_20 = arith.remsi %arg0, %select_n3A_19 : i32
    %ne3A_21 = arith.constant 0 : i32
    %ne3A_22 = arith.cmpi ne, %rem3A_20, %ne3A_21 : i32
    %lt3A = arith.constant 0 : i32
    %lt3A_23 = arith.cmpi slt, %rem3A_20, %lt3A : i32
    %lt3A_24 = arith.constant 0 : i32
    %lt3A_25 = arith.cmpi slt, %select_n3A_19, %lt3A_24 : i32
    %ne3A_26 = arith.xori %lt3A_23, %lt3A_25 : i1
    %and3A_27 = arith.andi %ne3A_26, %ne3A_22 : i1
    %add3A = arith.addi %rem3A_20, %select_n3A_19 : i32
    %select_n3A_28 = arith.select %and3A_27, %add3A, %rem3A_20 : i32
    %c0_i32 = arith.constant 0 : i32
    %c0_i32_29 = arith.constant 0 : i32
    return %select_n3A, %select_n3A_28, %c0_i32 : i32, i32, i32
  }
  func.func @transform_1(%arg0: i32) -> (i32, i32, i32) {
    %jit3A = arith.constant 4 : i32
    %div3A = arith.divsi %arg0, %jit3A : i32
    %sign3A = arith.constant 0 : i32
    %sign3A_0 = arith.cmpi sgt, %arg0, %sign3A : i32
    %sign3A_1 = arith.extui %sign3A_0 : i1 to i32
    %sign3A_2 = arith.constant 0 : i32
    %sign3A_3 = arith.cmpi slt, %arg0, %sign3A_2 : i32
    %sign3A_4 = arith.extui %sign3A_3 : i1 to i32
    %sign3A_5 = arith.subi %sign3A_1, %sign3A_4 : i32
    %sign3A_6 = arith.constant 0 : i32
    %sign3A_7 = arith.cmpi sgt, %jit3A, %sign3A_6 : i32
    %sign3A_8 = arith.extui %sign3A_7 : i1 to i32
    %sign3A_9 = arith.constant 0 : i32
    %sign3A_10 = arith.cmpi slt, %jit3A, %sign3A_9 : i32
    %sign3A_11 = arith.extui %sign3A_10 : i1 to i32
    %sign3A_12 = arith.subi %sign3A_8, %sign3A_11 : i32
    %ne3A = arith.cmpi ne, %sign3A_5, %sign3A_12 : i32
    %rem3A = arith.remsi %arg0, %jit3A : i32
    %ne3A_13 = arith.constant 0 : i32
    %ne3A_14 = arith.cmpi ne, %rem3A, %ne3A_13 : i32
    %and3A = arith.andi %ne3A, %ne3A_14 : i1
    %sub3A = arith.constant 1 : i32
    %sub3A_15 = arith.subi %div3A, %sub3A : i32
    %select_n3A = arith.select %and3A, %sub3A_15, %div3A : i32
    %jit3A_16 = arith.constant 4 : i32
    %eq3A = arith.constant 0 : i32
    %eq3A_17 = arith.cmpi eq, %jit3A_16, %eq3A : i32
    %jit3A_18 = arith.constant 1 : i32
    %select_n3A_19 = arith.select %eq3A_17, %jit3A_18, %jit3A_16 : i32
    %rem3A_20 = arith.remsi %arg0, %select_n3A_19 : i32
    %ne3A_21 = arith.constant 0 : i32
    %ne3A_22 = arith.cmpi ne, %rem3A_20, %ne3A_21 : i32
    %lt3A = arith.constant 0 : i32
    %lt3A_23 = arith.cmpi slt, %rem3A_20, %lt3A : i32
    %lt3A_24 = arith.constant 0 : i32
    %lt3A_25 = arith.cmpi slt, %select_n3A_19, %lt3A_24 : i32
    %ne3A_26 = arith.xori %lt3A_23, %lt3A_25 : i1
    %and3A_27 = arith.andi %ne3A_26, %ne3A_22 : i1
    %add3A = arith.addi %rem3A_20, %select_n3A_19 : i32
    %select_n3A_28 = arith.select %and3A_27, %add3A, %rem3A_20 : i32
    %c0_i32 = arith.constant 0 : i32
    %c0_i32_29 = arith.constant 0 : i32
    return %select_n3A, %select_n3A_28, %c0_i32 : i32, i32, i32
  }
  func.func @transform_2(%arg0: i32) -> (i32, i32) {
    %c0_i32 = arith.constant 0 : i32
    %c0_i32_0 = arith.constant 0 : i32
    return %arg0, %c0_i32 : i32, i32
  }
  func.func @transform_3(%arg0: i32) -> (i32, i32) {
    %c0_i32 = arith.constant 0 : i32
    %c0_i32_0 = arith.constant 0 : i32
    %c0_i32_1 = arith.constant 0 : i32
    return %c0_i32, %c0_i32_0 : i32, i32
  }
  func.func @transform_4(%arg0: i32) -> (i32, i32) {
    %c0_i32 = arith.constant 0 : i32
    %c0_i32_0 = arith.constant 0 : i32
    %c0_i32_1 = arith.constant 0 : i32
    return %c0_i32, %c0_i32_0 : i32, i32
  }
  func.func @transform_5(%arg0: i32) -> (i32, i32) {
    %c0_i32 = arith.constant 0 : i32
    %c0_i32_0 = arith.constant 0 : i32
    %c0_i32_1 = arith.constant 0 : i32
    return %c0_i32, %c0_i32_0 : i32, i32
  }
  func.func @transform_6(%arg0: i32) -> (i32, i32) {
    %c0_i32 = arith.constant 0 : i32
    %c0_i32_0 = arith.constant 0 : i32
    %c0_i32_1 = arith.constant 0 : i32
    return %c0_i32, %c0_i32_0 : i32, i32
  }
  func.func @transform_7(%arg0: i32) -> (i32, i32) {
    %c0_i32 = arith.constant 0 : i32
    %c0_i32_0 = arith.constant 0 : i32
    %c0_i32_1 = arith.constant 0 : i32
    return %c0_i32, %c0_i32_0 : i32, i32
  }
  func.func @transform_8(%arg0: i32) -> (i32, i32) {
    %c0_i32 = arith.constant 0 : i32
    %c0_i32_0 = arith.constant 0 : i32
    %c0_i32_1 = arith.constant 0 : i32
    return %c0_i32, %c0_i32_0 : i32, i32
  }
  func.func @transform_9(%arg0: i32) -> (i32, i32) {
    %c0_i32 = arith.constant 0 : i32
    %c0_i32_0 = arith.constant 0 : i32
    %c0_i32_1 = arith.constant 0 : i32
    return %c0_i32, %c0_i32_0 : i32, i32
  }
  func.func @transform_10(%arg0: i32) -> (i32, i32) {
    %c0_i32 = arith.constant 0 : i32
    %c0_i32_0 = arith.constant 0 : i32
    %c0_i32_1 = arith.constant 0 : i32
    return %c0_i32, %c0_i32_0 : i32, i32
  }
  func.func @transform_11(%arg0: i32) -> (i32, i32) {
    %c0_i32 = arith.constant 0 : i32
    %c0_i32_0 = arith.constant 0 : i32
    %c0_i32_1 = arith.constant 0 : i32
    return %c0_i32, %c0_i32_0 : i32, i32
  }
  func.func @transform_12(%arg0: i32) -> (i32, i32) {
    %c0_i32 = arith.constant 0 : i32
    %c0_i32_0 = arith.constant 0 : i32
    %c0_i32_1 = arith.constant 0 : i32
    return %c0_i32, %c0_i32_0 : i32, i32
  }
}

module attributes {stable_mosaic.version = 14 : i64} {
  func.func @_final_body(%arg0: i32, %arg1: memref<1x256x256xf32, #tpu.memory_space<vmem>>, %arg2: memref<1x256x256xf32, #tpu.memory_space<vmem>>, %arg3: memref<1x128x256xf32, #tpu.memory_space<vmem>>, %arg4: memref<1x256x16xf32, #tpu.memory_space<vmem>>, %arg5: memref<4096x384xf32, #tpu.memory_space<vmem>>, %arg6: memref<1x16xf32, #tpu.memory_space<vmem>>, %arg7: memref<3x16xf32, #tpu.memory_space<vmem>>, %arg8: memref<16x64xf32, #tpu.memory_space<vmem>>, %arg9: memref<1x64xf32, #tpu.memory_space<vmem>>, %arg10: memref<1x64xf32, #tpu.memory_space<vmem>>, %arg11: memref<1x64xf32, #tpu.memory_space<vmem>>, %arg12: memref<64x256xf32, #tpu.memory_space<vmem>>, %arg13: memref<1x256xf32, #tpu.memory_space<vmem>>, %arg14: memref<256x1024xf32, #tpu.memory_space<vmem>>, %arg15: memref<1x1024xf32, #tpu.memory_space<vmem>>, %arg16: memref<1x256xf32, #tpu.memory_space<vmem>>, %arg17: memref<256x256xf32, #tpu.memory_space<vmem>>, %arg18: memref<1x1024xf32, #tpu.memory_space<vmem>>, %arg19: memref<1x1024xf32, #tpu.memory_space<vmem>>, %arg20: memref<1024x256xf32, #tpu.memory_space<vmem>>, %arg21: memref<1x256xf32, #tpu.memory_space<vmem>>, %arg22: memref<256x128xf32, #tpu.memory_space<vmem>>, %arg23: memref<1x128xf32, #tpu.memory_space<vmem>>, %arg24: memref<1x128x256xf32, #tpu.memory_space<vmem>>) attributes {dimension_semantics = [#tpu.dimension_semantics<arbitrary>], iteration_bounds = array<i64: 8>, scalar_prefetch = 0 : i64, scratch_operands = 0 : i64, tpu.core_type = #tpu.core_type<tc>, window_params = [{transform_indices = @transform_0, window_bounds = array<i64: 1, 256, 256>}, {transform_indices = @transform_1, window_bounds = array<i64: 1, 256, 256>}, {transform_indices = @transform_2, window_bounds = array<i64: 1, 128, 256>}, {transform_indices = @transform_3, window_bounds = array<i64: 1, 256, 16>}, {transform_indices = @transform_4, window_bounds = array<i64: 4096, 384>}, {pipeline_mode = #tpu.pipeline_mode<synchronous>, transform_indices = @transform_5, window_bounds = array<i64: 1, 16>}, {pipeline_mode = #tpu.pipeline_mode<synchronous>, transform_indices = @transform_6, window_bounds = array<i64: 3, 16>}, {pipeline_mode = #tpu.pipeline_mode<synchronous>, transform_indices = @transform_7, window_bounds = array<i64: 16, 64>}, {pipeline_mode = #tpu.pipeline_mode<synchronous>, transform_indices = @transform_8, window_bounds = array<i64: 1, 64>}, {pipeline_mode = #tpu.pipeline_mode<synchronous>, transform_indices = @transform_9, window_bounds = array<i64: 1, 64>}, {pipeline_mode = #tpu.pipeline_mode<synchronous>, transform_indices = @transform_10, window_bounds = array<i64: 1, 64>}, {pipeline_mode = #tpu.pipeline_mode<synchronous>, transform_indices = @transform_11, window_bounds = array<i64: 64, 256>}, {pipeline_mode = #tpu.pipeline_mode<synchronous>, transform_indices = @transform_12, window_bounds = array<i64: 1, 256>}, {pipeline_mode = #tpu.pipeline_mode<synchronous>, transform_indices = @transform_13, window_bounds = array<i64: 256, 1024>}, {pipeline_mode = #tpu.pipeline_mode<synchronous>, transform_indices = @transform_14, window_bounds = array<i64: 1, 1024>}, {pipeline_mode = #tpu.pipeline_mode<synchronous>, transform_indices = @transform_15, window_bounds = array<i64: 1, 256>}, {pipeline_mode = #tpu.pipeline_mode<synchronous>, transform_indices = @transform_16, window_bounds = array<i64: 256, 256>}, {pipeline_mode = #tpu.pipeline_mode<synchronous>, transform_indices = @transform_17, window_bounds = array<i64: 1, 1024>}, {pipeline_mode = #tpu.pipeline_mode<synchronous>, transform_indices = @transform_18, window_bounds = array<i64: 1, 1024>}, {pipeline_mode = #tpu.pipeline_mode<synchronous>, transform_indices = @transform_19, window_bounds = array<i64: 1024, 256>}, {pipeline_mode = #tpu.pipeline_mode<synchronous>, transform_indices = @transform_20, window_bounds = array<i64: 1, 256>}, {pipeline_mode = #tpu.pipeline_mode<synchronous>, transform_indices = @transform_21, window_bounds = array<i64: 256, 128>}, {pipeline_mode = #tpu.pipeline_mode<synchronous>, transform_indices = @transform_22, window_bounds = array<i64: 1, 128>}, {transform_indices = @transform_23, window_bounds = array<i64: 1, 128, 256>}]} {
    %get3A = arith.constant 0 : index
    %get3A_0 = arith.constant 0 : index
    %get3A_1 = vector.load %arg6[%get3A, %get3A_0] : memref<1x16xf32, #tpu.memory_space<vmem>>, vector<1x16xf32>
    %get3A_2 = arith.constant 0 : index
    %get3A_3 = arith.constant 0 : index
    %get3A_4 = vector.load %arg7[%get3A_2, %get3A_3] : memref<3x16xf32, #tpu.memory_space<vmem>>, vector<3x16xf32>
    %get3A_5 = arith.constant 0 : index
    %get3A_6 = arith.constant 0 : index
    %get3A_7 = vector.load %arg8[%get3A_5, %get3A_6] : memref<16x64xf32, #tpu.memory_space<vmem>>, vector<16x64xf32>
    %get3A_8 = arith.constant 0 : index
    %get3A_9 = arith.constant 0 : index
    %get3A_10 = vector.load %arg9[%get3A_8, %get3A_9] : memref<1x64xf32, #tpu.memory_space<vmem>>, vector<1x64xf32>
    %get3A_11 = arith.constant 0 : index
    %get3A_12 = arith.constant 0 : index
    %get3A_13 = vector.load %arg10[%get3A_11, %get3A_12] : memref<1x64xf32, #tpu.memory_space<vmem>>, vector<1x64xf32>
    %get3A_14 = arith.constant 0 : index
    %get3A_15 = arith.constant 0 : index
    %get3A_16 = vector.load %arg11[%get3A_14, %get3A_15] : memref<1x64xf32, #tpu.memory_space<vmem>>, vector<1x64xf32>
    %slice3A = vector.extract_strided_slice %get3A_1 {offsets = [0, 0], sizes = [1, 1], strides = [1, 1]} : vector<1x16xf32> to vector<1x1xf32>
    %mul3A = arith.constant 3.05175781E-5 : f32
    %mul3A_17 = vector.broadcast %mul3A : f32 to vector<1x1xf32>
    %mul3A_18 = arith.mulf %slice3A, %mul3A_17 : vector<1x1xf32>
    %slice3A_19 = vector.extract_strided_slice %get3A_1 {offsets = [0, 1], sizes = [1, 1], strides = [1, 1]} : vector<1x16xf32> to vector<1x1xf32>
    %mul3A_20 = arith.constant 3.05175781E-5 : f32
    %mul3A_21 = vector.broadcast %mul3A_20 : f32 to vector<1x1xf32>
    %mul3A_22 = arith.mulf %slice3A_19, %mul3A_21 : vector<1x1xf32>
    %slice3A_23 = vector.extract_strided_slice %get3A_1 {offsets = [0, 2], sizes = [1, 1], strides = [1, 1]} : vector<1x16xf32> to vector<1x1xf32>
    %mul3A_24 = arith.constant 3.05175781E-5 : f32
    %mul3A_25 = vector.broadcast %mul3A_24 : f32 to vector<1x1xf32>
    %mul3A_26 = arith.mulf %slice3A_23, %mul3A_25 : vector<1x1xf32>
    %slice3A_27 = vector.extract_strided_slice %get3A_7 {offsets = [0, 0], sizes = [1, 64], strides = [1, 1]} : vector<16x64xf32> to vector<1x64xf32>
    %mul3A_28 = vector.broadcast %mul3A_18 : vector<1x1xf32> to vector<1x64xf32>
    %mul3A_29 = arith.mulf %mul3A_28, %slice3A_27 : vector<1x64xf32>
    %add3A = arith.addf %get3A_10, %mul3A_29 : vector<1x64xf32>
    %slice3A_30 = vector.extract_strided_slice %get3A_7 {offsets = [1, 0], sizes = [1, 64], strides = [1, 1]} : vector<16x64xf32> to vector<1x64xf32>
    %mul3A_31 = vector.broadcast %mul3A_22 : vector<1x1xf32> to vector<1x64xf32>
    %mul3A_32 = arith.mulf %mul3A_31, %slice3A_30 : vector<1x64xf32>
    %add3A_33 = arith.addf %add3A, %mul3A_32 : vector<1x64xf32>
    %slice3A_34 = vector.extract_strided_slice %get3A_7 {offsets = [2, 0], sizes = [1, 64], strides = [1, 1]} : vector<16x64xf32> to vector<1x64xf32>
    %mul3A_35 = vector.broadcast %mul3A_26 : vector<1x1xf32> to vector<1x64xf32>
    %mul3A_36 = arith.mulf %mul3A_35, %slice3A_34 : vector<1x64xf32>
    %add3A_37 = arith.addf %add3A_33, %mul3A_36 : vector<1x64xf32>
    %broadcast_in_dim3A = arith.constant 0.000000e+00 : f32
    %broadcast_in_dim3A_38 = vector.broadcast %broadcast_in_dim3A : f32 to vector<1x64xf32>
    %slice3A_39 = vector.extract_strided_slice %get3A_4 {offsets = [0, 0], sizes = [1, 1], strides = [1, 1]} : vector<3x16xf32> to vector<1x1xf32>
    %mul3A_40 = arith.constant 3.05175781E-5 : f32
    %mul3A_41 = vector.broadcast %mul3A_40 : f32 to vector<1x1xf32>
    %mul3A_42 = arith.mulf %slice3A_39, %mul3A_41 : vector<1x1xf32>
    %mul3A_43 = arith.mulf %mul3A_18, %mul3A_18 : vector<1x1xf32>
    %sub3A = arith.subf %mul3A_42, %mul3A_43 : vector<1x1xf32>
    %slice3A_44 = vector.extract_strided_slice %get3A_7 {offsets = [0, 0], sizes = [1, 64], strides = [1, 1]} : vector<16x64xf32> to vector<1x64xf32>
    %slice3A_45 = vector.extract_strided_slice %get3A_7 {offsets = [0, 0], sizes = [1, 64], strides = [1, 1]} : vector<16x64xf32> to vector<1x64xf32>
    %mul3A_46 = arith.mulf %slice3A_44, %slice3A_45 : vector<1x64xf32>
    %mul3A_47 = vector.broadcast %sub3A : vector<1x1xf32> to vector<1x64xf32>
    %mul3A_48 = arith.mulf %mul3A_47, %mul3A_46 : vector<1x64xf32>
    %add3A_49 = arith.addf %broadcast_in_dim3A_38, %mul3A_48 : vector<1x64xf32>
    %slice3A_50 = vector.extract_strided_slice %get3A_4 {offsets = [0, 1], sizes = [1, 1], strides = [1, 1]} : vector<3x16xf32> to vector<1x1xf32>
    %mul3A_51 = arith.constant 3.05175781E-5 : f32
    %mul3A_52 = vector.broadcast %mul3A_51 : f32 to vector<1x1xf32>
    %mul3A_53 = arith.mulf %slice3A_50, %mul3A_52 : vector<1x1xf32>
    %mul3A_54 = arith.mulf %mul3A_18, %mul3A_22 : vector<1x1xf32>
    %sub3A_55 = arith.subf %mul3A_53, %mul3A_54 : vector<1x1xf32>
    %slice3A_56 = vector.extract_strided_slice %get3A_7 {offsets = [0, 0], sizes = [1, 64], strides = [1, 1]} : vector<16x64xf32> to vector<1x64xf32>
    %slice3A_57 = vector.extract_strided_slice %get3A_7 {offsets = [1, 0], sizes = [1, 64], strides = [1, 1]} : vector<16x64xf32> to vector<1x64xf32>
    %mul3A_58 = arith.mulf %slice3A_56, %slice3A_57 : vector<1x64xf32>
    %mul3A_59 = vector.broadcast %sub3A_55 : vector<1x1xf32> to vector<1x64xf32>
    %mul3A_60 = arith.mulf %mul3A_59, %mul3A_58 : vector<1x64xf32>
    %add3A_61 = arith.addf %add3A_49, %mul3A_60 : vector<1x64xf32>
    %slice3A_62 = vector.extract_strided_slice %get3A_4 {offsets = [0, 2], sizes = [1, 1], strides = [1, 1]} : vector<3x16xf32> to vector<1x1xf32>
    %mul3A_63 = arith.constant 3.05175781E-5 : f32
    %mul3A_64 = vector.broadcast %mul3A_63 : f32 to vector<1x1xf32>
    %mul3A_65 = arith.mulf %slice3A_62, %mul3A_64 : vector<1x1xf32>
    %mul3A_66 = arith.mulf %mul3A_18, %mul3A_26 : vector<1x1xf32>
    %sub3A_67 = arith.subf %mul3A_65, %mul3A_66 : vector<1x1xf32>
    %slice3A_68 = vector.extract_strided_slice %get3A_7 {offsets = [0, 0], sizes = [1, 64], strides = [1, 1]} : vector<16x64xf32> to vector<1x64xf32>
    %slice3A_69 = vector.extract_strided_slice %get3A_7 {offsets = [2, 0], sizes = [1, 64], strides = [1, 1]} : vector<16x64xf32> to vector<1x64xf32>
    %mul3A_70 = arith.mulf %slice3A_68, %slice3A_69 : vector<1x64xf32>
    %mul3A_71 = vector.broadcast %sub3A_67 : vector<1x1xf32> to vector<1x64xf32>
    %mul3A_72 = arith.mulf %mul3A_71, %mul3A_70 : vector<1x64xf32>
    %add3A_73 = arith.addf %add3A_61, %mul3A_72 : vector<1x64xf32>
    %slice3A_74 = vector.extract_strided_slice %get3A_4 {offsets = [1, 0], sizes = [1, 1], strides = [1, 1]} : vector<3x16xf32> to vector<1x1xf32>
    %mul3A_75 = arith.constant 3.05175781E-5 : f32
    %mul3A_76 = vector.broadcast %mul3A_75 : f32 to vector<1x1xf32>
    %mul3A_77 = arith.mulf %slice3A_74, %mul3A_76 : vector<1x1xf32>
    %mul3A_78 = arith.mulf %mul3A_22, %mul3A_18 : vector<1x1xf32>
    %sub3A_79 = arith.subf %mul3A_77, %mul3A_78 : vector<1x1xf32>
    %slice3A_80 = vector.extract_strided_slice %get3A_7 {offsets = [1, 0], sizes = [1, 64], strides = [1, 1]} : vector<16x64xf32> to vector<1x64xf32>
    %slice3A_81 = vector.extract_strided_slice %get3A_7 {offsets = [0, 0], sizes = [1, 64], strides = [1, 1]} : vector<16x64xf32> to vector<1x64xf32>
    %mul3A_82 = arith.mulf %slice3A_80, %slice3A_81 : vector<1x64xf32>
    %mul3A_83 = vector.broadcast %sub3A_79 : vector<1x1xf32> to vector<1x64xf32>
    %mul3A_84 = arith.mulf %mul3A_83, %mul3A_82 : vector<1x64xf32>
    %add3A_85 = arith.addf %add3A_73, %mul3A_84 : vector<1x64xf32>
    %slice3A_86 = vector.extract_strided_slice %get3A_4 {offsets = [1, 1], sizes = [1, 1], strides = [1, 1]} : vector<3x16xf32> to vector<1x1xf32>
    %mul3A_87 = arith.constant 3.05175781E-5 : f32
    %mul3A_88 = vector.broadcast %mul3A_87 : f32 to vector<1x1xf32>
    %mul3A_89 = arith.mulf %slice3A_86, %mul3A_88 : vector<1x1xf32>
    %mul3A_90 = arith.mulf %mul3A_22, %mul3A_22 : vector<1x1xf32>
    %sub3A_91 = arith.subf %mul3A_89, %mul3A_90 : vector<1x1xf32>
    %slice3A_92 = vector.extract_strided_slice %get3A_7 {offsets = [1, 0], sizes = [1, 64], strides = [1, 1]} : vector<16x64xf32> to vector<1x64xf32>
    %slice3A_93 = vector.extract_strided_slice %get3A_7 {offsets = [1, 0], sizes = [1, 64], strides = [1, 1]} : vector<16x64xf32> to vector<1x64xf32>
    %mul3A_94 = arith.mulf %slice3A_92, %slice3A_93 : vector<1x64xf32>
    %mul3A_95 = vector.broadcast %sub3A_91 : vector<1x1xf32> to vector<1x64xf32>
    %mul3A_96 = arith.mulf %mul3A_95, %mul3A_94 : vector<1x64xf32>
    %add3A_97 = arith.addf %add3A_85, %mul3A_96 : vector<1x64xf32>
    %slice3A_98 = vector.extract_strided_slice %get3A_4 {offsets = [1, 2], sizes = [1, 1], strides = [1, 1]} : vector<3x16xf32> to vector<1x1xf32>
    %mul3A_99 = arith.constant 3.05175781E-5 : f32
    %mul3A_100 = vector.broadcast %mul3A_99 : f32 to vector<1x1xf32>
    %mul3A_101 = arith.mulf %slice3A_98, %mul3A_100 : vector<1x1xf32>
    %mul3A_102 = arith.mulf %mul3A_22, %mul3A_26 : vector<1x1xf32>
    %sub3A_103 = arith.subf %mul3A_101, %mul3A_102 : vector<1x1xf32>
    %slice3A_104 = vector.extract_strided_slice %get3A_7 {offsets = [1, 0], sizes = [1, 64], strides = [1, 1]} : vector<16x64xf32> to vector<1x64xf32>
    %slice3A_105 = vector.extract_strided_slice %get3A_7 {offsets = [2, 0], sizes = [1, 64], strides = [1, 1]} : vector<16x64xf32> to vector<1x64xf32>
    %mul3A_106 = arith.mulf %slice3A_104, %slice3A_105 : vector<1x64xf32>
    %mul3A_107 = vector.broadcast %sub3A_103 : vector<1x1xf32> to vector<1x64xf32>
    %mul3A_108 = arith.mulf %mul3A_107, %mul3A_106 : vector<1x64xf32>
    %add3A_109 = arith.addf %add3A_97, %mul3A_108 : vector<1x64xf32>
    %slice3A_110 = vector.extract_strided_slice %get3A_4 {offsets = [2, 0], sizes = [1, 1], strides = [1, 1]} : vector<3x16xf32> to vector<1x1xf32>
    %mul3A_111 = arith.constant 3.05175781E-5 : f32
    %mul3A_112 = vector.broadcast %mul3A_111 : f32 to vector<1x1xf32>
    %mul3A_113 = arith.mulf %slice3A_110, %mul3A_112 : vector<1x1xf32>
    %mul3A_114 = arith.mulf %mul3A_26, %mul3A_18 : vector<1x1xf32>
    %sub3A_115 = arith.subf %mul3A_113, %mul3A_114 : vector<1x1xf32>
    %slice3A_116 = vector.extract_strided_slice %get3A_7 {offsets = [2, 0], sizes = [1, 64], strides = [1, 1]} : vector<16x64xf32> to vector<1x64xf32>
    %slice3A_117 = vector.extract_strided_slice %get3A_7 {offsets = [0, 0], sizes = [1, 64], strides = [1, 1]} : vector<16x64xf32> to vector<1x64xf32>
    %mul3A_118 = arith.mulf %slice3A_116, %slice3A_117 : vector<1x64xf32>
    %mul3A_119 = vector.broadcast %sub3A_115 : vector<1x1xf32> to vector<1x64xf32>
    %mul3A_120 = arith.mulf %mul3A_119, %mul3A_118 : vector<1x64xf32>
    %add3A_121 = arith.addf %add3A_109, %mul3A_120 : vector<1x64xf32>
    %slice3A_122 = vector.extract_strided_slice %get3A_4 {offsets = [2, 1], sizes = [1, 1], strides = [1, 1]} : vector<3x16xf32> to vector<1x1xf32>
    %mul3A_123 = arith.constant 3.05175781E-5 : f32
    %mul3A_124 = vector.broadcast %mul3A_123 : f32 to vector<1x1xf32>
    %mul3A_125 = arith.mulf %slice3A_122, %mul3A_124 : vector<1x1xf32>
    %mul3A_126 = arith.mulf %mul3A_26, %mul3A_22 : vector<1x1xf32>
    %sub3A_127 = arith.subf %mul3A_125, %mul3A_126 : vector<1x1xf32>
    %slice3A_128 = vector.extract_strided_slice %get3A_7 {offsets = [2, 0], sizes = [1, 64], strides = [1, 1]} : vector<16x64xf32> to vector<1x64xf32>
    %slice3A_129 = vector.extract_strided_slice %get3A_7 {offsets = [1, 0], sizes = [1, 64], strides = [1, 1]} : vector<16x64xf32> to vector<1x64xf32>
    %mul3A_130 = arith.mulf %slice3A_128, %slice3A_129 : vector<1x64xf32>
    %mul3A_131 = vector.broadcast %sub3A_127 : vector<1x1xf32> to vector<1x64xf32>
    %mul3A_132 = arith.mulf %mul3A_131, %mul3A_130 : vector<1x64xf32>
    %add3A_133 = arith.addf %add3A_121, %mul3A_132 : vector<1x64xf32>
    %slice3A_134 = vector.extract_strided_slice %get3A_4 {offsets = [2, 2], sizes = [1, 1], strides = [1, 1]} : vector<3x16xf32> to vector<1x1xf32>
    %mul3A_135 = arith.constant 3.05175781E-5 : f32
    %mul3A_136 = vector.broadcast %mul3A_135 : f32 to vector<1x1xf32>
    %mul3A_137 = arith.mulf %slice3A_134, %mul3A_136 : vector<1x1xf32>
    %mul3A_138 = arith.mulf %mul3A_26, %mul3A_26 : vector<1x1xf32>
    %sub3A_139 = arith.subf %mul3A_137, %mul3A_138 : vector<1x1xf32>
    %slice3A_140 = vector.extract_strided_slice %get3A_7 {offsets = [2, 0], sizes = [1, 64], strides = [1, 1]} : vector<16x64xf32> to vector<1x64xf32>
    %slice3A_141 = vector.extract_strided_slice %get3A_7 {offsets = [2, 0], sizes = [1, 64], strides = [1, 1]} : vector<16x64xf32> to vector<1x64xf32>
    %mul3A_142 = arith.mulf %slice3A_140, %slice3A_141 : vector<1x64xf32>
    %mul3A_143 = vector.broadcast %sub3A_139 : vector<1x1xf32> to vector<1x64xf32>
    %mul3A_144 = arith.mulf %mul3A_143, %mul3A_142 : vector<1x64xf32>
    %add3A_145 = arith.addf %add3A_133, %mul3A_144 : vector<1x64xf32>
    %add3A_146 = arith.constant 9.99999974E-6 : f32
    %add3A_147 = vector.broadcast %add3A_146 : f32 to vector<1x64xf32>
    %add3A_148 = arith.addf %add3A_145, %add3A_147 : vector<1x64xf32>
    %rsqrt3A = math.rsqrt %add3A_148 : vector<1x64xf32>
    %mul3A_149 = arith.mulf %get3A_13, %rsqrt3A : vector<1x64xf32>
    %mul3A_150 = vector.broadcast %mul3A_149 : vector<1x64xf32> to vector<16x64xf32>
    %mul3A_151 = arith.mulf %get3A_7, %mul3A_150 : vector<16x64xf32>
    %sub3A_152 = arith.subf %get3A_10, %add3A_37 : vector<1x64xf32>
    %mul3A_153 = arith.mulf %mul3A_149, %sub3A_152 : vector<1x64xf32>
    %add3A_154 = arith.addf %mul3A_153, %get3A_16 : vector<1x64xf32>
    %get3A_155 = arith.constant 0 : index
    %get3A_156 = arith.constant 0 : index
    %get3A_157 = vector.load %arg16[%get3A_155, %get3A_156] : memref<1x256xf32, #tpu.memory_space<vmem>>, vector<1x256xf32>
    %mul3A_158 = arith.constant 3.05175781E-5 : f32
    %mul3A_159 = vector.broadcast %mul3A_158 : f32 to vector<1x256xf32>
    %mul3A_160 = arith.mulf %get3A_157, %mul3A_159 : vector<1x256xf32>
    %get3A_161 = arith.constant 0 : index
    %get3A_162 = arith.constant 0 : index
    %get3A_163 = vector.load %arg14[%get3A_161, %get3A_162] : memref<256x1024xf32, #tpu.memory_space<vmem>>, vector<256x1024xf32>
    %dot_general3A = arith.constant dense<0.000000e+00> : vector<1x1024xf32>
    %dot_general3A_164 = tpu.matmul %mul3A_160, %get3A_163, %dot_general3A {dimension_numbers = #tpu.dot_dimension_numbers<[1], [0], [0], [1], [0, 0, 1, 1], [], []>, precision = #tpu.contract_precision<fp32>, transpose_lhs_hint = false} : vector<1x256xf32>, vector<256x1024xf32>, vector<1x1024xf32> -> vector<1x1024xf32>
    %get3A_165 = arith.constant 0 : index
    %get3A_166 = arith.constant 0 : index
    %get3A_167 = vector.load %arg17[%get3A_165, %get3A_166] : memref<256x256xf32, #tpu.memory_space<vmem>>, vector<256x256xf32>
    %mul3A_168 = arith.constant 3.05175781E-5 : f32
    %mul3A_169 = vector.broadcast %mul3A_168 : f32 to vector<256x256xf32>
    %mul3A_170 = arith.mulf %get3A_167, %mul3A_169 : vector<256x256xf32>
    %get3A_171 = arith.constant 0 : index
    %get3A_172 = arith.constant 0 : index
    %get3A_173 = vector.load %arg14[%get3A_171, %get3A_172] : memref<256x1024xf32, #tpu.memory_space<vmem>>, vector<256x1024xf32>
    %convert_element_type3A = arith.truncf %mul3A_170 : vector<256x256xf32> to vector<256x256xbf16>
    %convert_element_type3A_174 = arith.truncf %get3A_173 : vector<256x1024xf32> to vector<256x1024xbf16>
    %dot_general3A_175 = arith.constant dense<0.000000e+00> : vector<256x1024xf32>
    %dot_general3A_176 = tpu.matmul %convert_element_type3A, %convert_element_type3A_174, %dot_general3A_175 {dimension_numbers = #tpu.dot_dimension_numbers<[1], [0], [0], [1], [0, 0, 1, 1], [], []>, transpose_lhs_hint = false} : vector<256x256xbf16>, vector<256x1024xbf16>, vector<256x1024xf32> -> vector<256x1024xf32>
    %get3A_177 = arith.constant 0 : index
    %get3A_178 = arith.constant 0 : index
    %get3A_179 = vector.load %arg14[%get3A_177, %get3A_178] : memref<256x1024xf32, #tpu.memory_space<vmem>>, vector<256x1024xf32>
    %mul3A_180 = arith.mulf %get3A_179, %dot_general3A_176 : vector<256x1024xf32>
    %reduce_sum3A = arith.constant dense<0.000000e+00> : vector<1024xf32>
    %reduce_sum3A_181 = vector.multi_reduction <add>, %mul3A_180, %reduce_sum3A [0] : vector<256x1024xf32> to vector<1024xf32>
    %broadcast_in_dim3A_182 = vector.shape_cast %reduce_sum3A_181 : vector<1024xf32> to vector<1x1024xf32>
    %mul3A_183 = arith.mulf %dot_general3A_164, %dot_general3A_164 : vector<1x1024xf32>
    %sub3A_184 = arith.subf %broadcast_in_dim3A_182, %mul3A_183 : vector<1x1024xf32>
    %get3A_185 = arith.constant 0 : index
    %get3A_186 = arith.constant 0 : index
    %get3A_187 = vector.load %arg18[%get3A_185, %get3A_186] : memref<1x1024xf32, #tpu.memory_space<vmem>>, vector<1x1024xf32>
    %add3A_188 = arith.constant 9.99999974E-6 : f32
    %add3A_189 = vector.broadcast %add3A_188 : f32 to vector<1x1024xf32>
    %add3A_190 = arith.addf %sub3A_184, %add3A_189 : vector<1x1024xf32>
    %rsqrt3A_191 = math.rsqrt %add3A_190 : vector<1x1024xf32>
    %mul3A_192 = arith.mulf %get3A_187, %rsqrt3A_191 : vector<1x1024xf32>
    %get3A_193 = arith.constant 0 : index
    %get3A_194 = arith.constant 0 : index
    %get3A_195 = vector.load %arg19[%get3A_193, %get3A_194] : memref<1x1024xf32, #tpu.memory_space<vmem>>, vector<1x1024xf32>
    %get3A_196 = arith.constant 0 : index
    %get3A_197 = arith.constant 0 : index
    %get3A_198 = vector.load %arg15[%get3A_196, %get3A_197] : memref<1x1024xf32, #tpu.memory_space<vmem>>, vector<1x1024xf32>
    %add3A_199 = arith.addf %dot_general3A_164, %get3A_198 : vector<1x1024xf32>
    %mul3A_200 = arith.mulf %mul3A_192, %add3A_199 : vector<1x1024xf32>
    %sub3A_201 = arith.subf %get3A_195, %mul3A_200 : vector<1x1024xf32>
    %get3A_202 = arith.constant 0 : index
    %get3A_203 = arith.constant 0 : index
    %get3A_204 = vector.load %arg5[%get3A_202, %get3A_203] : memref<4096x384xf32, #tpu.memory_space<vmem>>, vector<4096x384xf32>
    %slice3A_205 = vector.extract_strided_slice %get3A_204 {offsets = [0, 0], sizes = [4096, 256], strides = [1, 1]} : vector<4096x384xf32> to vector<4096x256xf32>
    %slice3A_206 = vector.extract_strided_slice %get3A_204 {offsets = [0, 256], sizes = [4096, 16], strides = [1, 1]} : vector<4096x384xf32> to vector<4096x16xf32>
    %get3A_207 = arith.constant 0 : index
    %get3A_208 = arith.constant 0 : index
    %get3A_209 = arith.constant 0 : index
    %get3A_210 = vector.load %arg4[%get3A_207, %get3A_208, %get3A_209] : memref<1x256x16xf32, #tpu.memory_space<vmem>>, vector<1x256x16xf32>
    %get3A_211 = vector.shape_cast %get3A_210 : vector<1x256x16xf32> to vector<256x16xf32>
    %broadcast_in_dim3A_212 = vector.shape_cast %get3A_211 : vector<256x16xf32> to vector<256x1x16xf32>
    %broadcast_in_dim3A_213 = vector.shape_cast %broadcast_in_dim3A_212 : vector<256x1x16xf32> to vector<256x1x16xf32>
    %broadcast_in_dim3A_214 = vector.broadcast %broadcast_in_dim3A_213 : vector<256x1x16xf32> to vector<256x16x16xf32>
    %reshape3A = vector.shape_cast %broadcast_in_dim3A_214 : vector<256x16x16xf32> to vector<4096x16xf32>
    %sub3A_215 = arith.subf %reshape3A, %slice3A_206 : vector<4096x16xf32>
    %convert_element_type3A_216 = arith.truncf %sub3A_215 : vector<4096x16xf32> to vector<4096x16xbf16>
    %convert_element_type3A_217 = arith.truncf %mul3A_151 : vector<16x64xf32> to vector<16x64xbf16>
    %dot_general3A_218 = arith.constant dense<0.000000e+00> : vector<4096x64xf32>
    %dot_general3A_219 = tpu.matmul %convert_element_type3A_216, %convert_element_type3A_217, %dot_general3A_218 {dimension_numbers = #tpu.dot_dimension_numbers<[1], [0], [0], [1], [0, 0, 1, 1], [], []>, transpose_lhs_hint = false} : vector<4096x16xbf16>, vector<16x64xbf16>, vector<4096x64xf32> -> vector<4096x64xf32>
    %add3A_220 = vector.broadcast %add3A_154 : vector<1x64xf32> to vector<4096x64xf32>
    %add3A_221 = arith.addf %dot_general3A_219, %add3A_220 : vector<4096x64xf32>
    %max3A = arith.constant 0.000000e+00 : f32
    %max3A_222 = vector.broadcast %max3A : f32 to vector<4096x64xf32>
    %max3A_223 = arith.maximumf %add3A_221, %max3A_222 : vector<4096x64xf32>
    %get3A_224 = arith.constant 0 : index
    %get3A_225 = arith.constant 0 : index
    %get3A_226 = vector.load %arg12[%get3A_224, %get3A_225] : memref<64x256xf32, #tpu.memory_space<vmem>>, vector<64x256xf32>
    %convert_element_type3A_227 = arith.truncf %max3A_223 : vector<4096x64xf32> to vector<4096x64xbf16>
    %convert_element_type3A_228 = arith.truncf %get3A_226 : vector<64x256xf32> to vector<64x256xbf16>
    %dot_general3A_229 = arith.constant dense<0.000000e+00> : vector<4096x256xf32>
    %dot_general3A_230 = tpu.matmul %convert_element_type3A_227, %convert_element_type3A_228, %dot_general3A_229 {dimension_numbers = #tpu.dot_dimension_numbers<[1], [0], [0], [1], [0, 0, 1, 1], [], []>, transpose_lhs_hint = false} : vector<4096x64xbf16>, vector<64x256xbf16>, vector<4096x256xf32> -> vector<4096x256xf32>
    %get3A_231 = arith.constant 0 : index
    %get3A_232 = arith.constant 0 : index
    %get3A_233 = vector.load %arg13[%get3A_231, %get3A_232] : memref<1x256xf32, #tpu.memory_space<vmem>>, vector<1x256xf32>
    %add3A_234 = vector.broadcast %get3A_233 : vector<1x256xf32> to vector<4096x256xf32>
    %add3A_235 = arith.addf %dot_general3A_230, %add3A_234 : vector<4096x256xf32>
    %get3A_236 = arith.constant 0 : index
    %get3A_237 = arith.constant 0 : index
    %get3A_238 = arith.constant 0 : index
    %get3A_239 = vector.load %arg1[%get3A_236, %get3A_237, %get3A_238] : memref<1x256x256xf32, #tpu.memory_space<vmem>>, vector<1x256x256xf32>
    %get3A_240 = vector.shape_cast %get3A_239 : vector<1x256x256xf32> to vector<256x256xf32>
    %broadcast_in_dim3A_241 = vector.shape_cast %get3A_240 : vector<256x256xf32> to vector<256x1x256xf32>
    %broadcast_in_dim3A_242 = vector.shape_cast %broadcast_in_dim3A_241 : vector<256x1x256xf32> to vector<256x1x256xf32>
    %broadcast_in_dim3A_243 = vector.broadcast %broadcast_in_dim3A_242 : vector<256x1x256xf32> to vector<256x16x256xf32>
    %reshape3A_244 = vector.shape_cast %broadcast_in_dim3A_243 : vector<256x16x256xf32> to vector<4096x256xf32>
    %sub3A_245 = arith.subf %reshape3A_244, %slice3A_205 : vector<4096x256xf32>
    %add3A_246 = arith.addf %sub3A_245, %add3A_235 : vector<4096x256xf32>
    %get3A_247 = arith.constant 0 : index
    %get3A_248 = arith.constant 0 : index
    %get3A_249 = vector.load %arg14[%get3A_247, %get3A_248] : memref<256x1024xf32, #tpu.memory_space<vmem>>, vector<256x1024xf32>
    %convert_element_type3A_250 = arith.truncf %add3A_246 : vector<4096x256xf32> to vector<4096x256xbf16>
    %convert_element_type3A_251 = arith.truncf %get3A_249 : vector<256x1024xf32> to vector<256x1024xbf16>
    %dot_general3A_252 = arith.constant dense<0.000000e+00> : vector<4096x1024xf32>
    %dot_general3A_253 = tpu.matmul %convert_element_type3A_250, %convert_element_type3A_251, %dot_general3A_252 {dimension_numbers = #tpu.dot_dimension_numbers<[1], [0], [0], [1], [0, 0, 1, 1], [], []>, transpose_lhs_hint = false} : vector<4096x256xbf16>, vector<256x1024xbf16>, vector<4096x1024xf32> -> vector<4096x1024xf32>
    %mul3A_254 = vector.broadcast %mul3A_192 : vector<1x1024xf32> to vector<4096x1024xf32>
    %mul3A_255 = arith.mulf %dot_general3A_253, %mul3A_254 : vector<4096x1024xf32>
    %add3A_256 = vector.broadcast %sub3A_201 : vector<1x1024xf32> to vector<4096x1024xf32>
    %add3A_257 = arith.addf %mul3A_255, %add3A_256 : vector<4096x1024xf32>
    %max3A_258 = arith.constant 0.000000e+00 : f32
    %max3A_259 = vector.broadcast %max3A_258 : f32 to vector<4096x1024xf32>
    %max3A_260 = arith.maximumf %add3A_257, %max3A_259 : vector<4096x1024xf32>
    %convert_element_type3A_261 = arith.truncf %max3A_260 : vector<4096x1024xf32> to vector<4096x1024xbf16>
    %get3A_262 = arith.constant 0 : index
    %get3A_263 = arith.constant 0 : index
    %get3A_264 = vector.load %arg20[%get3A_262, %get3A_263] : memref<1024x256xf32, #tpu.memory_space<vmem>>, vector<1024x256xf32>
    %convert_element_type3A_265 = arith.truncf %get3A_264 : vector<1024x256xf32> to vector<1024x256xbf16>
    %dot_general3A_266 = arith.constant dense<0.000000e+00> : vector<4096x256xf32>
    %dot_general3A_267 = tpu.matmul %convert_element_type3A_261, %convert_element_type3A_265, %dot_general3A_266 {dimension_numbers = #tpu.dot_dimension_numbers<[1], [0], [0], [1], [0, 0, 1, 1], [], []>, transpose_lhs_hint = false} : vector<4096x1024xbf16>, vector<1024x256xbf16>, vector<4096x256xf32> -> vector<4096x256xf32>
    %get3A_268 = arith.constant 0 : index
    %get3A_269 = arith.constant 0 : index
    %get3A_270 = vector.load %arg21[%get3A_268, %get3A_269] : memref<1x256xf32, #tpu.memory_space<vmem>>, vector<1x256xf32>
    %add3A_271 = vector.broadcast %get3A_270 : vector<1x256xf32> to vector<4096x256xf32>
    %add3A_272 = arith.addf %dot_general3A_267, %add3A_271 : vector<4096x256xf32>
    %reshape3A_273 = vector.shape_cast %add3A_272 : vector<4096x256xf32> to vector<256x16x256xf32>
    %reduce_max3A = arith.constant dense<0xFF800000> : vector<256x256xf32>
    %reduce_max3A_274 = vector.multi_reduction <maximumf>, %reshape3A_273, %reduce_max3A [1] : vector<256x16x256xf32> to vector<256x256xf32>
    %broadcast_in_dim3A_275 = vector.shape_cast %reduce_max3A_274 : vector<256x256xf32> to vector<256x1x256xf32>
    %sub3A_276 = vector.broadcast %broadcast_in_dim3A_275 : vector<256x1x256xf32> to vector<256x16x256xf32>
    %sub3A_277 = arith.subf %reshape3A_273, %sub3A_276 : vector<256x16x256xf32>
    %exp3A = math.exp %sub3A_277 : vector<256x16x256xf32>
    %neg3A = arith.constant 0.000000e+00 : f32
    %neg3A_278 = vector.broadcast %neg3A : f32 to vector<256x1x256xf32>
    %neg3A_279 = arith.subf %neg3A_278, %broadcast_in_dim3A_275 : vector<256x1x256xf32>
    %exp3A_280 = math.exp %neg3A_279 : vector<256x1x256xf32>
    %reduce_sum3A_281 = arith.constant dense<0.000000e+00> : vector<256x256xf32>
    %reduce_sum3A_282 = vector.multi_reduction <add>, %exp3A, %reduce_sum3A_281 [1] : vector<256x16x256xf32> to vector<256x256xf32>
    %broadcast_in_dim3A_283 = vector.shape_cast %reduce_sum3A_282 : vector<256x256xf32> to vector<256x1x256xf32>
    %add3A_284 = arith.addf %exp3A_280, %broadcast_in_dim3A_283 : vector<256x1x256xf32>
    %div3A = vector.broadcast %add3A_284 : vector<256x1x256xf32> to vector<256x16x256xf32>
    %div3A_285 = arith.divf %exp3A, %div3A : vector<256x16x256xf32>
    %get3A_286 = arith.constant 0 : index
    %get3A_287 = arith.constant 0 : index
    %get3A_288 = arith.constant 0 : index
    %get3A_289 = vector.load %arg2[%get3A_286, %get3A_287, %get3A_288] : memref<1x256x256xf32, #tpu.memory_space<vmem>>, vector<1x256x256xf32>
    %get3A_290 = vector.shape_cast %get3A_289 : vector<1x256x256xf32> to vector<256x256xf32>
    %broadcast_in_dim3A_291 = vector.shape_cast %get3A_290 : vector<256x256xf32> to vector<256x1x256xf32>
    %broadcast_in_dim3A_292 = vector.shape_cast %broadcast_in_dim3A_291 : vector<256x1x256xf32> to vector<256x1x256xf32>
    %broadcast_in_dim3A_293 = vector.broadcast %broadcast_in_dim3A_292 : vector<256x1x256xf32> to vector<256x16x256xf32>
    %reshape3A_294 = vector.shape_cast %broadcast_in_dim3A_293 : vector<256x16x256xf32> to vector<4096x256xf32>
    %add3A_295 = arith.addf %reshape3A_294, %add3A_235 : vector<4096x256xf32>
    %reshape3A_296 = vector.shape_cast %add3A_295 : vector<4096x256xf32> to vector<256x16x256xf32>
    %mul3A_297 = arith.mulf %div3A_285, %reshape3A_296 : vector<256x16x256xf32>
    %reduce_sum3A_298 = arith.constant dense<0.000000e+00> : vector<256x256xf32>
    %reduce_sum3A_299 = vector.multi_reduction <add>, %mul3A_297, %reduce_sum3A_298 [1] : vector<256x16x256xf32> to vector<256x256xf32>
    %get3A_300 = arith.constant 0 : index
    %get3A_301 = arith.constant 0 : index
    %get3A_302 = vector.load %arg22[%get3A_300, %get3A_301] : memref<256x128xf32, #tpu.memory_space<vmem>>, vector<256x128xf32>
    %dot_general3A_303 = arith.constant dense<0.000000e+00> : vector<256x128xf32>
    %dot_general3A_304 = tpu.matmul %reduce_sum3A_299, %get3A_302, %dot_general3A_303 {dimension_numbers = #tpu.dot_dimension_numbers<[1], [0], [0], [1], [0, 0, 1, 1], [], []>, precision = #tpu.contract_precision<fp32>, transpose_lhs_hint = false} : vector<256x256xf32>, vector<256x128xf32>, vector<256x128xf32> -> vector<256x128xf32>
    %get3A_305 = arith.constant 0 : index
    %get3A_306 = arith.constant 0 : index
    %get3A_307 = vector.load %arg23[%get3A_305, %get3A_306] : memref<1x128xf32, #tpu.memory_space<vmem>>, vector<1x128xf32>
    %add3A_308 = vector.broadcast %get3A_307 : vector<1x128xf32> to vector<256x128xf32>
    %add3A_309 = arith.addf %dot_general3A_304, %add3A_308 : vector<256x128xf32>
    %transpose3A = tpu.transpose %add3A_309, [1, 0] : vector<256x128xf32> -> vector<128x256xf32>
    %get3A_310 = arith.constant 0 : index
    %get3A_311 = arith.constant 0 : index
    %get3A_312 = arith.constant 0 : index
    %get3A_313 = vector.load %arg3[%get3A_310, %get3A_311, %get3A_312] : memref<1x128x256xf32, #tpu.memory_space<vmem>>, vector<1x128x256xf32>
    %get3A_314 = vector.shape_cast %get3A_313 : vector<1x128x256xf32> to vector<128x256xf32>
    %add3A_315 = arith.addf %transpose3A, %get3A_314 : vector<128x256xf32>
    %swap3A = arith.constant 0 : index
    %swap3A_316 = arith.constant 0 : index
    %swap3A_317 = arith.constant 0 : index
    %swap3A_318 = vector.load %arg24[%swap3A, %swap3A_316, %swap3A_317] : memref<1x128x256xf32, #tpu.memory_space<vmem>>, vector<1x128x256xf32>
    %swap3A_319 = vector.shape_cast %swap3A_318 : vector<1x128x256xf32> to vector<128x256xf32>
    %swap3A_320 = vector.shape_cast %add3A_315 : vector<128x256xf32> to vector<1x128x256xf32>
    tpu.vector_store %arg24[%swap3A, %swap3A_316, %swap3A_317], %swap3A_320 {strides = array<i32>} : memref<1x128x256xf32, #tpu.memory_space<vmem>>, vector<1x128x256xf32>,
    return
  }
  func.func @transform_0(%arg0: i32) -> (i32, i32, i32) {
    %jit3A = arith.constant 4 : i32
    %div3A = arith.divsi %arg0, %jit3A : i32
    %sign3A = arith.constant 0 : i32
    %sign3A_0 = arith.cmpi sgt, %arg0, %sign3A : i32
    %sign3A_1 = arith.extui %sign3A_0 : i1 to i32
    %sign3A_2 = arith.constant 0 : i32
    %sign3A_3 = arith.cmpi slt, %arg0, %sign3A_2 : i32
    %sign3A_4 = arith.extui %sign3A_3 : i1 to i32
    %sign3A_5 = arith.subi %sign3A_1, %sign3A_4 : i32
    %sign3A_6 = arith.constant 0 : i32
    %sign3A_7 = arith.cmpi sgt, %jit3A, %sign3A_6 : i32
    %sign3A_8 = arith.extui %sign3A_7 : i1 to i32
    %sign3A_9 = arith.constant 0 : i32
    %sign3A_10 = arith.cmpi slt, %jit3A, %sign3A_9 : i32
    %sign3A_11 = arith.extui %sign3A_10 : i1 to i32
    %sign3A_12 = arith.subi %sign3A_8, %sign3A_11 : i32
    %ne3A = arith.cmpi ne, %sign3A_5, %sign3A_12 : i32
    %rem3A = arith.remsi %arg0, %jit3A : i32
    %ne3A_13 = arith.constant 0 : i32
    %ne3A_14 = arith.cmpi ne, %rem3A, %ne3A_13 : i32
    %and3A = arith.andi %ne3A, %ne3A_14 : i1
    %sub3A = arith.constant 1 : i32
    %sub3A_15 = arith.subi %div3A, %sub3A : i32
    %select_n3A = arith.select %and3A, %sub3A_15, %div3A : i32
    %jit3A_16 = arith.constant 4 : i32
    %eq3A = arith.constant 0 : i32
    %eq3A_17 = arith.cmpi eq, %jit3A_16, %eq3A : i32
    %jit3A_18 = arith.constant 1 : i32
    %select_n3A_19 = arith.select %eq3A_17, %jit3A_18, %jit3A_16 : i32
    %rem3A_20 = arith.remsi %arg0, %select_n3A_19 : i32
    %ne3A_21 = arith.constant 0 : i32
    %ne3A_22 = arith.cmpi ne, %rem3A_20, %ne3A_21 : i32
    %lt3A = arith.constant 0 : i32
    %lt3A_23 = arith.cmpi slt, %rem3A_20, %lt3A : i32
    %lt3A_24 = arith.constant 0 : i32
    %lt3A_25 = arith.cmpi slt, %select_n3A_19, %lt3A_24 : i32
    %ne3A_26 = arith.xori %lt3A_23, %lt3A_25 : i1
    %and3A_27 = arith.andi %ne3A_26, %ne3A_22 : i1
    %add3A = arith.addi %rem3A_20, %select_n3A_19 : i32
    %select_n3A_28 = arith.select %and3A_27, %add3A, %rem3A_20 : i32
    %c0_i32 = arith.constant 0 : i32
    %c0_i32_29 = arith.constant 0 : i32
    return %select_n3A, %select_n3A_28, %c0_i32 : i32, i32, i32
  }
  func.func @transform_1(%arg0: i32) -> (i32, i32, i32) {
    %jit3A = arith.constant 4 : i32
    %div3A = arith.divsi %arg0, %jit3A : i32
    %sign3A = arith.constant 0 : i32
    %sign3A_0 = arith.cmpi sgt, %arg0, %sign3A : i32
    %sign3A_1 = arith.extui %sign3A_0 : i1 to i32
    %sign3A_2 = arith.constant 0 : i32
    %sign3A_3 = arith.cmpi slt, %arg0, %sign3A_2 : i32
    %sign3A_4 = arith.extui %sign3A_3 : i1 to i32
    %sign3A_5 = arith.subi %sign3A_1, %sign3A_4 : i32
    %sign3A_6 = arith.constant 0 : i32
    %sign3A_7 = arith.cmpi sgt, %jit3A, %sign3A_6 : i32
    %sign3A_8 = arith.extui %sign3A_7 : i1 to i32
    %sign3A_9 = arith.constant 0 : i32
    %sign3A_10 = arith.cmpi slt, %jit3A, %sign3A_9 : i32
    %sign3A_11 = arith.extui %sign3A_10 : i1 to i32
    %sign3A_12 = arith.subi %sign3A_8, %sign3A_11 : i32
    %ne3A = arith.cmpi ne, %sign3A_5, %sign3A_12 : i32
    %rem3A = arith.remsi %arg0, %jit3A : i32
    %ne3A_13 = arith.constant 0 : i32
    %ne3A_14 = arith.cmpi ne, %rem3A, %ne3A_13 : i32
    %and3A = arith.andi %ne3A, %ne3A_14 : i1
    %sub3A = arith.constant 1 : i32
    %sub3A_15 = arith.subi %div3A, %sub3A : i32
    %select_n3A = arith.select %and3A, %sub3A_15, %div3A : i32
    %jit3A_16 = arith.constant 4 : i32
    %eq3A = arith.constant 0 : i32
    %eq3A_17 = arith.cmpi eq, %jit3A_16, %eq3A : i32
    %jit3A_18 = arith.constant 1 : i32
    %select_n3A_19 = arith.select %eq3A_17, %jit3A_18, %jit3A_16 : i32
    %rem3A_20 = arith.remsi %arg0, %select_n3A_19 : i32
    %ne3A_21 = arith.constant 0 : i32
    %ne3A_22 = arith.cmpi ne, %rem3A_20, %ne3A_21 : i32
    %lt3A = arith.constant 0 : i32
    %lt3A_23 = arith.cmpi slt, %rem3A_20, %lt3A : i32
    %lt3A_24 = arith.constant 0 : i32
    %lt3A_25 = arith.cmpi slt, %select_n3A_19, %lt3A_24 : i32
    %ne3A_26 = arith.xori %lt3A_23, %lt3A_25 : i1
    %and3A_27 = arith.andi %ne3A_26, %ne3A_22 : i1
    %add3A = arith.addi %rem3A_20, %select_n3A_19 : i32
    %select_n3A_28 = arith.select %and3A_27, %add3A, %rem3A_20 : i32
    %c0_i32 = arith.constant 0 : i32
    %c0_i32_29 = arith.constant 0 : i32
    return %select_n3A, %select_n3A_28, %c0_i32 : i32, i32, i32
  }
  func.func @transform_2(%arg0: i32) -> (i32, i32, i32) {
    %jit3A = arith.constant 4 : i32
    %div3A = arith.divsi %arg0, %jit3A : i32
    %sign3A = arith.constant 0 : i32
    %sign3A_0 = arith.cmpi sgt, %arg0, %sign3A : i32
    %sign3A_1 = arith.extui %sign3A_0 : i1 to i32
    %sign3A_2 = arith.constant 0 : i32
    %sign3A_3 = arith.cmpi slt, %arg0, %sign3A_2 : i32
    %sign3A_4 = arith.extui %sign3A_3 : i1 to i32
    %sign3A_5 = arith.subi %sign3A_1, %sign3A_4 : i32
    %sign3A_6 = arith.constant 0 : i32
    %sign3A_7 = arith.cmpi sgt, %jit3A, %sign3A_6 : i32
    %sign3A_8 = arith.extui %sign3A_7 : i1 to i32
    %sign3A_9 = arith.constant 0 : i32
    %sign3A_10 = arith.cmpi slt, %jit3A, %sign3A_9 : i32
    %sign3A_11 = arith.extui %sign3A_10 : i1 to i32
    %sign3A_12 = arith.subi %sign3A_8, %sign3A_11 : i32
    %ne3A = arith.cmpi ne, %sign3A_5, %sign3A_12 : i32
    %rem3A = arith.remsi %arg0, %jit3A : i32
    %ne3A_13 = arith.constant 0 : i32
    %ne3A_14 = arith.cmpi ne, %rem3A, %ne3A_13 : i32
    %and3A = arith.andi %ne3A, %ne3A_14 : i1
    %sub3A = arith.constant 1 : i32
    %sub3A_15 = arith.subi %div3A, %sub3A : i32
    %select_n3A = arith.select %and3A, %sub3A_15, %div3A : i32
    %jit3A_16 = arith.constant 4 : i32
    %eq3A = arith.constant 0 : i32
    %eq3A_17 = arith.cmpi eq, %jit3A_16, %eq3A : i32
    %jit3A_18 = arith.constant 1 : i32
    %select_n3A_19 = arith.select %eq3A_17, %jit3A_18, %jit3A_16 : i32
    %rem3A_20 = arith.remsi %arg0, %select_n3A_19 : i32
    %ne3A_21 = arith.constant 0 : i32
    %ne3A_22 = arith.cmpi ne, %rem3A_20, %ne3A_21 : i32
    %lt3A = arith.constant 0 : i32
    %lt3A_23 = arith.cmpi slt, %rem3A_20, %lt3A : i32
    %lt3A_24 = arith.constant 0 : i32
    %lt3A_25 = arith.cmpi slt, %select_n3A_19, %lt3A_24 : i32
    %ne3A_26 = arith.xori %lt3A_23, %lt3A_25 : i1
    %and3A_27 = arith.andi %ne3A_26, %ne3A_22 : i1
    %add3A = arith.addi %rem3A_20, %select_n3A_19 : i32
    %select_n3A_28 = arith.select %and3A_27, %add3A, %rem3A_20 : i32
    %c0_i32 = arith.constant 0 : i32
    %c0_i32_29 = arith.constant 0 : i32
    return %select_n3A, %c0_i32, %select_n3A_28 : i32, i32, i32
  }
  func.func @transform_3(%arg0: i32) -> (i32, i32, i32) {
    %jit3A = arith.constant 4 : i32
    %div3A = arith.divsi %arg0, %jit3A : i32
    %sign3A = arith.constant 0 : i32
    %sign3A_0 = arith.cmpi sgt, %arg0, %sign3A : i32
    %sign3A_1 = arith.extui %sign3A_0 : i1 to i32
    %sign3A_2 = arith.constant 0 : i32
    %sign3A_3 = arith.cmpi slt, %arg0, %sign3A_2 : i32
    %sign3A_4 = arith.extui %sign3A_3 : i1 to i32
    %sign3A_5 = arith.subi %sign3A_1, %sign3A_4 : i32
    %sign3A_6 = arith.constant 0 : i32
    %sign3A_7 = arith.cmpi sgt, %jit3A, %sign3A_6 : i32
    %sign3A_8 = arith.extui %sign3A_7 : i1 to i32
    %sign3A_9 = arith.constant 0 : i32
    %sign3A_10 = arith.cmpi slt, %jit3A, %sign3A_9 : i32
    %sign3A_11 = arith.extui %sign3A_10 : i1 to i32
    %sign3A_12 = arith.subi %sign3A_8, %sign3A_11 : i32
    %ne3A = arith.cmpi ne, %sign3A_5, %sign3A_12 : i32
    %rem3A = arith.remsi %arg0, %jit3A : i32
    %ne3A_13 = arith.constant 0 : i32
    %ne3A_14 = arith.cmpi ne, %rem3A, %ne3A_13 : i32
    %and3A = arith.andi %ne3A, %ne3A_14 : i1
    %sub3A = arith.constant 1 : i32
    %sub3A_15 = arith.subi %div3A, %sub3A : i32
    %select_n3A = arith.select %and3A, %sub3A_15, %div3A : i32
    %jit3A_16 = arith.constant 4 : i32
    %eq3A = arith.constant 0 : i32
    %eq3A_17 = arith.cmpi eq, %jit3A_16, %eq3A : i32
    %jit3A_18 = arith.constant 1 : i32
    %select_n3A_19 = arith.select %eq3A_17, %jit3A_18, %jit3A_16 : i32
    %rem3A_20 = arith.remsi %arg0, %select_n3A_19 : i32
    %ne3A_21 = arith.constant 0 : i32
    %ne3A_22 = arith.cmpi ne, %rem3A_20, %ne3A_21 : i32
    %lt3A = arith.constant 0 : i32
    %lt3A_23 = arith.cmpi slt, %rem3A_20, %lt3A : i32
    %lt3A_24 = arith.constant 0 : i32
    %lt3A_25 = arith.cmpi slt, %select_n3A_19, %lt3A_24 : i32
    %ne3A_26 = arith.xori %lt3A_23, %lt3A_25 : i1
    %and3A_27 = arith.andi %ne3A_26, %ne3A_22 : i1
    %add3A = arith.addi %rem3A_20, %select_n3A_19 : i32
    %select_n3A_28 = arith.select %and3A_27, %add3A, %rem3A_20 : i32
    %c0_i32 = arith.constant 0 : i32
    %c0_i32_29 = arith.constant 0 : i32
    return %select_n3A, %select_n3A_28, %c0_i32 : i32, i32, i32
  }
  func.func @transform_4(%arg0: i32) -> (i32, i32) {
    %c0_i32 = arith.constant 0 : i32
    %c0_i32_0 = arith.constant 0 : i32
    return %arg0, %c0_i32 : i32, i32
  }
  func.func @transform_5(%arg0: i32) -> (i32, i32) {
    %c0_i32 = arith.constant 0 : i32
    %c0_i32_0 = arith.constant 0 : i32
    %c0_i32_1 = arith.constant 0 : i32
    return %c0_i32, %c0_i32_0 : i32, i32
  }
  func.func @transform_6(%arg0: i32) -> (i32, i32) {
    %c0_i32 = arith.constant 0 : i32
    %c0_i32_0 = arith.constant 0 : i32
    %c0_i32_1 = arith.constant 0 : i32
    return %c0_i32, %c0_i32_0 : i32, i32
  }
  func.func @transform_7(%arg0: i32) -> (i32, i32) {
    %c0_i32 = arith.constant 0 : i32
    %c0_i32_0 = arith.constant 0 : i32
    %c0_i32_1 = arith.constant 0 : i32
    return %c0_i32, %c0_i32_0 : i32, i32
  }
  func.func @transform_8(%arg0: i32) -> (i32, i32) {
    %c0_i32 = arith.constant 0 : i32
    %c0_i32_0 = arith.constant 0 : i32
    %c0_i32_1 = arith.constant 0 : i32
    return %c0_i32, %c0_i32_0 : i32, i32
  }
  func.func @transform_9(%arg0: i32) -> (i32, i32) {
    %c0_i32 = arith.constant 0 : i32
    %c0_i32_0 = arith.constant 0 : i32
    %c0_i32_1 = arith.constant 0 : i32
    return %c0_i32, %c0_i32_0 : i32, i32
  }
  func.func @transform_10(%arg0: i32) -> (i32, i32) {
    %c0_i32 = arith.constant 0 : i32
    %c0_i32_0 = arith.constant 0 : i32
    %c0_i32_1 = arith.constant 0 : i32
    return %c0_i32, %c0_i32_0 : i32, i32
  }
  func.func @transform_11(%arg0: i32) -> (i32, i32) {
    %c0_i32 = arith.constant 0 : i32
    %c0_i32_0 = arith.constant 0 : i32
    %c0_i32_1 = arith.constant 0 : i32
    return %c0_i32, %c0_i32_0 : i32, i32
  }
  func.func @transform_12(%arg0: i32) -> (i32, i32) {
    %c0_i32 = arith.constant 0 : i32
    %c0_i32_0 = arith.constant 0 : i32
    %c0_i32_1 = arith.constant 0 : i32
    return %c0_i32, %c0_i32_0 : i32, i32
  }
  func.func @transform_13(%arg0: i32) -> (i32, i32) {
    %c0_i32 = arith.constant 0 : i32
    %c0_i32_0 = arith.constant 0 : i32
    %c0_i32_1 = arith.constant 0 : i32
    return %c0_i32, %c0_i32_0 : i32, i32
  }
  func.func @transform_14(%arg0: i32) -> (i32, i32) {
    %c0_i32 = arith.constant 0 : i32
    %c0_i32_0 = arith.constant 0 : i32
    %c0_i32_1 = arith.constant 0 : i32
    return %c0_i32, %c0_i32_0 : i32, i32
  }
  func.func @transform_15(%arg0: i32) -> (i32, i32) {
    %c0_i32 = arith.constant 0 : i32
    %c0_i32_0 = arith.constant 0 : i32
    %c0_i32_1 = arith.constant 0 : i32
    return %c0_i32, %c0_i32_0 : i32, i32
  }
  func.func @transform_16(%arg0: i32) -> (i32, i32) {
    %c0_i32 = arith.constant 0 : i32
    %c0_i32_0 = arith.constant 0 : i32
    %c0_i32_1 = arith.constant 0 : i32
    return %c0_i32, %c0_i32_0 : i32, i32
  }
  func.func @transform_17(%arg0: i32) -> (i32, i32) {
    %c0_i32 = arith.constant 0 : i32
    %c0_i32_0 = arith.constant 0 : i32
    %c0_i32_1 = arith.constant 0 : i32
    return %c0_i32, %c0_i32_0 : i32, i32
  }
  func.func @transform_18(%arg0: i32) -> (i32, i32) {
    %c0_i32 = arith.constant 0 : i32
    %c0_i32_0 = arith.constant 0 : i32
    %c0_i32_1 = arith.constant 0 : i32
    return %c0_i32, %c0_i32_0 : i32, i32
  }
  func.func @transform_19(%arg0: i32) -> (i32, i32) {
    %c0_i32 = arith.constant 0 : i32
    %c0_i32_0 = arith.constant 0 : i32
    %c0_i32_1 = arith.constant 0 : i32
    return %c0_i32, %c0_i32_0 : i32, i32
  }
  func.func @transform_20(%arg0: i32) -> (i32, i32) {
    %c0_i32 = arith.constant 0 : i32
    %c0_i32_0 = arith.constant 0 : i32
    %c0_i32_1 = arith.constant 0 : i32
    return %c0_i32, %c0_i32_0 : i32, i32
  }
  func.func @transform_21(%arg0: i32) -> (i32, i32) {
    %c0_i32 = arith.constant 0 : i32
    %c0_i32_0 = arith.constant 0 : i32
    %c0_i32_1 = arith.constant 0 : i32
    return %c0_i32, %c0_i32_0 : i32, i32
  }
  func.func @transform_22(%arg0: i32) -> (i32, i32) {
    %c0_i32 = arith.constant 0 : i32
    %c0_i32_0 = arith.constant 0 : i32
    %c0_i32_1 = arith.constant 0 : i32
    return %c0_i32, %c0_i32_0 : i32, i32
  }
  func.func @transform_23(%arg0: i32) -> (i32, i32, i32) {
    %jit3A = arith.constant 4 : i32
    %div3A = arith.divsi %arg0, %jit3A : i32
    %sign3A = arith.constant 0 : i32
    %sign3A_0 = arith.cmpi sgt, %arg0, %sign3A : i32
    %sign3A_1 = arith.extui %sign3A_0 : i1 to i32
    %sign3A_2 = arith.constant 0 : i32
    %sign3A_3 = arith.cmpi slt, %arg0, %sign3A_2 : i32
    %sign3A_4 = arith.extui %sign3A_3 : i1 to i32
    %sign3A_5 = arith.subi %sign3A_1, %sign3A_4 : i32
    %sign3A_6 = arith.constant 0 : i32
    %sign3A_7 = arith.cmpi sgt, %jit3A, %sign3A_6 : i32
    %sign3A_8 = arith.extui %sign3A_7 : i1 to i32
    %sign3A_9 = arith.constant 0 : i32
    %sign3A_10 = arith.cmpi slt, %jit3A, %sign3A_9 : i32
    %sign3A_11 = arith.extui %sign3A_10 : i1 to i32
    %sign3A_12 = arith.subi %sign3A_8, %sign3A_11 : i32
    %ne3A = arith.cmpi ne, %sign3A_5, %sign3A_12 : i32
    %rem3A = arith.remsi %arg0, %jit3A : i32
    %ne3A_13 = arith.constant 0 : i32
    %ne3A_14 = arith.cmpi ne, %rem3A, %ne3A_13 : i32
    %and3A = arith.andi %ne3A, %ne3A_14 : i1
    %sub3A = arith.constant 1 : i32
    %sub3A_15 = arith.subi %div3A, %sub3A : i32
    %select_n3A = arith.select %and3A, %sub3A_15, %div3A : i32
    %jit3A_16 = arith.constant 4 : i32
    %eq3A = arith.constant 0 : i32
    %eq3A_17 = arith.cmpi eq, %jit3A_16, %eq3A : i32
    %jit3A_18 = arith.constant 1 : i32
    %select_n3A_19 = arith.select %eq3A_17, %jit3A_18, %jit3A_16 : i32
    %rem3A_20 = arith.remsi %arg0, %select_n3A_19 : i32
    %ne3A_21 = arith.constant 0 : i32
    %ne3A_22 = arith.cmpi ne, %rem3A_20, %ne3A_21 : i32
    %lt3A = arith.constant 0 : i32
    %lt3A_23 = arith.cmpi slt, %rem3A_20, %lt3A : i32
    %lt3A_24 = arith.constant 0 : i32
    %lt3A_25 = arith.cmpi slt, %select_n3A_19, %lt3A_24 : i32
    %ne3A_26 = arith.xori %lt3A_23, %lt3A_25 : i1
    %and3A_27 = arith.andi %ne3A_26, %ne3A_22 : i1
    %add3A = arith.addi %rem3A_20, %select_n3A_19 : i32
    %select_n3A_28 = arith.select %and3A_27, %add3A, %rem3A_20 : i32
    %c0_i32 = arith.constant 0 : i32
    %c0_i32_29 = arith.constant 0 : i32
    return %select_n3A, %c0_i32, %select_n3A_28 : i32, i32, i32
  }
}

</mosaic_0001>

<sc_bundles>
// kernel: kernel.7.cloned.1.call-start
scs
__scs_entry_jumppad:
0x0: {  	(pc) =	sbr.rel $0x88, $3  }
0x1: {  	(tag) =	ssettag $0x0;
	lr =	simm.s32 $0x1  }
0x2: {  	[smem:$0x3F89] =	sst lr;
	_ =	strace $0xD0000000  }
0x3: {  	_ = 	snop  }
0x4: {  	_ = 	snop  }
0x5: {  	_ = 	snop  }
0x6: {  	_ = 	snop  }
0x7: {  	_ = 	snop  }
__scs_overlays_trampoline_lowered:
0x8: {  	[smem:$0x3F98] =	sst s0  }
0x9: {  	[smem:$0x3F99] =	sst s1  }
0xa: {  	[smem:$0x3F9A] =	sst s2  }
0xb: {  	[smem:$0x3F9B] =	sst s3  }
0xc: {  	[smem:$0x3F9C] =	sst s4  }
0xd: {  	[smem:$0x3F9D] =	sst s5  }
0xe: {  	[smem:$0x3F9E] =	sst s6  }
0xf: {  	[smem:$0x3F9F] =	sst s7  }
0x10: {  	[smem:$0x3FA0] =	sst s8  }
0x11: {  	[smem:$0x3FA1] =	sst s9;
	s0 =	simm.s32 @!p0 $0x0  }
0x12: {  	s1 =	sld [smem:$0x3F87];
	s0 =	simm.s32 @p0 $0x1  }
0x13: {  	[smem:$0x3FA2] =	sst s0;
	s0 =	simm.s32 @!p1 $0x0  }
0x14: {  	s2 =	sld [smem:$0x3F86];
	s0 =	simm.s32 @p1 $0x1  }
0x15: {  	[smem:$0x3FA3] =	sst s0;
	s0 =	simm.s32 @!p2 $0x0  }
0x16: {  	s3 =	sld [smem:$0x3FDB];
	s0 =	simm.s32 @p2 $0x1  }
0x17: {  	s4 =	simm.s32 $0x1BF5;
	[smem:$0x3FA5] =	sst s0  }
0x18: {  	s0 =	sld [smem:$0x3F88];
	_ =	swait.ge [sflag:s4], $0x0  }
0x19: {  	s7 =	sld [smem:$0x3F89]  }
0x1a: {  	s8 =	sadd.s32 $0xFFFFE003, lr  }
0x1b: {  	s9 =	sadd.s32 $0xFFFFFEF7, lr;
	s5 =	simm.s32 $0xFFFFFFFF;
	p2 =	slt.u32 s8, $0xFFFFF086  }
0x1c: {  	p1 =	slt.u32 s9, $0xF7A;
	s5 =	simm.s32 @!p2 $0x0  }
0x1d: {  	s5 =	simm.s32 @p1 $0x1;
	p0 =	seq.s32 s7, s2  }
0x1e: {  	s7 =	smul.u32 @!p0 $0xF7A, s2;
	p2 =	seq.s32 @!p0 s5, $0x0  }
0x1f: {  	s9 =	smul.u32 $0xF7A, s1;
	s8 =	simm.s32 @!p0 $0x1BF5;
	p2 =	por !p2, p0  }
0x20: {  	[sflag:s8] =	ssyncset.s32 @!p0 $0xFFFFF086;
	s6 =	sadd.s32 @!p0 s3, s7;
	s7 =	simm.s32 @!p0 $0x108  }
0x21: {  	s3 =	sadd.s32 s3, s9;
	s6 =	sadd.s32 @!p0 $0x88, s6;
	s7 =	simm.s32 @p2 $0x1082  }
0x22: {  	[simem:s7], [sflag:s8] =	dma.local @!p0 [hbm:s6], $0xF7A  }
0x23: {  	s9 =	sor.u32 $0xD0000000, s2;
	s6 =	simm.s32 $0x108;
	_ =	swait.ge @!p0 [sflag:s8], $0x0  }
0x24: {  	s3 =	sadd.s32 $0x88, s3;
	s6 =	simm.s32 @!p1 $0x1082;
	[sflag:s4] =	ssyncset.s32 $0xFFFFF086  }
0x25: {  	[simem:s6], [sflag:s4] =	dma.local [hbm:s3], $0xF7A  }
0x26: {  	[smem:$0x3F89] =	sst s1;
	(tag) =	ssettag s2;
	_ =	strace s9  }
0x27: {  	s1 =	sld [smem:$0x3F99]  }
0x28: {  	s2 =	sld [smem:$0x3F9A]  }
0x29: {  	s4 =	sld [smem:$0x3F9C]  }
0x2a: {  	p0 =	seq.s32 s5, $0x0;
	s5 =	sld [smem:$0x3F9D]  }
0x2b: {  	s6 =	sld [smem:$0x3F9E]  }
0x2c: {  	s7 =	sld [smem:$0x3F9F]  }
0x2d: {  	s3 =	simm.s32 $0x108;
	s8 =	sld [smem:$0x3FA0]  }
0x2e: {  	s3 =	simm.s32 @!p0 $0x1082;
	s9 =	sld [smem:$0x3FA1]  }
0x2f: {  	lr =	sadd.s32 s0, s3;
	s0 =	sld [smem:$0x3F98]  }
0x30: {  	s3 =	sld [smem:$0x3F9B]  }
0x31: {  	[smem:$0x3FA4] =	sst s10  }
0x32: {  	s10 =	sld [smem:$0x3FA2];
	_ =	sdelay $0x3  }
0x33: {  	p0 =	seq.s32 s10, $0x1;
	s10 =	sld [smem:$0x3FA4];
	_ =	sdelay $0x3  }
0x34: {  	[smem:$0x3FA4] =	sst s10  }
0x35: {  	s10 =	sld [smem:$0x3FA3];
	_ =	sdelay $0x3  }
0x36: {  	p1 =	seq.s32 s10, $0x1;
	s10 =	sld [smem:$0x3FA4];
	_ =	sdelay $0x3  }
0x37: {  	[smem:$0x3FA4] =	sst s10  }
0x38: {  	s10 =	sld [smem:$0x3FA5]  }
0x39: {  	_ = 	snop;
	(pc) =	sbr.ind lr, $3  }
0x3a: {  	_ = 	snop  }
0x3b: {  	_ = 	snop  }
0x3c: {  	p2 =	seq.s32 s10, $0x1;
	s10 =	sld [smem:$0x3FA4]  }
0x3d: {  	_ =	shalt  }
0x3e: {  	_ =	shalt  }
0x3f: {  	_ =	shalt  }
0x40: {  	_ =	shalt  }
0x41: {  	_ =	shalt  }
0x42: {  	_ =	shalt  }
0x43: {  	_ =	shalt  }
0x44: {  	_ =	shalt  }
0x45: {  	_ =	shalt  }
0x46: {  	_ =	shalt  }
0x47: {  	_ =	shalt  }
0x48: {  	_ =	shalt  }
0x49: {  	_ =	shalt  }
0x4a: {  	_ =	shalt  }
0x4b: {  	_ =	shalt  }
0x4c: {  	_ =	shalt  }
0x4d: {  	_ =	shalt  }
0x4e: {  	_ =	shalt  }
0x4f: {  	_ =	shalt  }
0x50: {  	_ =	shalt  }
0x51: {  	_ =	shalt  }
0x52: {  	_ =	shalt  }
0x53: {  	_ =	shalt  }
0x54: {  	_ =	shalt  }
0x55: {  	_ =	shalt  }
0x56: {  	_ =	shalt  }
0x57: {  	_ =	shalt  }
0x58: {  	_ =	shalt  }
0x59: {  	_ =	shalt  }
0x5a: {  	_ =	shalt  }
0x5b: {  	_ =	shalt  }
0x5c: {  	_ =	shalt  }
0x5d: {  	_ =	shalt  }
0x5e: {  	_ =	shalt  }
0x5f: {  	_ =	shalt  }
0x60: {  	_ =	shalt  }
0x61: {  	_ =	shalt  }
0x62: {  	_ =	shalt  }
0x63: {  	_ =	shalt  }
0x64: {  	_ =	shalt  }
0x65: {  	_ =	shalt  }
0x66: {  	_ =	shalt  }
0x67: {  	_ =	shalt  }
0x68: {  	_ =	shalt  }
0x69: {  	_ =	shalt  }
0x6a: {  	_ =	shalt  }
0x6b: {  	_ =	shalt  }
0x6c: {  	_ =	shalt  }
0x6d: {  	_ =	shalt  }
0x6e: {  	_ =	shalt  }
0x6f: {  	_ =	shalt  }
0x70: {  	_ =	shalt  }
0x71: {  	_ =	shalt  }
0x72: {  	_ =	shalt  }
0x73: {  	_ =	shalt  }
0x74: {  	_ =	shalt  }
0x75: {  	_ =	shalt  }
0x76: {  	_ =	shalt  }
0x77: {  	_ =	shalt  }
0x78: {  	_ =	shalt  }
0x79: {  	_ =	shalt  }
0x7a: {  	_ =	shalt  }
0x7b: {  	_ =	shalt  }
0x7c: {  	_ =	shalt  }
0x7d: {  	_ =	shalt  }
0x7e: {  	_ =	shalt  }
0x7f: {  	_ =	shalt  }
0x80: {  	_ =	shalt  }
0x81: {  	_ =	shalt  }
0x82: {  	_ =	shalt  }
0x83: {  	_ =	shalt  }
0x84: {  	_ =	shalt  }
0x85: {  	_ =	shalt  }
0x86: {  	_ =	shalt  }
0x87: {  	_ =	shalt  }
.Lfunc_end0:
.L_simem_size_0:
called_computation_lowered:
.L_overlay_start_0:
0x88: {  	s2 =	sld [smem:$0x3FD9]  }
0x89: {  	s3 =	sld [smem:$0x3FFE];
	_ =	sdelay $0x1  }
0x8a: {  	s1 =	srdreg.scid  }
0x8b: {  	s0 =	sand.u32 $0x1, s1  }
0x8c: {  	s17 =	sshll.u32 s0, $0xA;
	s2 =	sadd.s32 s3, s2  }
0x8d: {  	s2 =	sadd.s32 s2, s17  }
0x8e: {  	[smem:$0x3FB0] =	sst s2  }
0x8f: {  	_ = 	snop  }
0x90: {  	s2 =	sld [smem:$0x3FD0];
	(tm) =	ssettm $0x1  }
0x91: {  	s18 =	sld [smem:$0x3FFB];
	_ =	sdelay $0x3  }
0x92: {  	_ =	strace s18  }
0x93: {  	s3 =	sld [smem:$0x3FFC];
	_ =	sdelay $0x3  }
0x94: {  	_ =	strace s3  }
0x95: {  	s3 =	sld [smem:$0x3FFD];
	_ =	sdelay $0x3  }
0x96: {  	_ =	strace s3  }
0x97: {  	_ =	strace $0x8FFFFFFF  }
0x98: {  	s19 =	sld [smem:$0x3FDB];
	_ =	sdelay $0x1  }
0x99: {  	s4 =	simm.s32 $_scs_section_size  }
0x9a: {  	s5 =	simm.s32 $_size__tile_overlayer_lowered;
	s6 =	simm.s32 $_tile_overlayer_lowered  }
0x9b: {  	s22 =	simm.s32 $0x1BFF;
	s21 =	sshll.u32 s6, $0x1;
	s3 =	sadd.s32 s4, s19  }
0x9c: {  	s7 =	simm.s32 $0x0;
	s20 =	sshll.u32 s5, $0x1;
	s5 =	sadd.s32 s21, s3  }
0x9d: {  	[timem:s7], [sflag:s22] =	dma.local [hbm:s5], s20  }
0x9e: {  	_ =	swait.ge [sflag:s22], s20  }
0x9f: {  	s4 =	ssub.s32 $0x0, s20;
	[sflag:s22] =	ssyncset.done $0x0  }
0xa0: {  	[sflag:s22] =	ssyncadd.s32 s4;
	_ =	sdelay $0x1  }
0xa1: {  	s23 =	simm.s32 $0x1B8B  }
0xa2: {  	_ =	swait.ge [sflag:s23], $0x1  }
0xa3: {  	[sflag:s23] =	ssyncset.done $0x0  }
0xa4: {  	s25 =	simm.s32 $0x1B8E;
	s24 =	sld [smem:$0x3FFE];
	[sflag:s23] =	ssyncadd.s32 $0xFFFFFFFF  }
0xa5: {  	s26 =	simm.s32 $execute0_lowered;
	[smem:$0x3FD2] =	sst s25  }
0xa6: {  	s5 =	sshll.u32 s26, $0x1;
	_ =	strace $0x80000046;
	[dreg:$0x1] =	wrdreg $0xFFFFFFFF  }
0xa7: {  	s28 =	simm.s32 $_size_execute0_lowered;
	s3 =	sadd.s32 s3, s5;
	[dreg:$0x0] =	wrdreg $0x0  }
0xa8: {  	s5 =	sshll.u32 s28, $0x1;
	[dreg:$0x2] =	wrdreg s3  }
0xa9: {  	[dreg:$0x3] =	wrdreg s5  }
0xaa: {  	[dreg:$0x4] =	wrdreg $0xC0  }
0xab: {  	_ =	task [dreg:s7], $0x5FFFF  }
0xac: {  	[dreg:$0x1] =	wrdreg $0xFFFFFFFF  }
0xad: {  	[dreg:$0x0] =	wrdreg $0x60  }
0xae: {  	[dreg:$0x2] =	wrdreg s24  }
0xaf: {  	[dreg:$0x3] =	wrdreg s2  }
0xb0: {  	[dreg:$0x4] =	wrdreg $0x9  }
0xb1: {  	_ =	task.clear_ibuf [dreg:s7], $0x5FFFF;
	_ =	strace $0x90000046  }
0xb2: {  	s29 =	simm.s32 $0x9;
	_ =	strace $0x80000048  }
0xb3: {  	_ =	swait.ge [sflag:s29], $0x1  }
0xb4: {  	[sflag:s29] =	ssyncadd.s32 $0xFFFFFFFF  }
0xb5: {  	_ =	strace $0x90000048  }
0xb6: {  	_ =	sfence  }
0xb7: {  	s30 =	sld [smem:$0x0];
	_ =	sdelay $0x2  }
0xb8: {  	s31 =	sshll.u32 s1, $0xD;
	s1 =	sshrl.u32 s1, $0x2  }
0xb9: {  	s3 =	sand.u32 $0x4000, s31;
	s1 =	sadd.s32 s1, s30  }
0xba: {  	s0 =	sor.u32 s3, s0;
	s1 =	sshll.u32 s1, $0x11  }
0xbb: {  	s0 =	sor.u32 s1, s0  }
0xbc: {  	s0 =	sadd.s32 $0x8F2B, s0  }
0xbd: {  	[sflag:s0] =	ssyncadd.remote.s32 $0x1  }
0xbe: {  	_ =	sfence.sel $0xFFFF  }
0xbf: {  	[dreg:$0x0] =	wrdreg $0xFFFFFFFF;
	(pc) =	sbr.abs _section_cstart, $3  }
0xc0: {  	[dreg:$0x1] =	wrdreg $0xFFFFFFFF  }
0xc1: {  	_ =	task.clear_ibuf [dreg:s7], $0x2FFFF;
	_ =	strace $0x9FFFFFFF  }
0xc2: {  	(tm) =	ssettm $0x7FFFFFFF  }
0xc3: {  	_ =	shalt  }
tec
execute0_lowered:
.L_overlay_start_1:
0x0: {  	(tag) =	ssettag $0x1  }
0x1: {  	s0 =	srdreg.scid;
	s1 =	rddreg [dreg:$0x0]  }
0x2: {  	s2 =	stileid.u32;
	s4 =	rddreg [dreg:$0x1];
	s0 =	sand.u32 $0x1, s0  }
0x3: {  	s2 =	sshll.u32 s2, $0x8;
	s6 =	sadd.s32 $0x1BA00, s1;
	s3 =	sshll.u32 s0, $0x7  }
0x4: {  	s0 =	ssub.s32 $0x2, s0;
	s3 =	sor.u32 s3, s2;
	s2 =	simm.s32 $0x0  }
0x5: {  	s29 =	sshrl.u32 s0, $0x1;
	s5 =	smul.u32 $0x180, s3;
	[smem:$0x7FF] =	sst s2  }
0x6: {  	s7 =	smul.u32 $0xC00, s3;
	s3 =	sadd.s32 s4, s3;
	s4 =	sadd.s32 $0x3A00, s1  }
0x7: {  	_ =	strace $0x80000047;
	[dreg:$0x3] =	wrdreg s3;
	s5 =	sadd.s32 s6, s5  }
0x8: {  	s22 =	sshrl.u32 s7, $0x3;
	s21 =	sadd.s32 $0x1800, s5;
	[dreg:$0xb] =	wrdreg s5  }
0x9: {  	s23 =	sadd.s32 $0x3000, s5;
	s24 =	sadd.s32 s6, s22;
	[dreg:$0x4] =	wrdreg s21  }
0xa: {  	s0 =	ssub.s32 s0, s29;
	[dreg:$0x5] =	wrdreg s23;
	s25 =	sadd.s32 $0x4800, s24  }
0xb: {  	s5 =	sadd.s32 $0x3B00, s1;
	s26 =	sadd.s32 $0x6000, s24;
	[dreg:$0x6] =	wrdreg s25  }
0xc: {  	s6 =	smax.u32 s0, $0x1;
	s28 =	sadd.s32 $0x7800, s24;
	[dreg:$0x7] =	wrdreg s26  }
0xd: {  	v2 =	vlaneseq.u32;
	s22 =	simm.s32 $0x3;
	s30 =	sadd.s32 $0x9000, s24;
	[dreg:$0x8] =	wrdreg s28  }
0xe: {  	vm0 =	vmmov $0xffff;
	vm1 =	vmmov $0xff;
	v1 =	vshrl.u32 v2, $0x3;
	s31 =	sadd.s32 $0xA800, s24;
	s21 =	simm.s32 $0x1;
	[dreg:$0x9] =	wrdreg s30  }
0xf: {  	v0 =	vand.u32 $0x7, v2;
	v2 =	vor.u32 $0x8, v2;
	v1 =	vmul.u32 $0x8, v1;
	s23 =	simm.s32 $0x2;
	s24 =	simm.s32 $0x4;
	[dreg:$0xa] =	wrdreg s31  }
.LBB2_1:
0x10: {  	s25 =	rddreg [dreg:$0x3];
	s14 =	simm.s32 $0x5  }
0x11: {  	[tilespmem:s2], [sflag:$0x5] =	stream.linear.gather [hbm4b:s25+s2], $0x400, $0x38;
	[tilespmem:$0x18400] =	vst v63  }
0x12: {  	_ =	swait.ge [sflag:s14], $0x400  }
0x13: {  	[sflag:s14] =	ssyncset.done $0x0  }
0x14: {  	[sflag:s14] =	ssyncadd.s32 $0xFFFFFC00  }
0x15: {  	v3 =	vld [tilespmem:$0x0];
	_ =	sdelay $0x4  }
0x16: {  	v4 =	vshrl.u32 v3, $0x3  }
0x17: {  	v4 =	vmul.u32 $0x18, v4  }
0x18: {  	v3 =	vand.u32 $0x7, v3  }
0x19: {  	v3 =	vor.u32 v3, v4  }
0x1a: {  	v4 =	vperm.xlane v3, v0;
	_ =	sdelay $0x1  }
0x1b: {  	v4 =	vadd.s32 v1, v4;
	_ =	sdelay $0x1  }
0x1c: {  	v3 =	vperm.xlane v3, v2;
	_ =	sdelay $0x1  }
0x1d: {  	s0 =	simm.s32 $0x400;
	v3 =	vadd.s32 v1, v3  }
0x1e: {  	[tilespmem:s0], [sflag:$0x1] =	stream.indirect_vreg.gather [hbm4b:s4+s2], $0x80, v4, vm0, $0xb8;
	[tilespmem:$0x18400] =	vst v63  }
0x1f: {  	s1 =	simm.s32 $0xC00  }
0x20: {  	[tilespmem:s1], [sflag:$0x1] =	stream.indirect_vreg.gather [hbm4b:s5+s2], $0x80, v4, vm1, $0xb8;
	[tilespmem:$0x18400] =	vst v63  }
0x21: {  	s15 =	simm.s32 $0x1000  }
0x22: {  	[tilespmem:s15], [sflag:$0x1] =	stream.indirect_vreg.gather [hbm4b:s4+s2], $0x80, v3, vm0, $0xb8;
	[tilespmem:$0x18400] =	vst v63  }
0x23: {  	s16 =	simm.s32 $0x1800  }
0x24: {  	[tilespmem:s16], [sflag:$0x1] =	stream.indirect_vreg.gather [hbm4b:s5+s2], $0x80, v3, vm1, $0xb8;
	[tilespmem:$0x18400] =	vst v63  }
0x25: {  	v3 =	vld [tilespmem:$0x10];
	_ =	sdelay $0x4  }
0x26: {  	v57 =	vshrl.u32 v3, $0x3  }
0x27: {  	v4 =	vmul.u32 $0x18, v57  }
0x28: {  	v3 =	vand.u32 $0x7, v3  }
0x29: {  	v3 =	vor.u32 v3, v4  }
0x2a: {  	v4 =	vperm.xlane v3, v0;
	_ =	sdelay $0x1  }
0x2b: {  	v4 =	vadd.s32 v1, v4;
	_ =	sdelay $0x1  }
0x2c: {  	v3 =	vperm.xlane v3, v2;
	_ =	sdelay $0x1  }
0x2d: {  	s17 =	simm.s32 $0x1C00;
	v3 =	vadd.s32 v1, v3  }
0x2e: {  	[tilespmem:s17], [sflag:$0x1] =	stream.indirect_vreg.gather [hbm4b:s4+s2], $0x80, v4, vm0, $0xb8;
	[tilespmem:$0x18400] =	vst v63  }
0x2f: {  	s18 =	simm.s32 $0x2400  }
0x30: {  	[tilespmem:s18], [sflag:$0x1] =	stream.indirect_vreg.gather [hbm4b:s5+s2], $0x80, v4, vm1, $0xb8;
	[tilespmem:$0x18400] =	vst v63  }
0x31: {  	s19 =	simm.s32 $0x2800  }
0x32: {  	[tilespmem:s19], [sflag:$0x1] =	stream.indirect_vreg.gather [hbm4b:s4+s2], $0x80, v3, vm0, $0xb8;
	[tilespmem:$0x18400] =	vst v63  }
0x33: {  	s20 =	simm.s32 $0x3000  }
0x34: {  	[tilespmem:s20], [sflag:$0x1] =	stream.indirect_vreg.gather [hbm4b:s5+s2], $0x80, v3, vm1, $0xb8;
	[tilespmem:$0x18400] =	vst v63  }
0x35: {  	v3 =	vld [tilespmem:$0x20];
	_ =	sdelay $0x4  }
0x36: {  	v58 =	vshrl.u32 v3, $0x3  }
0x37: {  	v4 =	vmul.u32 $0x18, v58  }
0x38: {  	v3 =	vand.u32 $0x7, v3  }
0x39: {  	v3 =	vor.u32 v3, v4  }
0x3a: {  	v4 =	vperm.xlane v3, v0;
	_ =	sdelay $0x1  }
0x3b: {  	v4 =	vadd.s32 v1, v4;
	_ =	sdelay $0x1  }
0x3c: {  	v3 =	vperm.xlane v3, v2;
	_ =	sdelay $0x1  }
0x3d: {  	s25 =	simm.s32 $0x3400;
	v3 =	vadd.s32 v1, v3  }
0x3e: {  	[tilespmem:s25], [sflag:$0x1] =	stream.indirect_vreg.gather [hbm4b:s4+s2], $0x80, v4, vm0, $0xb8;
	[tilespmem:$0x18400] =	vst v63  }
0x3f: {  	s26 =	simm.s32 $0x3C00  }
0x40: {  	[tilespmem:s26], [sflag:$0x1] =	stream.indirect_vreg.gather [hbm4b:s5+s2], $0x80, v4, vm1, $0xb8;
	[tilespmem:$0x18400] =	vst v63  }
0x41: {  	s28 =	simm.s32 $0x4000  }
0x42: {  	[tilespmem:s28], [sflag:$0x1] =	stream.indirect_vreg.gather [hbm4b:s4+s2], $0x80, v3, vm0, $0xb8;
	[tilespmem:$0x18400] =	vst v63  }
0x43: {  	s29 =	simm.s32 $0x4800  }
0x44: {  	[tilespmem:s29], [sflag:$0x1] =	stream.indirect_vreg.gather [hbm4b:s5+s2], $0x80, v3, vm1, $0xb8;
	[tilespmem:$0x18400] =	vst v63  }
0x45: {  	v3 =	vld [tilespmem:$0x30];
	_ =	sdelay $0x4  }
0x46: {  	v59 =	vshrl.u32 v3, $0x3  }
0x47: {  	v4 =	vmul.u32 $0x18, v59  }
0x48: {  	v3 =	vand.u32 $0x7, v3  }
0x49: {  	v3 =	vor.u32 v3, v4  }
0x4a: {  	v4 =	vperm.xlane v3, v0;
	_ =	sdelay $0x1  }
0x4b: {  	v4 =	vadd.s32 v1, v4;
	_ =	sdelay $0x1  }
0x4c: {  	v3 =	vperm.xlane v3, v2;
	_ =	sdelay $0x1  }
0x4d: {  	s30 =	simm.s32 $0x4C00;
	v3 =	vadd.s32 v1, v3  }
0x4e: {  	[tilespmem:s30], [sflag:$0x1] =	stream.indirect_vreg.gather [hbm4b:s4+s2], $0x80, v4, vm0, $0xb8;
	[tilespmem:$0x18400] =	vst v63  }
0x4f: {  	s31 =	simm.s32 $0x5400  }
0x50: {  	[tilespmem:s31], [sflag:$0x1] =	stream.indirect_vreg.gather [hbm4b:s5+s2], $0x80, v4, vm1, $0xb8;
	[tilespmem:$0x18400] =	vst v63  }
0x51: {  	s0 =	simm.s32 $0x5800  }
0x52: {  	[tilespmem:s0], [sflag:$0x1] =	stream.indirect_vreg.gather [hbm4b:s4+s2], $0x80, v3, vm0, $0xb8;
	[tilespmem:$0x18400] =	vst v63  }
0x53: {  	s9 =	simm.s32 $0x6000  }
0x54: {  	[tilespmem:s9], [sflag:$0x1] =	stream.indirect_vreg.gather [hbm4b:s5+s2], $0x80, v3, vm1, $0xb8;
	[tilespmem:$0x18400] =	vst v63  }
0x55: {  	v3 =	vld [tilespmem:$0x40];
	_ =	sdelay $0x4  }
0x56: {  	v60 =	vshrl.u32 v3, $0x3  }
0x57: {  	v4 =	vmul.u32 $0x18, v60  }
0x58: {  	v3 =	vand.u32 $0x7, v3  }
0x59: {  	v3 =	vor.u32 v3, v4  }
0x5a: {  	v4 =	vperm.xlane v3, v0;
	_ =	sdelay $0x1  }
0x5b: {  	v4 =	vadd.s32 v1, v4;
	_ =	sdelay $0x1  }
0x5c: {  	v3 =	vperm.xlane v3, v2;
	_ =	sdelay $0x1  }
0x5d: {  	s10 =	simm.s32 $0x6400;
	v3 =	vadd.s32 v1, v3  }
0x5e: {  	[tilespmem:s10], [sflag:$0x1] =	stream.indirect_vreg.gather [hbm4b:s4+s2], $0x80, v4, vm0, $0xb8;
	[tilespmem:$0x18400] =	vst v63  }
0x5f: {  	s11 =	simm.s32 $0x6C00  }
0x60: {  	[tilespmem:s11], [sflag:$0x1] =	stream.indirect_vreg.gather [hbm4b:s5+s2], $0x80, v4, vm1, $0xb8;
	[tilespmem:$0x18400] =	vst v63  }
0x61: {  	s12 =	simm.s32 $0x7000  }
0x62: {  	[tilespmem:s12], [sflag:$0x1] =	stream.indirect_vreg.gather [hbm4b:s4+s2], $0x80, v3, vm0, $0xb8;
	[tilespmem:$0x18400] =	vst v63  }
0x63: {  	s13 =	simm.s32 $0x7800  }
0x64: {  	[tilespmem:s13], [sflag:$0x1] =	stream.indirect_vreg.gather [hbm4b:s5+s2], $0x80, v3, vm1, $0xb8;
	[tilespmem:$0x18400] =	vst v63  }
0x65: {  	v3 =	vld [tilespmem:$0x50];
	_ =	sdelay $0x4  }
0x66: {  	v61 =	vshrl.u32 v3, $0x3  }
0x67: {  	v4 =	vmul.u32 $0x18, v61  }
0x68: {  	v3 =	vand.u32 $0x7, v3  }
0x69: {  	v3 =	vor.u32 v3, v4  }
0x6a: {  	v4 =	vperm.xlane v3, v0;
	_ =	sdelay $0x1  }
0x6b: {  	v4 =	vadd.s32 v1, v4;
	_ =	sdelay $0x1  }
0x6c: {  	v3 =	vperm.xlane v3, v2;
	_ =	sdelay $0x1  }
0x6d: {  	s14 =	simm.s32 $0x7C00;
	v3 =	vadd.s32 v1, v3  }
0x6e: {  	[tilespmem:s14], [sflag:$0x1] =	stream.indirect_vreg.gather [hbm4b:s4+s2], $0x80, v4, vm0, $0xb8;
	[tilespmem:$0x18400] =	vst v63  }
0x6f: {  	s15 =	simm.s32 $0x8400  }
0x70: {  	[tilespmem:s15], [sflag:$0x1] =	stream.indirect_vreg.gather [hbm4b:s5+s2], $0x80, v4, vm1, $0xb8;
	[tilespmem:$0x18400] =	vst v63  }
0x71: {  	s16 =	simm.s32 $0x8800  }
0x72: {  	[tilespmem:s16], [sflag:$0x1] =	stream.indirect_vreg.gather [hbm4b:s4+s2], $0x80, v3, vm0, $0xb8;
	[tilespmem:$0x18400] =	vst v63  }
0x73: {  	s17 =	simm.s32 $0x9000  }
0x74: {  	[tilespmem:s17], [sflag:$0x1] =	stream.indirect_vreg.gather [hbm4b:s5+s2], $0x80, v3, vm1, $0xb8;
	[tilespmem:$0x18400] =	vst v63  }
0x75: {  	v3 =	vld [tilespmem:$0x60];
	_ =	sdelay $0x4  }
0x76: {  	v62 =	vshrl.u32 v3, $0x3  }
0x77: {  	v4 =	vmul.u32 $0x18, v62  }
0x78: {  	v3 =	vand.u32 $0x7, v3  }
0x79: {  	v3 =	vor.u32 v3, v4  }
0x7a: {  	v4 =	vperm.xlane v3, v0;
	_ =	sdelay $0x1  }
0x7b: {  	v4 =	vadd.s32 v1, v4;
	_ =	sdelay $0x1  }
0x7c: {  	v3 =	vperm.xlane v3, v2;
	_ =	sdelay $0x1  }
0x7d: {  	s18 =	simm.s32 $0x9400;
	v3 =	vadd.s32 v1, v3  }
0x7e: {  	[tilespmem:s18], [sflag:$0x1] =	stream.indirect_vreg.gather [hbm4b:s4+s2], $0x80, v4, vm0, $0xb8;
	[tilespmem:$0x18400] =	vst v63  }
0x7f: {  	s19 =	simm.s32 $0x9C00  }
0x80: {  	[tilespmem:s19], [sflag:$0x1] =	stream.indirect_vreg.gather [hbm4b:s5+s2], $0x80, v4, vm1, $0xb8;
	[tilespmem:$0x18400] =	vst v63  }
0x81: {  	s20 =	simm.s32 $0xA000  }
0x82: {  	[tilespmem:s20], [sflag:$0x1] =	stream.indirect_vreg.gather [hbm4b:s4+s2], $0x80, v3, vm0, $0xb8;
	[tilespmem:$0x18400] =	vst v63  }
0x83: {  	s25 =	simm.s32 $0xA800  }
0x84: {  	[tilespmem:s25], [sflag:$0x1] =	stream.indirect_vreg.gather [hbm4b:s5+s2], $0x80, v3, vm1, $0xb8;
	[tilespmem:$0x18400] =	vst v63  }
0x85: {  	v3 =	vld [tilespmem:$0x70];
	_ =	sdelay $0x4  }
0x86: {  	v63 =	vshrl.u32 v3, $0x3  }
0x87: {  	v4 =	vmul.u32 $0x18, v63  }
0x88: {  	v3 =	vand.u32 $0x7, v3  }
0x89: {  	v3 =	vor.u32 v3, v4  }
0x8a: {  	v4 =	vperm.xlane v3, v0;
	_ =	sdelay $0x1  }
0x8b: {  	v4 =	vadd.s32 v1, v4;
	_ =	sdelay $0x1  }
0x8c: {  	v3 =	vperm.xlane v3, v2;
	_ =	sdelay $0x1  }
0x8d: {  	s26 =	simm.s32 $0xAC00;
	v3 =	vadd.s32 v1, v3  }
0x8e: {  	[tilespmem:s26], [sflag:$0x1] =	stream.indirect_vreg.gather [hbm4b:s4+s2], $0x80, v4, vm0, $0xb8;
	[tilespmem:$0x18400] =	vst v63  }
0x8f: {  	s28 =	simm.s32 $0xB400  }
0x90: {  	[tilespmem:s28], [sflag:$0x1] =	stream.indirect_vreg.gather [hbm4b:s5+s2], $0x80, v4, vm1, $0xb8;
	[tilespmem:$0x18400] =	vst v63  }
0x91: {  	s29 =	simm.s32 $0xB800  }
0x92: {  	[tilespmem:s29], [sflag:$0x1] =	stream.indirect_vreg.gather [hbm4b:s4+s2], $0x80, v3, vm0, $0xb8;
	[tilespmem:$0x18400] =	vst v63  }
0x93: {  	s30 =	simm.s32 $0xC000  }
0x94: {  	[tilespmem:s30], [sflag:$0x1] =	stream.indirect_vreg.gather [hbm4b:s5+s2], $0x80, v3, vm1, $0xb8;
	[tilespmem:$0x18400] =	vst v63  }
0x95: {  	v3 =	vld [tilespmem:$0x80];
	_ =	sdelay $0x4  }
0x96: {  	v8 =	vshrl.u32 v3, $0x3  }
0x97: {  	v4 =	vmul.u32 $0x18, v8  }
0x98: {  	v3 =	vand.u32 $0x7, v3  }
0x99: {  	v3 =	vor.u32 v3, v4  }
0x9a: {  	v4 =	vperm.xlane v3, v0;
	_ =	sdelay $0x1  }
0x9b: {  	v4 =	vadd.s32 v1, v4;
	_ =	sdelay $0x1  }
0x9c: {  	v3 =	vperm.xlane v3, v2;
	_ =	sdelay $0x1  }
0x9d: {  	s31 =	simm.s32 $0xC400;
	v3 =	vadd.s32 v1, v3  }
0x9e: {  	[tilespmem:s31], [sflag:$0x2] =	stream.indirect_vreg.gather [hbm4b:s4+s2], $0x80, v4, vm0, $0xb8;
	[tilespmem:$0x18400] =	vst v63  }
0x9f: {  	s0 =	simm.s32 $0xCC00  }
0xa0: {  	[tilespmem:s0], [sflag:$0x2] =	stream.indirect_vreg.gather [hbm4b:s5+s2], $0x80, v4, vm1, $0xb8;
	[tilespmem:$0x18400] =	vst v63  }
0xa1: {  	s1 =	simm.s32 $0xD000  }
0xa2: {  	[tilespmem:s1], [sflag:$0x2] =	stream.indirect_vreg.gather [hbm4b:s4+s2], $0x80, v3, vm0, $0xb8;
	[tilespmem:$0x18400] =	vst v63  }
0xa3: {  	s12 =	simm.s32 $0xD800  }
0xa4: {  	[tilespmem:s12], [sflag:$0x2] =	stream.indirect_vreg.gather [hbm4b:s5+s2], $0x80, v3, vm1, $0xb8;
	[tilespmem:$0x18400] =	vst v63  }
0xa5: {  	v3 =	vld [tilespmem:$0x90];
	_ =	sdelay $0x4  }
0xa6: {  	v9 =	vshrl.u32 v3, $0x3  }
0xa7: {  	v4 =	vmul.u32 $0x18, v9  }
0xa8: {  	v3 =	vand.u32 $0x7, v3  }
0xa9: {  	v3 =	vor.u32 v3, v4  }
0xaa: {  	v4 =	vperm.xlane v3, v0;
	_ =	sdelay $0x1  }
0xab: {  	v4 =	vadd.s32 v1, v4;
	_ =	sdelay $0x1  }
0xac: {  	v3 =	vperm.xlane v3, v2;
	_ =	sdelay $0x1  }
0xad: {  	s13 =	simm.s32 $0xDC00;
	v3 =	vadd.s32 v1, v3  }
0xae: {  	[tilespmem:s13], [sflag:$0x2] =	stream.indirect_vreg.gather [hbm4b:s4+s2], $0x80, v4, vm0, $0xb8;
	[tilespmem:$0x18400] =	vst v63  }
0xaf: {  	s14 =	simm.s32 $0xE400  }
0xb0: {  	[tilespmem:s14], [sflag:$0x2] =	stream.indirect_vreg.gather [hbm4b:s5+s2], $0x80, v4, vm1, $0xb8;
	[tilespmem:$0x18400] =	vst v63  }
0xb1: {  	s15 =	simm.s32 $0xE800  }
0xb2: {  	[tilespmem:s15], [sflag:$0x2] =	stream.indirect_vreg.gather [hbm4b:s4+s2], $0x80, v3, vm0, $0xb8;
	[tilespmem:$0x18400] =	vst v63  }
0xb3: {  	s16 =	simm.s32 $0xF000  }
0xb4: {  	[tilespmem:s16], [sflag:$0x2] =	stream.indirect_vreg.gather [hbm4b:s5+s2], $0x80, v3, vm1, $0xb8;
	[tilespmem:$0x18400] =	vst v63  }
0xb5: {  	v3 =	vld [tilespmem:$0xA0];
	_ =	sdelay $0x4  }
0xb6: {  	v10 =	vshrl.u32 v3, $0x3  }
0xb7: {  	v4 =	vmul.u32 $0x18, v10  }
0xb8: {  	v3 =	vand.u32 $0x7, v3  }
0xb9: {  	v3 =	vor.u32 v3, v4  }
0xba: {  	v4 =	vperm.xlane v3, v0;
	_ =	sdelay $0x1  }
0xbb: {  	v4 =	vadd.s32 v1, v4;
	_ =	sdelay $0x1  }
0xbc: {  	v3 =	vperm.xlane v3, v2;
	_ =	sdelay $0x1  }
0xbd: {  	s17 =	simm.s32 $0xF400;
	v3 =	vadd.s32 v1, v3  }
0xbe: {  	[tilespmem:s17], [sflag:$0x2] =	stream.indirect_vreg.gather [hbm4b:s4+s2], $0x80, v4, vm0, $0xb8;
	[tilespmem:$0x18400] =	vst v63  }
0xbf: {  	s18 =	simm.s32 $0xFC00  }
0xc0: {  	[tilespmem:s18], [sflag:$0x2] =	stream.indirect_vreg.gather [hbm4b:s5+s2], $0x80, v4, vm1, $0xb8;
	[tilespmem:$0x18400] =	vst v63  }
0xc1: {  	s19 =	simm.s32 $0x10000  }
0xc2: {  	[tilespmem:s19], [sflag:$0x2] =	stream.indirect_vreg.gather [hbm4b:s4+s2], $0x80, v3, vm0, $0xb8;
	[tilespmem:$0x18400] =	vst v63  }
0xc3: {  	s20 =	simm.s32 $0x10800  }
0xc4: {  	[tilespmem:s20], [sflag:$0x2] =	stream.indirect_vreg.gather [hbm4b:s5+s2], $0x80, v3, vm1, $0xb8;
	[tilespmem:$0x18400] =	vst v63  }
0xc5: {  	v3 =	vld [tilespmem:$0xB0];
	_ =	sdelay $0x4  }
0xc6: {  	v11 =	vshrl.u32 v3, $0x3  }
0xc7: {  	v4 =	vmul.u32 $0x18, v11  }
0xc8: {  	v3 =	vand.u32 $0x7, v3  }
0xc9: {  	v3 =	vor.u32 v3, v4  }
0xca: {  	v4 =	vperm.xlane v3, v0;
	_ =	sdelay $0x1  }
0xcb: {  	v4 =	vadd.s32 v1, v4;
	_ =	sdelay $0x1  }
0xcc: {  	v3 =	vperm.xlane v3, v2;
	_ =	sdelay $0x1  }
0xcd: {  	s26 =	simm.s32 $0x10C00;
	v3 =	vadd.s32 v1, v3  }
0xce: {  	[tilespmem:s26], [sflag:$0x2] =	stream.indirect_vreg.gather [hbm4b:s4+s2], $0x80, v4, vm0, $0xb8;
	[tilespmem:$0x18400] =	vst v63  }
0xcf: {  	s28 =	simm.s32 $0x11400  }
0xd0: {  	[tilespmem:s28], [sflag:$0x2] =	stream.indirect_vreg.gather [hbm4b:s5+s2], $0x80, v4, vm1, $0xb8;
	[tilespmem:$0x18400] =	vst v63  }
0xd1: {  	s29 =	simm.s32 $0x11800  }
0xd2: {  	[tilespmem:s29], [sflag:$0x2] =	stream.indirect_vreg.gather [hbm4b:s4+s2], $0x80, v3, vm0, $0xb8;
	[tilespmem:$0x18400] =	vst v63  }
0xd3: {  	s30 =	simm.s32 $0x12000  }
0xd4: {  	[tilespmem:s30], [sflag:$0x2] =	stream.indirect_vreg.gather [hbm4b:s5+s2], $0x80, v3, vm1, $0xb8;
	[tilespmem:$0x18400] =	vst v63  }
0xd5: {  	v3 =	vld [tilespmem:$0xC0];
	_ =	sdelay $0x4  }
0xd6: {  	v12 =	vshrl.u32 v3, $0x3  }
0xd7: {  	v4 =	vmul.u32 $0x18, v12  }
0xd8: {  	v3 =	vand.u32 $0x7, v3  }
0xd9: {  	v3 =	vor.u32 v3, v4  }
0xda: {  	v4 =	vperm.xlane v3, v0;
	_ =	sdelay $0x1  }
0xdb: {  	v4 =	vadd.s32 v1, v4;
	_ =	sdelay $0x1  }
0xdc: {  	v3 =	vperm.xlane v3, v2;
	_ =	sdelay $0x1  }
0xdd: {  	s31 =	simm.s32 $0x12400;
	v3 =	vadd.s32 v1, v3  }
0xde: {  	[tilespmem:s31], [sflag:$0x2] =	stream.indirect_vreg.gather [hbm4b:s4+s2], $0x80, v4, vm0, $0xb8;
	[tilespmem:$0x18400] =	vst v63  }
0xdf: {  	s0 =	simm.s32 $0x12C00  }
0xe0: {  	[tilespmem:s0], [sflag:$0x2] =	stream.indirect_vreg.gather [hbm4b:s5+s2], $0x80, v4, vm1, $0xb8;
	[tilespmem:$0x18400] =	vst v63  }
0xe1: {  	s1 =	simm.s32 $0x13000  }
0xe2: {  	[tilespmem:s1], [sflag:$0x2] =	stream.indirect_vreg.gather [hbm4b:s4+s2], $0x80, v3, vm0, $0xb8;
	[tilespmem:$0x18400] =	vst v63  }
0xe3: {  	s12 =	simm.s32 $0x13800  }
0xe4: {  	[tilespmem:s12], [sflag:$0x2] =	stream.indirect_vreg.gather [hbm4b:s5+s2], $0x80, v3, vm1, $0xb8;
	[tilespmem:$0x18400] =	vst v63  }
0xe5: {  	v3 =	vld [tilespmem:$0xD0];
	_ =	sdelay $0x4  }
0xe6: {  	v13 =	vshrl.u32 v3, $0x3  }
0xe7: {  	v4 =	vmul.u32 $0x18, v13  }
0xe8: {  	v3 =	vand.u32 $0x7, v3  }
0xe9: {  	v3 =	vor.u32 v3, v4  }
0xea: {  	v4 =	vperm.xlane v3, v0;
	_ =	sdelay $0x1  }
0xeb: {  	v4 =	vadd.s32 v1, v4;
	_ =	sdelay $0x1  }
0xec: {  	v3 =	vperm.xlane v3, v2;
	_ =	sdelay $0x1  }
0xed: {  	s13 =	simm.s32 $0x13C00;
	v3 =	vadd.s32 v1, v3  }
0xee: {  	[tilespmem:s13], [sflag:$0x2] =	stream.indirect_vreg.gather [hbm4b:s4+s2], $0x80, v4, vm0, $0xb8;
	[tilespmem:$0x18400] =	vst v63  }
0xef: {  	s14 =	simm.s32 $0x14400  }
0xf0: {  	[tilespmem:s14], [sflag:$0x2] =	stream.indirect_vreg.gather [hbm4b:s5+s2], $0x80, v4, vm1, $0xb8;
	[tilespmem:$0x18400] =	vst v63  }
0xf1: {  	s15 =	simm.s32 $0x14800  }
0xf2: {  	[tilespmem:s15], [sflag:$0x2] =	stream.indirect_vreg.gather [hbm4b:s4+s2], $0x80, v3, vm0, $0xb8;
	[tilespmem:$0x18400] =	vst v63  }
0xf3: {  	s16 =	simm.s32 $0x15000  }
0xf4: {  	[tilespmem:s16], [sflag:$0x2] =	stream.indirect_vreg.gather [hbm4b:s5+s2], $0x80, v3, vm1, $0xb8;
	[tilespmem:$0x18400] =	vst v63  }
0xf5: {  	v3 =	vld [tilespmem:$0xE0];
	_ =	sdelay $0x4  }
0xf6: {  	v14 =	vshrl.u32 v3, $0x3  }
0xf7: {  	v4 =	vmul.u32 $0x18, v14  }
0xf8: {  	v3 =	vand.u32 $0x7, v3  }
0xf9: {  	v3 =	vor.u32 v3, v4  }
0xfa: {  	v4 =	vperm.xlane v3, v0;
	_ =	sdelay $0x1  }
0xfb: {  	v4 =	vadd.s32 v1, v4;
	_ =	sdelay $0x1  }
0xfc: {  	v3 =	vperm.xlane v3, v2;
	_ =	sdelay $0x1  }
0xfd: {  	s17 =	simm.s32 $0x15400;
	v3 =	vadd.s32 v1, v3  }
0xfe: {  	[tilespmem:s17], [sflag:$0x2] =	stream.indirect_vreg.gather [hbm4b:s4+s2], $0x80, v4, vm0, $0xb8;
	[tilespmem:$0x18400] =	vst v63  }
0xff: {  	s18 =	simm.s32 $0x15C00  }
0x100: {  	[tilespmem:s18], [sflag:$0x2] =	stream.indirect_vreg.gather [hbm4b:s5+s2], $0x80, v4, vm1, $0xb8;
	[tilespmem:$0x18400] =	vst v63  }
0x101: {  	s19 =	simm.s32 $0x16000  }
0x102: {  	[tilespmem:s19], [sflag:$0x2] =	stream.indirect_vreg.gather [hbm4b:s4+s2], $0x80, v3, vm0, $0xb8;
	[tilespmem:$0x18400] =	vst v63  }
0x103: {  	s20 =	simm.s32 $0x16800  }
0x104: {  	[tilespmem:s20], [sflag:$0x2] =	stream.indirect_vreg.gather [hbm4b:s5+s2], $0x80, v3, vm1, $0xb8;
	[tilespmem:$0x18400] =	vst v63  }
0x105: {  	v3 =	vld [tilespmem:$0xF0];
	_ =	sdelay $0x4  }
0x106: {  	v15 =	vshrl.u32 v3, $0x3  }
0x107: {  	v4 =	vmul.u32 $0x18, v15  }
0x108: {  	v3 =	vand.u32 $0x7, v3  }
0x109: {  	v3 =	vor.u32 v3, v4  }
0x10a: {  	v4 =	vperm.xlane v3, v0;
	_ =	sdelay $0x1  }
0x10b: {  	v4 =	vadd.s32 v1, v4;
	_ =	sdelay $0x1  }
0x10c: {  	v3 =	vperm.xlane v3, v2;
	_ =	sdelay $0x1  }
0x10d: {  	s26 =	simm.s32 $0x16C00;
	v3 =	vadd.s32 v1, v3  }
0x10e: {  	[tilespmem:s26], [sflag:$0x2] =	stream.indirect_vreg.gather [hbm4b:s4+s2], $0x80, v4, vm0, $0xb8;
	[tilespmem:$0x18400] =	vst v63  }
0x10f: {  	s28 =	simm.s32 $0x17400  }
0x110: {  	[tilespmem:s28], [sflag:$0x2] =	stream.indirect_vreg.gather [hbm4b:s5+s2], $0x80, v4, vm1, $0xb8;
	[tilespmem:$0x18400] =	vst v63  }
0x111: {  	s29 =	simm.s32 $0x17800  }
0x112: {  	[tilespmem:s29], [sflag:$0x2] =	stream.indirect_vreg.gather [hbm4b:s4+s2], $0x80, v3, vm0, $0xb8;
	[tilespmem:$0x18400] =	vst v63  }
0x113: {  	s30 =	simm.s32 $0x18000  }
0x114: {  	[tilespmem:s30], [sflag:$0x2] =	stream.indirect_vreg.gather [hbm4b:s5+s2], $0x80, v3, vm1, $0xb8;
	[tilespmem:$0x18400] =	vst v63  }
0x115: {  	_ =	swait.ge [sflag:s21], $0xC000  }
0x116: {  	[sflag:s21] =	ssyncset.done $0x0  }
0x117: {  	s0 =	simm.s32 $0x400;
	s31 =	rddreg [dreg:$0xb];
	[sflag:s21] =	ssyncadd.s32 $0xFFFF4000  }
0x118: {  	[hbm4b:s31+s2] =	stream.linear.scatter [tilespmem:s0], [sflag:$0x3], $0xC000, $0x38;
	[tilespmem:$0x18400] =	vst v63  }
0x119: {  	_ =	swait.ge [sflag:s22], $0xC000  }
0x11a: {  	[sflag:s22] =	ssyncset.done $0x0  }
0x11b: {  	[sflag:s22] =	ssyncadd.s32 $0xFFFF4000  }
0x11c: {  	v3 =	vld [tilespmem:$0x100];
	_ =	sdelay $0x4  }
0x11d: {  	v16 =	vshrl.u32 v3, $0x3  }
0x11e: {  	v4 =	vmul.u32 $0x18, v16  }
0x11f: {  	v3 =	vand.u32 $0x7, v3  }
0x120: {  	v3 =	vor.u32 v3, v4  }
0x121: {  	v4 =	vperm.xlane v3, v0;
	_ =	sdelay $0x1  }
0x122: {  	v4 =	vadd.s32 v1, v4;
	_ =	sdelay $0x1  }
0x123: {  	v3 =	vperm.xlane v3, v2;
	_ =	sdelay $0x1  }
0x124: {  	v3 =	vadd.s32 v1, v3  }
0x125: {  	[tilespmem:s0], [sflag:$0x1] =	stream.indirect_vreg.gather [hbm4b:s4+s2], $0x80, v4, vm0, $0xb8;
	[tilespmem:$0x18400] =	vst v63  }
0x126: {  	s14 =	simm.s32 $0xC00  }
0x127: {  	[tilespmem:s14], [sflag:$0x1] =	stream.indirect_vreg.gather [hbm4b:s5+s2], $0x80, v4, vm1, $0xb8;
	[tilespmem:$0x18400] =	vst v63  }
0x128: {  	s13 =	simm.s32 $0x1000  }
0x129: {  	[tilespmem:s13], [sflag:$0x1] =	stream.indirect_vreg.gather [hbm4b:s4+s2], $0x80, v3, vm0, $0xb8;
	[tilespmem:$0x18400] =	vst v63  }
0x12a: {  	s3 =	simm.s32 $0x1800  }
0x12b: {  	[tilespmem:s3], [sflag:$0x1] =	stream.indirect_vreg.gather [hbm4b:s5+s2], $0x80, v3, vm1, $0xb8;
	[tilespmem:$0x18400] =	vst v63  }
0x12c: {  	v3 =	vld [tilespmem:$0x110];
	_ =	sdelay $0x4  }
0x12d: {  	v17 =	vshrl.u32 v3, $0x3  }
0x12e: {  	v4 =	vmul.u32 $0x18, v17  }
0x12f: {  	v3 =	vand.u32 $0x7, v3  }
0x130: {  	v3 =	vor.u32 v3, v4  }
0x131: {  	v4 =	vperm.xlane v3, v0;
	_ =	sdelay $0x1  }
0x132: {  	v4 =	vadd.s32 v1, v4;
	_ =	sdelay $0x1  }
0x133: {  	v3 =	vperm.xlane v3, v2;
	_ =	sdelay $0x1  }
0x134: {  	s15 =	simm.s32 $0x1C00;
	v3 =	vadd.s32 v1, v3  }
0x135: {  	[tilespmem:s15], [sflag:$0x1] =	stream.indirect_vreg.gather [hbm4b:s4+s2], $0x80, v4, vm0, $0xb8;
	[tilespmem:$0x18400] =	vst v63  }
0x136: {  	s16 =	simm.s32 $0x2400  }
0x137: {  	[tilespmem:s16], [sflag:$0x1] =	stream.indirect_vreg.gather [hbm4b:s5+s2], $0x80, v4, vm1, $0xb8;
	[tilespmem:$0x18400] =	vst v63  }
0x138: {  	s17 =	simm.s32 $0x2800  }
0x139: {  	[tilespmem:s17], [sflag:$0x1] =	stream.indirect_vreg.gather [hbm4b:s4+s2], $0x80, v3, vm0, $0xb8;
	[tilespmem:$0x18400] =	vst v63  }
0x13a: {  	s7 =	simm.s32 $0x3000  }
0x13b: {  	[tilespmem:s7], [sflag:$0x1] =	stream.indirect_vreg.gather [hbm4b:s5+s2], $0x80, v3, vm1, $0xb8;
	[tilespmem:$0x18400] =	vst v63  }
0x13c: {  	v3 =	vld [tilespmem:$0x120];
	_ =	sdelay $0x4  }
0x13d: {  	v18 =	vshrl.u32 v3, $0x3  }
0x13e: {  	v4 =	vmul.u32 $0x18, v18  }
0x13f: {  	v3 =	vand.u32 $0x7, v3  }
0x140: {  	v3 =	vor.u32 v3, v4  }
0x141: {  	v4 =	vperm.xlane v3, v0;
	_ =	sdelay $0x1  }
0x142: {  	v4 =	vadd.s32 v1, v4;
	_ =	sdelay $0x1  }
0x143: {  	v3 =	vperm.xlane v3, v2;
	_ =	sdelay $0x1  }
0x144: {  	s18 =	simm.s32 $0x3400;
	v3 =	vadd.s32 v1, v3  }
0x145: {  	[tilespmem:s18], [sflag:$0x1] =	stream.indirect_vreg.gather [hbm4b:s4+s2], $0x80, v4, vm0, $0xb8;
	[tilespmem:$0x18400] =	vst v63  }
0x146: {  	s19 =	simm.s32 $0x3C00  }
0x147: {  	[tilespmem:s19], [sflag:$0x1] =	stream.indirect_vreg.gather [hbm4b:s5+s2], $0x80, v4, vm1, $0xb8;
	[tilespmem:$0x18400] =	vst v63  }
0x148: {  	s20 =	simm.s32 $0x4000  }
0x149: {  	[tilespmem:s20], [sflag:$0x1] =	stream.indirect_vreg.gather [hbm4b:s4+s2], $0x80, v3, vm0, $0xb8;
	[tilespmem:$0x18400] =	vst v63  }
0x14a: {  	s8 =	simm.s32 $0x4800  }
0x14b: {  	[tilespmem:s8], [sflag:$0x1] =	stream.indirect_vreg.gather [hbm4b:s5+s2], $0x80, v3, vm1, $0xb8;
	[tilespmem:$0x18400] =	vst v63  }
0x14c: {  	v3 =	vld [tilespmem:$0x130];
	_ =	sdelay $0x4  }
0x14d: {  	v19 =	vshrl.u32 v3, $0x3  }
0x14e: {  	v4 =	vmul.u32 $0x18, v19  }
0x14f: {  	v3 =	vand.u32 $0x7, v3  }
0x150: {  	v3 =	vor.u32 v3, v4  }
0x151: {  	v4 =	vperm.xlane v3, v0;
	_ =	sdelay $0x1  }
0x152: {  	v4 =	vadd.s32 v1, v4;
	_ =	sdelay $0x1  }
0x153: {  	v3 =	vperm.xlane v3, v2;
	_ =	sdelay $0x1  }
0x154: {  	s26 =	simm.s32 $0x4C00;
	v3 =	vadd.s32 v1, v3  }
0x155: {  	[tilespmem:s26], [sflag:$0x1] =	stream.indirect_vreg.gather [hbm4b:s4+s2], $0x80, v4, vm0, $0xb8;
	[tilespmem:$0x18400] =	vst v63  }
0x156: {  	s28 =	simm.s32 $0x5400  }
0x157: {  	[tilespmem:s28], [sflag:$0x1] =	stream.indirect_vreg.gather [hbm4b:s5+s2], $0x80, v4, vm1, $0xb8;
	[tilespmem:$0x18400] =	vst v63  }
0x158: {  	s29 =	simm.s32 $0x5800  }
0x159: {  	[tilespmem:s29], [sflag:$0x1] =	stream.indirect_vreg.gather [hbm4b:s4+s2], $0x80, v3, vm0, $0xb8;
	[tilespmem:$0x18400] =	vst v63  }
0x15a: {  	s9 =	simm.s32 $0x6000  }
0x15b: {  	[tilespmem:s9], [sflag:$0x1] =	stream.indirect_vreg.gather [hbm4b:s5+s2], $0x80, v3, vm1, $0xb8;
	[tilespmem:$0x18400] =	vst v63  }
0x15c: {  	v3 =	vld [tilespmem:$0x140];
	_ =	sdelay $0x4  }
0x15d: {  	v20 =	vshrl.u32 v3, $0x3  }
0x15e: {  	v4 =	vmul.u32 $0x18, v20  }
0x15f: {  	v3 =	vand.u32 $0x7, v3  }
0x160: {  	v3 =	vor.u32 v3, v4  }
0x161: {  	v4 =	vperm.xlane v3, v0;
	_ =	sdelay $0x1  }
0x162: {  	v4 =	vadd.s32 v1, v4;
	_ =	sdelay $0x1  }
0x163: {  	v3 =	vperm.xlane v3, v2;
	_ =	sdelay $0x1  }
0x164: {  	s30 =	simm.s32 $0x6400;
	v3 =	vadd.s32 v1, v3  }
0x165: {  	[tilespmem:s30], [sflag:$0x1] =	stream.indirect_vreg.gather [hbm4b:s4+s2], $0x80, v4, vm0, $0xb8;
	[tilespmem:$0x18400] =	vst v63  }
0x166: {  	s31 =	simm.s32 $0x6C00  }
0x167: {  	[tilespmem:s31], [sflag:$0x1] =	stream.indirect_vreg.gather [hbm4b:s5+s2], $0x80, v4, vm1, $0xb8;
	[tilespmem:$0x18400] =	vst v63  }
0x168: {  	s3 =	simm.s32 $0x7000  }
0x169: {  	[tilespmem:s3], [sflag:$0x1] =	stream.indirect_vreg.gather [hbm4b:s4+s2], $0x80, v3, vm0, $0xb8;
	[tilespmem:$0x18400] =	vst v63  }
0x16a: {  	s10 =	simm.s32 $0x7800  }
0x16b: {  	[tilespmem:s10], [sflag:$0x1] =	stream.indirect_vreg.gather [hbm4b:s5+s2], $0x80, v3, vm1, $0xb8;
	[tilespmem:$0x18400] =	vst v63  }
0x16c: {  	v3 =	vld [tilespmem:$0x150];
	_ =	sdelay $0x4  }
0x16d: {  	v21 =	vshrl.u32 v3, $0x3  }
0x16e: {  	v4 =	vmul.u32 $0x18, v21  }
0x16f: {  	v3 =	vand.u32 $0x7, v3  }
0x170: {  	v3 =	vor.u32 v3, v4  }
0x171: {  	v4 =	vperm.xlane v3, v0;
	_ =	sdelay $0x1  }
0x172: {  	v4 =	vadd.s32 v1, v4;
	_ =	sdelay $0x1  }
0x173: {  	v3 =	vperm.xlane v3, v2;
	_ =	sdelay $0x1  }
0x174: {  	s7 =	simm.s32 $0x7C00;
	v3 =	vadd.s32 v1, v3  }
0x175: {  	[tilespmem:s7], [sflag:$0x1] =	stream.indirect_vreg.gather [hbm4b:s4+s2], $0x80, v4, vm0, $0xb8;
	[tilespmem:$0x18400] =	vst v63  }
0x176: {  	s8 =	simm.s32 $0x8400  }
0x177: {  	[tilespmem:s8], [sflag:$0x1] =	stream.indirect_vreg.gather [hbm4b:s5+s2], $0x80, v4, vm1, $0xb8;
	[tilespmem:$0x18400] =	vst v63  }
0x178: {  	s9 =	simm.s32 $0x8800  }
0x179: {  	[tilespmem:s9], [sflag:$0x1] =	stream.indirect_vreg.gather [hbm4b:s4+s2], $0x80, v3, vm0, $0xb8;
	[tilespmem:$0x18400] =	vst v63  }
0x17a: {  	s11 =	simm.s32 $0x9000  }
0x17b: {  	[tilespmem:s11], [sflag:$0x1] =	stream.indirect_vreg.gather [hbm4b:s5+s2], $0x80, v3, vm1, $0xb8;
	[tilespmem:$0x18400] =	vst v63  }
0x17c: {  	v3 =	vld [tilespmem:$0x160];
	_ =	sdelay $0x4  }
0x17d: {  	v22 =	vshrl.u32 v3, $0x3  }
0x17e: {  	v4 =	vmul.u32 $0x18, v22  }
0x17f: {  	v3 =	vand.u32 $0x7, v3  }
0x180: {  	v3 =	vor.u32 v3, v4  }
0x181: {  	v4 =	vperm.xlane v3, v0;
	_ =	sdelay $0x1  }
0x182: {  	v4 =	vadd.s32 v1, v4;
	_ =	sdelay $0x1  }
0x183: {  	v3 =	vperm.xlane v3, v2;
	_ =	sdelay $0x1  }
0x184: {  	s10 =	simm.s32 $0x9400;
	v3 =	vadd.s32 v1, v3  }
0x185: {  	[tilespmem:s10], [sflag:$0x1] =	stream.indirect_vreg.gather [hbm4b:s4+s2], $0x80, v4, vm0, $0xb8;
	[tilespmem:$0x18400] =	vst v63  }
0x186: {  	s11 =	simm.s32 $0x9C00  }
0x187: {  	[tilespmem:s11], [sflag:$0x1] =	stream.indirect_vreg.gather [hbm4b:s5+s2], $0x80, v4, vm1, $0xb8;
	[tilespmem:$0x18400] =	vst v63  }
0x188: {  	s12 =	simm.s32 $0xA000  }
0x189: {  	[tilespmem:s12], [sflag:$0x1] =	stream.indirect_vreg.gather [hbm4b:s4+s2], $0x80, v3, vm0, $0xb8;
	[tilespmem:$0x18400] =	vst v63  }
0x18a: {  	s1 =	simm.s32 $0xA800  }
0x18b: {  	[tilespmem:s1], [sflag:$0x1] =	stream.indirect_vreg.gather [hbm4b:s5+s2], $0x80, v3, vm1, $0xb8;
	[tilespmem:$0x18400] =	vst v63  }
0x18c: {  	v3 =	vld [tilespmem:$0x170];
	_ =	sdelay $0x4  }
0x18d: {  	v23 =	vshrl.u32 v3, $0x3  }
0x18e: {  	v4 =	vmul.u32 $0x18, v23  }
0x18f: {  	v3 =	vand.u32 $0x7, v3  }
0x190: {  	v3 =	vor.u32 v3, v4  }
0x191: {  	v4 =	vperm.xlane v3, v0;
	_ =	sdelay $0x1  }
0x192: {  	v4 =	vadd.s32 v1, v4;
	_ =	sdelay $0x1  }
0x193: {  	v3 =	vperm.xlane v3, v2;
	_ =	sdelay $0x1  }
0x194: {  	s25 =	simm.s32 $0xAC00;
	v3 =	vadd.s32 v1, v3  }
0x195: {  	[tilespmem:s25], [sflag:$0x1] =	stream.indirect_vreg.gather [hbm4b:s4+s2], $0x80, v4, vm0, $0xb8;
	[tilespmem:$0x18400] =	vst v63  }
0x196: {  	s0 =	simm.s32 $0xB400  }
0x197: {  	[tilespmem:s0], [sflag:$0x1] =	stream.indirect_vreg.gather [hbm4b:s5+s2], $0x80, v4, vm1, $0xb8;
	[tilespmem:$0x18400] =	vst v63  }
0x198: {  	s25 =	simm.s32 $0xB800  }
0x199: {  	[tilespmem:s25], [sflag:$0x1] =	stream.indirect_vreg.gather [hbm4b:s4+s2], $0x80, v3, vm0, $0xb8;
	[tilespmem:$0x18400] =	vst v63  }
0x19a: {  	s0 =	simm.s32 $0xC000  }
0x19b: {  	[tilespmem:s0], [sflag:$0x1] =	stream.indirect_vreg.gather [hbm4b:s5+s2], $0x80, v3, vm1, $0xb8;
	[tilespmem:$0x18400] =	vst v63  }
0x19c: {  	_ =	swait.ge [sflag:s23], $0xC000  }
0x19d: {  	[sflag:s23] =	ssyncset.done $0x0  }
0x19e: {  	s0 =	simm.s32 $0xC400;
	s1 =	rddreg [dreg:$0x4];
	[sflag:s23] =	ssyncadd.s32 $0xFFFF4000  }
0x19f: {  	[hbm4b:s1+s2] =	stream.linear.scatter [tilespmem:s0], [sflag:$0x4], $0xC000, $0x38;
	[tilespmem:$0x18400] =	vst v63  }
0x1a0: {  	_ =	swait.ge [sflag:s24], $0xC000  }
0x1a1: {  	[sflag:s24] =	ssyncset.done $0x0  }
0x1a2: {  	[sflag:s24] =	ssyncadd.s32 $0xFFFF4000  }
0x1a3: {  	v3 =	vld [tilespmem:$0x180];
	_ =	sdelay $0x4  }
0x1a4: {  	v24 =	vshrl.u32 v3, $0x3  }
0x1a5: {  	v4 =	vmul.u32 $0x18, v24  }
0x1a6: {  	v3 =	vand.u32 $0x7, v3  }
0x1a7: {  	v3 =	vor.u32 v3, v4  }
0x1a8: {  	v4 =	vperm.xlane v3, v0;
	_ =	sdelay $0x1  }
0x1a9: {  	v4 =	vadd.s32 v1, v4;
	_ =	sdelay $0x1  }
0x1aa: {  	v3 =	vperm.xlane v3, v2;
	_ =	sdelay $0x1  }
0x1ab: {  	v3 =	vadd.s32 v1, v3  }
0x1ac: {  	[tilespmem:s0], [sflag:$0x2] =	stream.indirect_vreg.gather [hbm4b:s4+s2], $0x80, v4, vm0, $0xb8;
	[tilespmem:$0x18400] =	vst v63  }
0x1ad: {  	s25 =	simm.s32 $0xCC00  }
0x1ae: {  	[tilespmem:s25], [sflag:$0x2] =	stream.indirect_vreg.gather [hbm4b:s5+s2], $0x80, v4, vm1, $0xb8;
	[tilespmem:$0x18400] =	vst v63  }
0x1af: {  	s1 =	simm.s32 $0xD000  }
0x1b0: {  	[tilespmem:s1], [sflag:$0x2] =	stream.indirect_vreg.gather [hbm4b:s4+s2], $0x80, v3, vm0, $0xb8;
	[tilespmem:$0x18400] =	vst v63  }
0x1b1: {  	s25 =	simm.s32 $0xD800  }
0x1b2: {  	[tilespmem:s25], [sflag:$0x2] =	stream.indirect_vreg.gather [hbm4b:s5+s2], $0x80, v3, vm1, $0xb8;
	[tilespmem:$0x18400] =	vst v63  }
0x1b3: {  	v3 =	vld [tilespmem:$0x190];
	_ =	sdelay $0x4  }
0x1b4: {  	v25 =	vshrl.u32 v3, $0x3  }
0x1b5: {  	v4 =	vmul.u32 $0x18, v25  }
0x1b6: {  	v3 =	vand.u32 $0x7, v3  }
0x1b7: {  	v3 =	vor.u32 v3, v4  }
0x1b8: {  	v4 =	vperm.xlane v3, v0;
	_ =	sdelay $0x1  }
0x1b9: {  	v4 =	vadd.s32 v1, v4;
	_ =	sdelay $0x1  }
0x1ba: {  	v3 =	vperm.xlane v3, v2;
	_ =	sdelay $0x1  }
0x1bb: {  	s1 =	simm.s32 $0xDC00;
	v3 =	vadd.s32 v1, v3  }
0x1bc: {  	[tilespmem:s1], [sflag:$0x2] =	stream.indirect_vreg.gather [hbm4b:s4+s2], $0x80, v4, vm0, $0xb8;
	[tilespmem:$0x18400] =	vst v63  }
0x1bd: {  	s25 =	simm.s32 $0xE400  }
0x1be: {  	[tilespmem:s25], [sflag:$0x2] =	stream.indirect_vreg.gather [hbm4b:s5+s2], $0x80, v4, vm1, $0xb8;
	[tilespmem:$0x18400] =	vst v63  }
0x1bf: {  	s1 =	simm.s32 $0xE800  }
0x1c0: {  	[tilespmem:s1], [sflag:$0x2] =	stream.indirect_vreg.gather [hbm4b:s4+s2], $0x80, v3, vm0, $0xb8;
	[tilespmem:$0x18400] =	vst v63  }
0x1c1: {  	s25 =	simm.s32 $0xF000  }
0x1c2: {  	[tilespmem:s25], [sflag:$0x2] =	stream.indirect_vreg.gather [hbm4b:s5+s2], $0x80, v3, vm1, $0xb8;
	[tilespmem:$0x18400] =	vst v63  }
0x1c3: {  	v3 =	vld [tilespmem:$0x1A0];
	_ =	sdelay $0x4  }
0x1c4: {  	v26 =	vshrl.u32 v3, $0x3  }
0x1c5: {  	v4 =	vmul.u32 $0x18, v26  }
0x1c6: {  	v3 =	vand.u32 $0x7, v3  }
0x1c7: {  	v3 =	vor.u32 v3, v4  }
0x1c8: {  	v4 =	vperm.xlane v3, v0;
	_ =	sdelay $0x1  }
0x1c9: {  	v4 =	vadd.s32 v1, v4;
	_ =	sdelay $0x1  }
0x1ca: {  	v3 =	vperm.xlane v3, v2;
	_ =	sdelay $0x1  }
0x1cb: {  	s1 =	simm.s32 $0xF400;
	v3 =	vadd.s32 v1, v3  }
0x1cc: {  	[tilespmem:s1], [sflag:$0x2] =	stream.indirect_vreg.gather [hbm4b:s4+s2], $0x80, v4, vm0, $0xb8;
	[tilespmem:$0x18400] =	vst v63  }
0x1cd: {  	s25 =	simm.s32 $0xFC00  }
0x1ce: {  	[tilespmem:s25], [sflag:$0x2] =	stream.indirect_vreg.gather [hbm4b:s5+s2], $0x80, v4, vm1, $0xb8;
	[tilespmem:$0x18400] =	vst v63  }
0x1cf: {  	s1 =	simm.s32 $0x10000  }
0x1d0: {  	[tilespmem:s1], [sflag:$0x2] =	stream.indirect_vreg.gather [hbm4b:s4+s2], $0x80, v3, vm0, $0xb8;
	[tilespmem:$0x18400] =	vst v63  }
0x1d1: {  	s25 =	simm.s32 $0x10800  }
0x1d2: {  	[tilespmem:s25], [sflag:$0x2] =	stream.indirect_vreg.gather [hbm4b:s5+s2], $0x80, v3, vm1, $0xb8;
	[tilespmem:$0x18400] =	vst v63  }
0x1d3: {  	v3 =	vld [tilespmem:$0x1B0];
	_ =	sdelay $0x4  }
0x1d4: {  	v27 =	vshrl.u32 v3, $0x3  }
0x1d5: {  	v4 =	vmul.u32 $0x18, v27  }
0x1d6: {  	v3 =	vand.u32 $0x7, v3  }
0x1d7: {  	v3 =	vor.u32 v3, v4  }
0x1d8: {  	v4 =	vperm.xlane v3, v0;
	_ =	sdelay $0x1  }
0x1d9: {  	v4 =	vadd.s32 v1, v4;
	_ =	sdelay $0x1  }
0x1da: {  	v3 =	vperm.xlane v3, v2;
	_ =	sdelay $0x1  }
0x1db: {  	s1 =	simm.s32 $0x10C00;
	v3 =	vadd.s32 v1, v3  }
0x1dc: {  	[tilespmem:s1], [sflag:$0x2] =	stream.indirect_vreg.gather [hbm4b:s4+s2], $0x80, v4, vm0, $0xb8;
	[tilespmem:$0x18400] =	vst v63  }
0x1dd: {  	s25 =	simm.s32 $0x11400  }
0x1de: {  	[tilespmem:s25], [sflag:$0x2] =	stream.indirect_vreg.gather [hbm4b:s5+s2], $0x80, v4, vm1, $0xb8;
	[tilespmem:$0x18400] =	vst v63  }
0x1df: {  	s1 =	simm.s32 $0x11800  }
0x1e0: {  	[tilespmem:s1], [sflag:$0x2] =	stream.indirect_vreg.gather [hbm4b:s4+s2], $0x80, v3, vm0, $0xb8;
	[tilespmem:$0x18400] =	vst v63  }
0x1e1: {  	s25 =	simm.s32 $0x12000  }
0x1e2: {  	[tilespmem:s25], [sflag:$0x2] =	stream.indirect_vreg.gather [hbm4b:s5+s2], $0x80, v3, vm1, $0xb8;
	[tilespmem:$0x18400] =	vst v63  }
0x1e3: {  	v3 =	vld [tilespmem:$0x1C0];
	_ =	sdelay $0x4  }
0x1e4: {  	v28 =	vshrl.u32 v3, $0x3  }
0x1e5: {  	v4 =	vmul.u32 $0x18, v28  }
0x1e6: {  	v3 =	vand.u32 $0x7, v3  }
0x1e7: {  	v3 =	vor.u32 v3, v4  }
0x1e8: {  	v4 =	vperm.xlane v3, v0;
	_ =	sdelay $0x1  }
0x1e9: {  	v4 =	vadd.s32 v1, v4;
	_ =	sdelay $0x1  }
0x1ea: {  	v3 =	vperm.xlane v3, v2;
	_ =	sdelay $0x1  }
0x1eb: {  	s1 =	simm.s32 $0x12400;
	v3 =	vadd.s32 v1, v3  }
0x1ec: {  	[tilespmem:s1], [sflag:$0x2] =	stream.indirect_vreg.gather [hbm4b:s4+s2], $0x80, v4, vm0, $0xb8;
	[tilespmem:$0x18400] =	vst v63  }
0x1ed: {  	s25 =	simm.s32 $0x12C00  }
0x1ee: {  	[tilespmem:s25], [sflag:$0x2] =	stream.indirect_vreg.gather [hbm4b:s5+s2], $0x80, v4, vm1, $0xb8;
	[tilespmem:$0x18400] =	vst v63  }
0x1ef: {  	s1 =	simm.s32 $0x13000  }
0x1f0: {  	[tilespmem:s1], [sflag:$0x2] =	stream.indirect_vreg.gather [hbm4b:s4+s2], $0x80, v3, vm0, $0xb8;
	[tilespmem:$0x18400] =	vst v63  }
0x1f1: {  	s25 =	simm.s32 $0x13800  }
0x1f2: {  	[tilespmem:s25], [sflag:$0x2] =	stream.indirect_vreg.gather [hbm4b:s5+s2], $0x80, v3, vm1, $0xb8;
	[tilespmem:$0x18400] =	vst v63  }
0x1f3: {  	v3 =	vld [tilespmem:$0x1D0];
	_ =	sdelay $0x4  }
0x1f4: {  	v29 =	vshrl.u32 v3, $0x3  }
0x1f5: {  	v4 =	vmul.u32 $0x18, v29  }
0x1f6: {  	v3 =	vand.u32 $0x7, v3  }
0x1f7: {  	v3 =	vor.u32 v3, v4  }
0x1f8: {  	v4 =	vperm.xlane v3, v0;
	_ =	sdelay $0x1  }
0x1f9: {  	v4 =	vadd.s32 v1, v4;
	_ =	sdelay $0x1  }
0x1fa: {  	v3 =	vperm.xlane v3, v2;
	_ =	sdelay $0x1  }
0x1fb: {  	s1 =	simm.s32 $0x13C00;
	v3 =	vadd.s32 v1, v3  }
0x1fc: {  	[tilespmem:s1], [sflag:$0x2] =	stream.indirect_vreg.gather [hbm4b:s4+s2], $0x80, v4, vm0, $0xb8;
	[tilespmem:$0x18400] =	vst v63  }
0x1fd: {  	s25 =	simm.s32 $0x14400  }
0x1fe: {  	[tilespmem:s25], [sflag:$0x2] =	stream.indirect_vreg.gather [hbm4b:s5+s2], $0x80, v4, vm1, $0xb8;
	[tilespmem:$0x18400] =	vst v63  }
0x1ff: {  	s1 =	simm.s32 $0x14800  }
0x200: {  	[tilespmem:s1], [sflag:$0x2] =	stream.indirect_vreg.gather [hbm4b:s4+s2], $0x80, v3, vm0, $0xb8;
	[tilespmem:$0x18400] =	vst v63  }
0x201: {  	s25 =	simm.s32 $0x15000  }
0x202: {  	[tilespmem:s25], [sflag:$0x2] =	stream.indirect_vreg.gather [hbm4b:s5+s2], $0x80, v3, vm1, $0xb8;
	[tilespmem:$0x18400] =	vst v63  }
0x203: {  	v3 =	vld [tilespmem:$0x1E0];
	_ =	sdelay $0x4  }
0x204: {  	v30 =	vshrl.u32 v3, $0x3  }
0x205: {  	v4 =	vmul.u32 $0x18, v30  }
0x206: {  	v3 =	vand.u32 $0x7, v3  }
0x207: {  	v3 =	vor.u32 v3, v4  }
0x208: {  	v4 =	vperm.xlane v3, v0;
	_ =	sdelay $0x1  }
0x209: {  	v4 =	vadd.s32 v1, v4;
	_ =	sdelay $0x1  }
0x20a: {  	v3 =	vperm.xlane v3, v2;
	_ =	sdelay $0x1  }
0x20b: {  	s1 =	simm.s32 $0x15400;
	v3 =	vadd.s32 v1, v3  }
0x20c: {  	[tilespmem:s1], [sflag:$0x2] =	stream.indirect_vreg.gather [hbm4b:s4+s2], $0x80, v4, vm0, $0xb8;
	[tilespmem:$0x18400] =	vst v63  }
0x20d: {  	s25 =	simm.s32 $0x15C00  }
0x20e: {  	[tilespmem:s25], [sflag:$0x2] =	stream.indirect_vreg.gather [hbm4b:s5+s2], $0x80, v4, vm1, $0xb8;
	[tilespmem:$0x18400] =	vst v63  }
0x20f: {  	s1 =	simm.s32 $0x16000  }
0x210: {  	[tilespmem:s1], [sflag:$0x2] =	stream.indirect_vreg.gather [hbm4b:s4+s2], $0x80, v3, vm0, $0xb8;
	[tilespmem:$0x18400] =	vst v63  }
0x211: {  	s25 =	simm.s32 $0x16800  }
0x212: {  	[tilespmem:s25], [sflag:$0x2] =	stream.indirect_vreg.gather [hbm4b:s5+s2], $0x80, v3, vm1, $0xb8;
	[tilespmem:$0x18400] =	vst v63  }
0x213: {  	v3 =	vld [tilespmem:$0x1F0];
	_ =	sdelay $0x4  }
0x214: {  	v31 =	vshrl.u32 v3, $0x3  }
0x215: {  	v4 =	vmul.u32 $0x18, v31  }
0x216: {  	v3 =	vand.u32 $0x7, v3  }
0x217: {  	v3 =	vor.u32 v3, v4  }
0x218: {  	v4 =	vperm.xlane v3, v0;
	_ =	sdelay $0x1  }
0x219: {  	v4 =	vadd.s32 v1, v4;
	_ =	sdelay $0x1  }
0x21a: {  	v3 =	vperm.xlane v3, v2;
	_ =	sdelay $0x1  }
0x21b: {  	s1 =	simm.s32 $0x16C00;
	v3 =	vadd.s32 v1, v3  }
0x21c: {  	[tilespmem:s1], [sflag:$0x2] =	stream.indirect_vreg.gather [hbm4b:s4+s2], $0x80, v4, vm0, $0xb8;
	[tilespmem:$0x18400] =	vst v63  }
0x21d: {  	s25 =	simm.s32 $0x17400  }
0x21e: {  	[tilespmem:s25], [sflag:$0x2] =	stream.indirect_vreg.gather [hbm4b:s5+s2], $0x80, v4, vm1, $0xb8;
	[tilespmem:$0x18400] =	vst v63  }
0x21f: {  	s1 =	simm.s32 $0x17800  }
0x220: {  	[tilespmem:s1], [sflag:$0x2] =	stream.indirect_vreg.gather [hbm4b:s4+s2], $0x80, v3, vm0, $0xb8;
	[tilespmem:$0x18400] =	vst v63  }
0x221: {  	s25 =	simm.s32 $0x18000  }
0x222: {  	[tilespmem:s25], [sflag:$0x2] =	stream.indirect_vreg.gather [hbm4b:s5+s2], $0x80, v3, vm1, $0xb8;
	[tilespmem:$0x18400] =	vst v63  }
0x223: {  	_ =	swait.ge [sflag:s21], $0xC000  }
0x224: {  	[sflag:s21] =	ssyncset.done $0x0  }
0x225: {  	s1 =	simm.s32 $0x400;
	s0 =	rddreg [dreg:$0x5];
	[sflag:s21] =	ssyncadd.s32 $0xFFFF4000  }
0x226: {  	[hbm4b:s0+s2] =	stream.linear.scatter [tilespmem:s1], [sflag:$0x3], $0xC000, $0x38;
	[tilespmem:$0x18400] =	vst v63  }
0x227: {  	_ =	swait.ge [sflag:s22], $0xC000  }
0x228: {  	[sflag:s22] =	ssyncset.done $0x0  }
0x229: {  	[sflag:s22] =	ssyncadd.s32 $0xFFFF4000  }
0x22a: {  	v3 =	vld [tilespmem:$0x200];
	_ =	sdelay $0x4  }
0x22b: {  	v32 =	vshrl.u32 v3, $0x3  }
0x22c: {  	v4 =	vmul.u32 $0x18, v32  }
0x22d: {  	v3 =	vand.u32 $0x7, v3  }
0x22e: {  	v3 =	vor.u32 v3, v4  }
0x22f: {  	v4 =	vperm.xlane v3, v0;
	_ =	sdelay $0x1  }
0x230: {  	v4 =	vadd.s32 v1, v4;
	_ =	sdelay $0x1  }
0x231: {  	v3 =	vperm.xlane v3, v2;
	_ =	sdelay $0x1  }
0x232: {  	v3 =	vadd.s32 v1, v3  }
0x233: {  	[tilespmem:s1], [sflag:$0x1] =	stream.indirect_vreg.gather [hbm4b:s4+s2], $0x80, v4, vm0, $0xb8;
	[tilespmem:$0x18400] =	vst v63  }
0x234: {  	_ = 	snop  }
0x235: {  	[tilespmem:s14], [sflag:$0x1] =	stream.indirect_vreg.gather [hbm4b:s5+s2], $0x80, v4, vm1, $0xb8;
	[tilespmem:$0x18400] =	vst v63  }
0x236: {  	_ = 	snop  }
0x237: {  	[tilespmem:s13], [sflag:$0x1] =	stream.indirect_vreg.gather [hbm4b:s4+s2], $0x80, v3, vm0, $0xb8;
	[tilespmem:$0x18400] =	vst v63  }
0x238: {  	s1 =	simm.s32 $0x1800  }
0x239: {  	[tilespmem:s1], [sflag:$0x1] =	stream.indirect_vreg.gather [hbm4b:s5+s2], $0x80, v3, vm1, $0xb8;
	[tilespmem:$0x18400] =	vst v63  }
0x23a: {  	v3 =	vld [tilespmem:$0x210];
	_ =	sdelay $0x4  }
0x23b: {  	v33 =	vshrl.u32 v3, $0x3  }
0x23c: {  	v4 =	vmul.u32 $0x18, v33  }
0x23d: {  	v3 =	vand.u32 $0x7, v3  }
0x23e: {  	v3 =	vor.u32 v3, v4  }
0x23f: {  	v4 =	vperm.xlane v3, v0;
	_ =	sdelay $0x1  }
0x240: {  	v4 =	vadd.s32 v1, v4;
	_ =	sdelay $0x1  }
0x241: {  	v3 =	vperm.xlane v3, v2;
	_ =	sdelay $0x1  }
0x242: {  	v3 =	vadd.s32 v1, v3  }
0x243: {  	[tilespmem:s15], [sflag:$0x1] =	stream.indirect_vreg.gather [hbm4b:s4+s2], $0x80, v4, vm0, $0xb8;
	[tilespmem:$0x18400] =	vst v63  }
0x244: {  	_ = 	snop  }
0x245: {  	[tilespmem:s16], [sflag:$0x1] =	stream.indirect_vreg.gather [hbm4b:s5+s2], $0x80, v4, vm1, $0xb8;
	[tilespmem:$0x18400] =	vst v63  }
0x246: {  	_ = 	snop  }
0x247: {  	[tilespmem:s17], [sflag:$0x1] =	stream.indirect_vreg.gather [hbm4b:s4+s2], $0x80, v3, vm0, $0xb8;
	[tilespmem:$0x18400] =	vst v63  }
0x248: {  	s17 =	simm.s32 $0x3000  }
0x249: {  	[tilespmem:s17], [sflag:$0x1] =	stream.indirect_vreg.gather [hbm4b:s5+s2], $0x80, v3, vm1, $0xb8;
	[tilespmem:$0x18400] =	vst v63  }
0x24a: {  	v3 =	vld [tilespmem:$0x220];
	_ =	sdelay $0x4  }
0x24b: {  	v34 =	vshrl.u32 v3, $0x3  }
0x24c: {  	v4 =	vmul.u32 $0x18, v34  }
0x24d: {  	v3 =	vand.u32 $0x7, v3  }
0x24e: {  	v3 =	vor.u32 v3, v4  }
0x24f: {  	v4 =	vperm.xlane v3, v0;
	_ =	sdelay $0x1  }
0x250: {  	v4 =	vadd.s32 v1, v4;
	_ =	sdelay $0x1  }
0x251: {  	v3 =	vperm.xlane v3, v2;
	_ =	sdelay $0x1  }
0x252: {  	v3 =	vadd.s32 v1, v3  }
0x253: {  	[tilespmem:s18], [sflag:$0x1] =	stream.indirect_vreg.gather [hbm4b:s4+s2], $0x80, v4, vm0, $0xb8;
	[tilespmem:$0x18400] =	vst v63  }
0x254: {  	_ = 	snop  }
0x255: {  	[tilespmem:s19], [sflag:$0x1] =	stream.indirect_vreg.gather [hbm4b:s5+s2], $0x80, v4, vm1, $0xb8;
	[tilespmem:$0x18400] =	vst v63  }
0x256: {  	_ = 	snop  }
0x257: {  	[tilespmem:s20], [sflag:$0x1] =	stream.indirect_vreg.gather [hbm4b:s4+s2], $0x80, v3, vm0, $0xb8;
	[tilespmem:$0x18400] =	vst v63  }
0x258: {  	s25 =	simm.s32 $0x4800  }
0x259: {  	[tilespmem:s25], [sflag:$0x1] =	stream.indirect_vreg.gather [hbm4b:s5+s2], $0x80, v3, vm1, $0xb8;
	[tilespmem:$0x18400] =	vst v63  }
0x25a: {  	v3 =	vld [tilespmem:$0x230];
	_ =	sdelay $0x4  }
0x25b: {  	v35 =	vshrl.u32 v3, $0x3  }
0x25c: {  	v4 =	vmul.u32 $0x18, v35  }
0x25d: {  	v3 =	vand.u32 $0x7, v3  }
0x25e: {  	v3 =	vor.u32 v3, v4  }
0x25f: {  	v4 =	vperm.xlane v3, v0;
	_ =	sdelay $0x1  }
0x260: {  	v4 =	vadd.s32 v1, v4;
	_ =	sdelay $0x1  }
0x261: {  	v3 =	vperm.xlane v3, v2;
	_ =	sdelay $0x1  }
0x262: {  	v3 =	vadd.s32 v1, v3  }
0x263: {  	[tilespmem:s26], [sflag:$0x1] =	stream.indirect_vreg.gather [hbm4b:s4+s2], $0x80, v4, vm0, $0xb8;
	[tilespmem:$0x18400] =	vst v63  }
0x264: {  	_ = 	snop  }
0x265: {  	[tilespmem:s28], [sflag:$0x1] =	stream.indirect_vreg.gather [hbm4b:s5+s2], $0x80, v4, vm1, $0xb8;
	[tilespmem:$0x18400] =	vst v63  }
0x266: {  	_ = 	snop  }
0x267: {  	[tilespmem:s29], [sflag:$0x1] =	stream.indirect_vreg.gather [hbm4b:s4+s2], $0x80, v3, vm0, $0xb8;
	[tilespmem:$0x18400] =	vst v63  }
0x268: {  	s29 =	simm.s32 $0x6000  }
0x269: {  	[tilespmem:s29], [sflag:$0x1] =	stream.indirect_vreg.gather [hbm4b:s5+s2], $0x80, v3, vm1, $0xb8;
	[tilespmem:$0x18400] =	vst v63  }
0x26a: {  	v3 =	vld [tilespmem:$0x240];
	_ =	sdelay $0x4  }
0x26b: {  	v36 =	vshrl.u32 v3, $0x3  }
0x26c: {  	v4 =	vmul.u32 $0x18, v36  }
0x26d: {  	v3 =	vand.u32 $0x7, v3  }
0x26e: {  	v3 =	vor.u32 v3, v4  }
0x26f: {  	v4 =	vperm.xlane v3, v0;
	_ =	sdelay $0x1  }
0x270: {  	v4 =	vadd.s32 v1, v4;
	_ =	sdelay $0x1  }
0x271: {  	v3 =	vperm.xlane v3, v2;
	_ =	sdelay $0x1  }
0x272: {  	v3 =	vadd.s32 v1, v3  }
0x273: {  	[tilespmem:s30], [sflag:$0x1] =	stream.indirect_vreg.gather [hbm4b:s4+s2], $0x80, v4, vm0, $0xb8;
	[tilespmem:$0x18400] =	vst v63  }
0x274: {  	_ = 	snop  }
0x275: {  	[tilespmem:s31], [sflag:$0x1] =	stream.indirect_vreg.gather [hbm4b:s5+s2], $0x80, v4, vm1, $0xb8;
	[tilespmem:$0x18400] =	vst v63  }
0x276: {  	_ = 	snop  }
0x277: {  	[tilespmem:s3], [sflag:$0x1] =	stream.indirect_vreg.gather [hbm4b:s4+s2], $0x80, v3, vm0, $0xb8;
	[tilespmem:$0x18400] =	vst v63  }
0x278: {  	s31 =	simm.s32 $0x7800  }
0x279: {  	[tilespmem:s31], [sflag:$0x1] =	stream.indirect_vreg.gather [hbm4b:s5+s2], $0x80, v3, vm1, $0xb8;
	[tilespmem:$0x18400] =	vst v63  }
0x27a: {  	v3 =	vld [tilespmem:$0x250];
	_ =	sdelay $0x4  }
0x27b: {  	v37 =	vshrl.u32 v3, $0x3  }
0x27c: {  	v4 =	vmul.u32 $0x18, v37  }
0x27d: {  	v3 =	vand.u32 $0x7, v3  }
0x27e: {  	v3 =	vor.u32 v3, v4  }
0x27f: {  	v4 =	vperm.xlane v3, v0;
	_ =	sdelay $0x1  }
0x280: {  	v4 =	vadd.s32 v1, v4;
	_ =	sdelay $0x1  }
0x281: {  	v3 =	vperm.xlane v3, v2;
	_ =	sdelay $0x1  }
0x282: {  	v3 =	vadd.s32 v1, v3  }
0x283: {  	[tilespmem:s7], [sflag:$0x1] =	stream.indirect_vreg.gather [hbm4b:s4+s2], $0x80, v4, vm0, $0xb8;
	[tilespmem:$0x18400] =	vst v63  }
0x284: {  	_ = 	snop  }
0x285: {  	[tilespmem:s8], [sflag:$0x1] =	stream.indirect_vreg.gather [hbm4b:s5+s2], $0x80, v4, vm1, $0xb8;
	[tilespmem:$0x18400] =	vst v63  }
0x286: {  	_ = 	snop  }
0x287: {  	[tilespmem:s9], [sflag:$0x1] =	stream.indirect_vreg.gather [hbm4b:s4+s2], $0x80, v3, vm0, $0xb8;
	[tilespmem:$0x18400] =	vst v63  }
0x288: {  	s3 =	simm.s32 $0x9000  }
0x289: {  	[tilespmem:s3], [sflag:$0x1] =	stream.indirect_vreg.gather [hbm4b:s5+s2], $0x80, v3, vm1, $0xb8;
	[tilespmem:$0x18400] =	vst v63  }
0x28a: {  	v3 =	vld [tilespmem:$0x260];
	_ =	sdelay $0x4  }
0x28b: {  	v38 =	vshrl.u32 v3, $0x3  }
0x28c: {  	v4 =	vmul.u32 $0x18, v38  }
0x28d: {  	v3 =	vand.u32 $0x7, v3  }
0x28e: {  	v3 =	vor.u32 v3, v4  }
0x28f: {  	v4 =	vperm.xlane v3, v0;
	_ =	sdelay $0x1  }
0x290: {  	v4 =	vadd.s32 v1, v4;
	_ =	sdelay $0x1  }
0x291: {  	v3 =	vperm.xlane v3, v2;
	_ =	sdelay $0x1  }
0x292: {  	v3 =	vadd.s32 v1, v3  }
0x293: {  	[tilespmem:s10], [sflag:$0x1] =	stream.indirect_vreg.gather [hbm4b:s4+s2], $0x80, v4, vm0, $0xb8;
	[tilespmem:$0x18400] =	vst v63  }
0x294: {  	_ = 	snop  }
0x295: {  	[tilespmem:s11], [sflag:$0x1] =	stream.indirect_vreg.gather [hbm4b:s5+s2], $0x80, v4, vm1, $0xb8;
	[tilespmem:$0x18400] =	vst v63  }
0x296: {  	_ = 	snop  }
0x297: {  	[tilespmem:s12], [sflag:$0x1] =	stream.indirect_vreg.gather [hbm4b:s4+s2], $0x80, v3, vm0, $0xb8;
	[tilespmem:$0x18400] =	vst v63  }
0x298: {  	s7 =	simm.s32 $0xA800  }
0x299: {  	[tilespmem:s7], [sflag:$0x1] =	stream.indirect_vreg.gather [hbm4b:s5+s2], $0x80, v3, vm1, $0xb8;
	[tilespmem:$0x18400] =	vst v63  }
0x29a: {  	v3 =	vld [tilespmem:$0x270];
	_ =	sdelay $0x4  }
0x29b: {  	v39 =	vshrl.u32 v3, $0x3  }
0x29c: {  	v4 =	vmul.u32 $0x18, v39  }
0x29d: {  	v3 =	vand.u32 $0x7, v3  }
0x29e: {  	v3 =	vor.u32 v3, v4  }
0x29f: {  	v4 =	vperm.xlane v3, v0;
	_ =	sdelay $0x1  }
0x2a0: {  	v4 =	vadd.s32 v1, v4;
	_ =	sdelay $0x1  }
0x2a1: {  	v3 =	vperm.xlane v3, v2;
	_ =	sdelay $0x1  }
0x2a2: {  	s31 =	simm.s32 $0xAC00;
	v3 =	vadd.s32 v1, v3  }
0x2a3: {  	[tilespmem:s31], [sflag:$0x1] =	stream.indirect_vreg.gather [hbm4b:s4+s2], $0x80, v4, vm0, $0xb8;
	[tilespmem:$0x18400] =	vst v63  }
0x2a4: {  	s0 =	simm.s32 $0xB400  }
0x2a5: {  	[tilespmem:s0], [sflag:$0x1] =	stream.indirect_vreg.gather [hbm4b:s5+s2], $0x80, v4, vm1, $0xb8;
	[tilespmem:$0x18400] =	vst v63  }
0x2a6: {  	s3 =	simm.s32 $0xB800  }
0x2a7: {  	[tilespmem:s3], [sflag:$0x1] =	stream.indirect_vreg.gather [hbm4b:s4+s2], $0x80, v3, vm0, $0xb8;
	[tilespmem:$0x18400] =	vst v63  }
0x2a8: {  	s7 =	simm.s32 $0xC000  }
0x2a9: {  	[tilespmem:s7], [sflag:$0x1] =	stream.indirect_vreg.gather [hbm4b:s5+s2], $0x80, v3, vm1, $0xb8;
	[tilespmem:$0x18400] =	vst v63  }
0x2aa: {  	_ =	swait.ge [sflag:s23], $0xC000  }
0x2ab: {  	[sflag:s23] =	ssyncset.done $0x0  }
0x2ac: {  	s3 =	simm.s32 $0xC400;
	s0 =	rddreg [dreg:$0x6];
	[sflag:s23] =	ssyncadd.s32 $0xFFFF4000  }
0x2ad: {  	[hbm4b:s0+s2] =	stream.linear.scatter [tilespmem:s3], [sflag:$0x4], $0xC000, $0x38;
	[tilespmem:$0x18400] =	vst v63  }
0x2ae: {  	_ =	swait.ge [sflag:s24], $0xC000  }
0x2af: {  	[sflag:s24] =	ssyncset.done $0x0  }
0x2b0: {  	[sflag:s24] =	ssyncadd.s32 $0xFFFF4000  }
0x2b1: {  	v3 =	vld [tilespmem:$0x280];
	_ =	sdelay $0x4  }
0x2b2: {  	v40 =	vshrl.u32 v3, $0x3  }
0x2b3: {  	v4 =	vmul.u32 $0x18, v40  }
0x2b4: {  	v3 =	vand.u32 $0x7, v3  }
0x2b5: {  	v3 =	vor.u32 v3, v4  }
0x2b6: {  	v4 =	vperm.xlane v3, v0;
	_ =	sdelay $0x1  }
0x2b7: {  	v4 =	vadd.s32 v1, v4;
	_ =	sdelay $0x1  }
0x2b8: {  	v3 =	vperm.xlane v3, v2;
	_ =	sdelay $0x1  }
0x2b9: {  	v3 =	vadd.s32 v1, v3  }
0x2ba: {  	[tilespmem:s3], [sflag:$0x2] =	stream.indirect_vreg.gather [hbm4b:s4+s2], $0x80, v4, vm0, $0xb8;
	[tilespmem:$0x18400] =	vst v63  }
0x2bb: {  	s0 =	simm.s32 $0xCC00  }
0x2bc: {  	[tilespmem:s0], [sflag:$0x2] =	stream.indirect_vreg.gather [hbm4b:s5+s2], $0x80, v4, vm1, $0xb8;
	[tilespmem:$0x18400] =	vst v63  }
0x2bd: {  	s7 =	simm.s32 $0xD000  }
0x2be: {  	[tilespmem:s7], [sflag:$0x2] =	stream.indirect_vreg.gather [hbm4b:s4+s2], $0x80, v3, vm0, $0xb8;
	[tilespmem:$0x18400] =	vst v63  }
0x2bf: {  	s7 =	simm.s32 $0xD800  }
0x2c0: {  	[tilespmem:s7], [sflag:$0x2] =	stream.indirect_vreg.gather [hbm4b:s5+s2], $0x80, v3, vm1, $0xb8;
	[tilespmem:$0x18400] =	vst v63  }
0x2c1: {  	v3 =	vld [tilespmem:$0x290];
	_ =	sdelay $0x4  }
0x2c2: {  	v41 =	vshrl.u32 v3, $0x3  }
0x2c3: {  	v4 =	vmul.u32 $0x18, v41  }
0x2c4: {  	v3 =	vand.u32 $0x7, v3  }
0x2c5: {  	v3 =	vor.u32 v3, v4  }
0x2c6: {  	v4 =	vperm.xlane v3, v0;
	_ =	sdelay $0x1  }
0x2c7: {  	v4 =	vadd.s32 v1, v4;
	_ =	sdelay $0x1  }
0x2c8: {  	v3 =	vperm.xlane v3, v2;
	_ =	sdelay $0x1  }
0x2c9: {  	s7 =	simm.s32 $0xDC00;
	v3 =	vadd.s32 v1, v3  }
0x2ca: {  	[tilespmem:s7], [sflag:$0x2] =	stream.indirect_vreg.gather [hbm4b:s4+s2], $0x80, v4, vm0, $0xb8;
	[tilespmem:$0x18400] =	vst v63  }
0x2cb: {  	s7 =	simm.s32 $0xE400  }
0x2cc: {  	[tilespmem:s7], [sflag:$0x2] =	stream.indirect_vreg.gather [hbm4b:s5+s2], $0x80, v4, vm1, $0xb8;
	[tilespmem:$0x18400] =	vst v63  }
0x2cd: {  	s7 =	simm.s32 $0xE800  }
0x2ce: {  	[tilespmem:s7], [sflag:$0x2] =	stream.indirect_vreg.gather [hbm4b:s4+s2], $0x80, v3, vm0, $0xb8;
	[tilespmem:$0x18400] =	vst v63  }
0x2cf: {  	s7 =	simm.s32 $0xF000  }
0x2d0: {  	[tilespmem:s7], [sflag:$0x2] =	stream.indirect_vreg.gather [hbm4b:s5+s2], $0x80, v3, vm1, $0xb8;
	[tilespmem:$0x18400] =	vst v63  }
0x2d1: {  	v3 =	vld [tilespmem:$0x2A0];
	_ =	sdelay $0x4  }
0x2d2: {  	v42 =	vshrl.u32 v3, $0x3  }
0x2d3: {  	v4 =	vmul.u32 $0x18, v42  }
0x2d4: {  	v3 =	vand.u32 $0x7, v3  }
0x2d5: {  	v3 =	vor.u32 v3, v4  }
0x2d6: {  	v4 =	vperm.xlane v3, v0;
	_ =	sdelay $0x1  }
0x2d7: {  	v4 =	vadd.s32 v1, v4;
	_ =	sdelay $0x1  }
0x2d8: {  	v3 =	vperm.xlane v3, v2;
	_ =	sdelay $0x1  }
0x2d9: {  	s7 =	simm.s32 $0xF400;
	v3 =	vadd.s32 v1, v3  }
0x2da: {  	[tilespmem:s7], [sflag:$0x2] =	stream.indirect_vreg.gather [hbm4b:s4+s2], $0x80, v4, vm0, $0xb8;
	[tilespmem:$0x18400] =	vst v63  }
0x2db: {  	s7 =	simm.s32 $0xFC00  }
0x2dc: {  	[tilespmem:s7], [sflag:$0x2] =	stream.indirect_vreg.gather [hbm4b:s5+s2], $0x80, v4, vm1, $0xb8;
	[tilespmem:$0x18400] =	vst v63  }
0x2dd: {  	s7 =	simm.s32 $0x10000  }
0x2de: {  	[tilespmem:s7], [sflag:$0x2] =	stream.indirect_vreg.gather [hbm4b:s4+s2], $0x80, v3, vm0, $0xb8;
	[tilespmem:$0x18400] =	vst v63  }
0x2df: {  	s7 =	simm.s32 $0x10800  }
0x2e0: {  	[tilespmem:s7], [sflag:$0x2] =	stream.indirect_vreg.gather [hbm4b:s5+s2], $0x80, v3, vm1, $0xb8;
	[tilespmem:$0x18400] =	vst v63  }
0x2e1: {  	v3 =	vld [tilespmem:$0x2B0];
	_ =	sdelay $0x4  }
0x2e2: {  	v43 =	vshrl.u32 v3, $0x3  }
0x2e3: {  	v4 =	vmul.u32 $0x18, v43  }
0x2e4: {  	v3 =	vand.u32 $0x7, v3  }
0x2e5: {  	v3 =	vor.u32 v3, v4  }
0x2e6: {  	v4 =	vperm.xlane v3, v0;
	_ =	sdelay $0x1  }
0x2e7: {  	v4 =	vadd.s32 v1, v4;
	_ =	sdelay $0x1  }
0x2e8: {  	v3 =	vperm.xlane v3, v2;
	_ =	sdelay $0x1  }
0x2e9: {  	s7 =	simm.s32 $0x10C00;
	v3 =	vadd.s32 v1, v3  }
0x2ea: {  	[tilespmem:s7], [sflag:$0x2] =	stream.indirect_vreg.gather [hbm4b:s4+s2], $0x80, v4, vm0, $0xb8;
	[tilespmem:$0x18400] =	vst v63  }
0x2eb: {  	s7 =	simm.s32 $0x11400  }
0x2ec: {  	[tilespmem:s7], [sflag:$0x2] =	stream.indirect_vreg.gather [hbm4b:s5+s2], $0x80, v4, vm1, $0xb8;
	[tilespmem:$0x18400] =	vst v63  }
0x2ed: {  	s7 =	simm.s32 $0x11800  }
0x2ee: {  	[tilespmem:s7], [sflag:$0x2] =	stream.indirect_vreg.gather [hbm4b:s4+s2], $0x80, v3, vm0, $0xb8;
	[tilespmem:$0x18400] =	vst v63  }
0x2ef: {  	s7 =	simm.s32 $0x12000  }
0x2f0: {  	[tilespmem:s7], [sflag:$0x2] =	stream.indirect_vreg.gather [hbm4b:s5+s2], $0x80, v3, vm1, $0xb8;
	[tilespmem:$0x18400] =	vst v63  }
0x2f1: {  	v3 =	vld [tilespmem:$0x2C0];
	_ =	sdelay $0x4  }
0x2f2: {  	v44 =	vshrl.u32 v3, $0x3  }
0x2f3: {  	v4 =	vmul.u32 $0x18, v44  }
0x2f4: {  	v3 =	vand.u32 $0x7, v3  }
0x2f5: {  	v3 =	vor.u32 v3, v4  }
0x2f6: {  	v4 =	vperm.xlane v3, v0;
	_ =	sdelay $0x1  }
0x2f7: {  	v4 =	vadd.s32 v1, v4;
	_ =	sdelay $0x1  }
0x2f8: {  	v3 =	vperm.xlane v3, v2;
	_ =	sdelay $0x1  }
0x2f9: {  	s7 =	simm.s32 $0x12400;
	v3 =	vadd.s32 v1, v3  }
0x2fa: {  	[tilespmem:s7], [sflag:$0x2] =	stream.indirect_vreg.gather [hbm4b:s4+s2], $0x80, v4, vm0, $0xb8;
	[tilespmem:$0x18400] =	vst v63  }
0x2fb: {  	s7 =	simm.s32 $0x12C00  }
0x2fc: {  	[tilespmem:s7], [sflag:$0x2] =	stream.indirect_vreg.gather [hbm4b:s5+s2], $0x80, v4, vm1, $0xb8;
	[tilespmem:$0x18400] =	vst v63  }
0x2fd: {  	s7 =	simm.s32 $0x13000  }
0x2fe: {  	[tilespmem:s7], [sflag:$0x2] =	stream.indirect_vreg.gather [hbm4b:s4+s2], $0x80, v3, vm0, $0xb8;
	[tilespmem:$0x18400] =	vst v63  }
0x2ff: {  	s7 =	simm.s32 $0x13800  }
0x300: {  	[tilespmem:s7], [sflag:$0x2] =	stream.indirect_vreg.gather [hbm4b:s5+s2], $0x80, v3, vm1, $0xb8;
	[tilespmem:$0x18400] =	vst v63  }
0x301: {  	v3 =	vld [tilespmem:$0x2D0];
	_ =	sdelay $0x4  }
0x302: {  	v45 =	vshrl.u32 v3, $0x3  }
0x303: {  	v4 =	vmul.u32 $0x18, v45  }
0x304: {  	v3 =	vand.u32 $0x7, v3  }
0x305: {  	v3 =	vor.u32 v3, v4  }
0x306: {  	v4 =	vperm.xlane v3, v0;
	_ =	sdelay $0x1  }
0x307: {  	v4 =	vadd.s32 v1, v4;
	_ =	sdelay $0x1  }
0x308: {  	v3 =	vperm.xlane v3, v2;
	_ =	sdelay $0x1  }
0x309: {  	s7 =	simm.s32 $0x13C00;
	v3 =	vadd.s32 v1, v3  }
0x30a: {  	[tilespmem:s7], [sflag:$0x2] =	stream.indirect_vreg.gather [hbm4b:s4+s2], $0x80, v4, vm0, $0xb8;
	[tilespmem:$0x18400] =	vst v63  }
0x30b: {  	s7 =	simm.s32 $0x14400  }
0x30c: {  	[tilespmem:s7], [sflag:$0x2] =	stream.indirect_vreg.gather [hbm4b:s5+s2], $0x80, v4, vm1, $0xb8;
	[tilespmem:$0x18400] =	vst v63  }
0x30d: {  	s7 =	simm.s32 $0x14800  }
0x30e: {  	[tilespmem:s7], [sflag:$0x2] =	stream.indirect_vreg.gather [hbm4b:s4+s2], $0x80, v3, vm0, $0xb8;
	[tilespmem:$0x18400] =	vst v63  }
0x30f: {  	s7 =	simm.s32 $0x15000  }
0x310: {  	[tilespmem:s7], [sflag:$0x2] =	stream.indirect_vreg.gather [hbm4b:s5+s2], $0x80, v3, vm1, $0xb8;
	[tilespmem:$0x18400] =	vst v63  }
0x311: {  	v3 =	vld [tilespmem:$0x2E0];
	_ =	sdelay $0x4  }
0x312: {  	v46 =	vshrl.u32 v3, $0x3  }
0x313: {  	v4 =	vmul.u32 $0x18, v46  }
0x314: {  	v3 =	vand.u32 $0x7, v3  }
0x315: {  	v3 =	vor.u32 v3, v4  }
0x316: {  	v4 =	vperm.xlane v3, v0;
	_ =	sdelay $0x1  }
0x317: {  	v4 =	vadd.s32 v1, v4;
	_ =	sdelay $0x1  }
0x318: {  	v3 =	vperm.xlane v3, v2;
	_ =	sdelay $0x1  }
0x319: {  	s7 =	simm.s32 $0x15400;
	v3 =	vadd.s32 v1, v3  }
0x31a: {  	[tilespmem:s7], [sflag:$0x2] =	stream.indirect_vreg.gather [hbm4b:s4+s2], $0x80, v4, vm0, $0xb8;
	[tilespmem:$0x18400] =	vst v63  }
0x31b: {  	s7 =	simm.s32 $0x15C00  }
0x31c: {  	[tilespmem:s7], [sflag:$0x2] =	stream.indirect_vreg.gather [hbm4b:s5+s2], $0x80, v4, vm1, $0xb8;
	[tilespmem:$0x18400] =	vst v63  }
0x31d: {  	s7 =	simm.s32 $0x16000  }
0x31e: {  	[tilespmem:s7], [sflag:$0x2] =	stream.indirect_vreg.gather [hbm4b:s4+s2], $0x80, v3, vm0, $0xb8;
	[tilespmem:$0x18400] =	vst v63  }
0x31f: {  	s7 =	simm.s32 $0x16800  }
0x320: {  	[tilespmem:s7], [sflag:$0x2] =	stream.indirect_vreg.gather [hbm4b:s5+s2], $0x80, v3, vm1, $0xb8;
	[tilespmem:$0x18400] =	vst v63  }
0x321: {  	v3 =	vld [tilespmem:$0x2F0];
	_ =	sdelay $0x4  }
0x322: {  	v47 =	vshrl.u32 v3, $0x3  }
0x323: {  	v4 =	vmul.u32 $0x18, v47  }
0x324: {  	v3 =	vand.u32 $0x7, v3  }
0x325: {  	v3 =	vor.u32 v3, v4  }
0x326: {  	v4 =	vperm.xlane v3, v0;
	_ =	sdelay $0x1  }
0x327: {  	v4 =	vadd.s32 v1, v4;
	_ =	sdelay $0x1  }
0x328: {  	v3 =	vperm.xlane v3, v2;
	_ =	sdelay $0x1  }
0x329: {  	s7 =	simm.s32 $0x16C00;
	v3 =	vadd.s32 v1, v3  }
0x32a: {  	[tilespmem:s7], [sflag:$0x2] =	stream.indirect_vreg.gather [hbm4b:s4+s2], $0x80, v4, vm0, $0xb8;
	[tilespmem:$0x18400] =	vst v63  }
0x32b: {  	s7 =	simm.s32 $0x17400  }
0x32c: {  	[tilespmem:s7], [sflag:$0x2] =	stream.indirect_vreg.gather [hbm4b:s5+s2], $0x80, v4, vm1, $0xb8;
	[tilespmem:$0x18400] =	vst v63  }
0x32d: {  	s7 =	simm.s32 $0x17800  }
0x32e: {  	[tilespmem:s7], [sflag:$0x2] =	stream.indirect_vreg.gather [hbm4b:s4+s2], $0x80, v3, vm0, $0xb8;
	[tilespmem:$0x18400] =	vst v63  }
0x32f: {  	s7 =	simm.s32 $0x18000  }
0x330: {  	[tilespmem:s7], [sflag:$0x2] =	stream.indirect_vreg.gather [hbm4b:s5+s2], $0x80, v3, vm1, $0xb8;
	[tilespmem:$0x18400] =	vst v63  }
0x331: {  	_ =	swait.ge [sflag:s21], $0xC000  }
0x332: {  	[sflag:s21] =	ssyncset.done $0x0  }
0x333: {  	s7 =	simm.s32 $0x400;
	s25 =	rddreg [dreg:$0x7];
	[sflag:s21] =	ssyncadd.s32 $0xFFFF4000  }
0x334: {  	[hbm4b:s25+s2] =	stream.linear.scatter [tilespmem:s7], [sflag:$0x3], $0xC000, $0x38;
	[tilespmem:$0x18400] =	vst v63  }
0x335: {  	_ =	swait.ge [sflag:s22], $0xC000  }
0x336: {  	[sflag:s22] =	ssyncset.done $0x0  }
0x337: {  	[sflag:s22] =	ssyncadd.s32 $0xFFFF4000  }
0x338: {  	v3 =	vld [tilespmem:$0x300];
	_ =	sdelay $0x4  }
0x339: {  	v48 =	vshrl.u32 v3, $0x3  }
0x33a: {  	v4 =	vmul.u32 $0x18, v48  }
0x33b: {  	v3 =	vand.u32 $0x7, v3  }
0x33c: {  	v3 =	vor.u32 v3, v4  }
0x33d: {  	v4 =	vperm.xlane v3, v0;
	_ =	sdelay $0x1  }
0x33e: {  	v4 =	vadd.s32 v1, v4;
	_ =	sdelay $0x1  }
0x33f: {  	v3 =	vperm.xlane v3, v2;
	_ =	sdelay $0x1  }
0x340: {  	v3 =	vadd.s32 v1, v3  }
0x341: {  	[tilespmem:s7], [sflag:$0x1] =	stream.indirect_vreg.gather [hbm4b:s4+s2], $0x80, v4, vm0, $0xb8;
	[tilespmem:$0x18400] =	vst v63  }
0x342: {  	s25 =	simm.s32 $0xC00  }
0x343: {  	[tilespmem:s25], [sflag:$0x1] =	stream.indirect_vreg.gather [hbm4b:s5+s2], $0x80, v4, vm1, $0xb8;
	[tilespmem:$0x18400] =	vst v63  }
0x344: {  	s13 =	simm.s32 $0x1000  }
0x345: {  	[tilespmem:s13], [sflag:$0x1] =	stream.indirect_vreg.gather [hbm4b:s4+s2], $0x80, v3, vm0, $0xb8;
	[tilespmem:$0x18400] =	vst v63  }
0x346: {  	_ = 	snop  }
0x347: {  	[tilespmem:s1], [sflag:$0x1] =	stream.indirect_vreg.gather [hbm4b:s5+s2], $0x80, v3, vm1, $0xb8;
	[tilespmem:$0x18400] =	vst v63  }
0x348: {  	v3 =	vld [tilespmem:$0x310];
	_ =	sdelay $0x4  }
0x349: {  	v49 =	vshrl.u32 v3, $0x3  }
0x34a: {  	v4 =	vmul.u32 $0x18, v49  }
0x34b: {  	v3 =	vand.u32 $0x7, v3  }
0x34c: {  	v3 =	vor.u32 v3, v4  }
0x34d: {  	v4 =	vperm.xlane v3, v0;
	_ =	sdelay $0x1  }
0x34e: {  	v4 =	vadd.s32 v1, v4;
	_ =	sdelay $0x1  }
0x34f: {  	v3 =	vperm.xlane v3, v2;
	_ =	sdelay $0x1  }
0x350: {  	s14 =	simm.s32 $0x1C00;
	v3 =	vadd.s32 v1, v3  }
0x351: {  	[tilespmem:s14], [sflag:$0x1] =	stream.indirect_vreg.gather [hbm4b:s4+s2], $0x80, v4, vm0, $0xb8;
	[tilespmem:$0x18400] =	vst v63  }
0x352: {  	s15 =	simm.s32 $0x2400  }
0x353: {  	[tilespmem:s15], [sflag:$0x1] =	stream.indirect_vreg.gather [hbm4b:s5+s2], $0x80, v4, vm1, $0xb8;
	[tilespmem:$0x18400] =	vst v63  }
0x354: {  	s16 =	simm.s32 $0x2800  }
0x355: {  	[tilespmem:s16], [sflag:$0x1] =	stream.indirect_vreg.gather [hbm4b:s4+s2], $0x80, v3, vm0, $0xb8;
	[tilespmem:$0x18400] =	vst v63  }
0x356: {  	s16 =	simm.s32 $0x3000  }
0x357: {  	[tilespmem:s16], [sflag:$0x1] =	stream.indirect_vreg.gather [hbm4b:s5+s2], $0x80, v3, vm1, $0xb8;
	[tilespmem:$0x18400] =	vst v63  }
0x358: {  	v3 =	vld [tilespmem:$0x320];
	_ =	sdelay $0x4  }
0x359: {  	v50 =	vshrl.u32 v3, $0x3  }
0x35a: {  	v4 =	vmul.u32 $0x18, v50  }
0x35b: {  	v3 =	vand.u32 $0x7, v3  }
0x35c: {  	v3 =	vor.u32 v3, v4  }
0x35d: {  	v4 =	vperm.xlane v3, v0;
	_ =	sdelay $0x1  }
0x35e: {  	v4 =	vadd.s32 v1, v4;
	_ =	sdelay $0x1  }
0x35f: {  	v3 =	vperm.xlane v3, v2;
	_ =	sdelay $0x1  }
0x360: {  	s17 =	simm.s32 $0x3400;
	v3 =	vadd.s32 v1, v3  }
0x361: {  	[tilespmem:s17], [sflag:$0x1] =	stream.indirect_vreg.gather [hbm4b:s4+s2], $0x80, v4, vm0, $0xb8;
	[tilespmem:$0x18400] =	vst v63  }
0x362: {  	s18 =	simm.s32 $0x3C00  }
0x363: {  	[tilespmem:s18], [sflag:$0x1] =	stream.indirect_vreg.gather [hbm4b:s5+s2], $0x80, v4, vm1, $0xb8;
	[tilespmem:$0x18400] =	vst v63  }
0x364: {  	s19 =	simm.s32 $0x4000  }
0x365: {  	[tilespmem:s19], [sflag:$0x1] =	stream.indirect_vreg.gather [hbm4b:s4+s2], $0x80, v3, vm0, $0xb8;
	[tilespmem:$0x18400] =	vst v63  }
0x366: {  	s25 =	simm.s32 $0x4800  }
0x367: {  	[tilespmem:s25], [sflag:$0x1] =	stream.indirect_vreg.gather [hbm4b:s5+s2], $0x80, v3, vm1, $0xb8;
	[tilespmem:$0x18400] =	vst v63  }
0x368: {  	v3 =	vld [tilespmem:$0x330];
	_ =	sdelay $0x4  }
0x369: {  	v51 =	vshrl.u32 v3, $0x3  }
0x36a: {  	v4 =	vmul.u32 $0x18, v51  }
0x36b: {  	v3 =	vand.u32 $0x7, v3  }
0x36c: {  	v3 =	vor.u32 v3, v4  }
0x36d: {  	v4 =	vperm.xlane v3, v0;
	_ =	sdelay $0x1  }
0x36e: {  	v4 =	vadd.s32 v1, v4;
	_ =	sdelay $0x1  }
0x36f: {  	v3 =	vperm.xlane v3, v2;
	_ =	sdelay $0x1  }
0x370: {  	s20 =	simm.s32 $0x4C00;
	v3 =	vadd.s32 v1, v3  }
0x371: {  	[tilespmem:s20], [sflag:$0x1] =	stream.indirect_vreg.gather [hbm4b:s4+s2], $0x80, v4, vm0, $0xb8;
	[tilespmem:$0x18400] =	vst v63  }
0x372: {  	s26 =	simm.s32 $0x5400  }
0x373: {  	[tilespmem:s26], [sflag:$0x1] =	stream.indirect_vreg.gather [hbm4b:s5+s2], $0x80, v4, vm1, $0xb8;
	[tilespmem:$0x18400] =	vst v63  }
0x374: {  	s28 =	simm.s32 $0x5800  }
0x375: {  	[tilespmem:s28], [sflag:$0x1] =	stream.indirect_vreg.gather [hbm4b:s4+s2], $0x80, v3, vm0, $0xb8;
	[tilespmem:$0x18400] =	vst v63  }
0x376: {  	s26 =	simm.s32 $0x6000  }
0x377: {  	[tilespmem:s26], [sflag:$0x1] =	stream.indirect_vreg.gather [hbm4b:s5+s2], $0x80, v3, vm1, $0xb8;
	[tilespmem:$0x18400] =	vst v63  }
0x378: {  	v3 =	vld [tilespmem:$0x340];
	_ =	sdelay $0x4  }
0x379: {  	v52 =	vshrl.u32 v3, $0x3  }
0x37a: {  	v4 =	vmul.u32 $0x18, v52  }
0x37b: {  	v3 =	vand.u32 $0x7, v3  }
0x37c: {  	v3 =	vor.u32 v3, v4  }
0x37d: {  	v4 =	vperm.xlane v3, v0;
	_ =	sdelay $0x1  }
0x37e: {  	v4 =	vadd.s32 v1, v4;
	_ =	sdelay $0x1  }
0x37f: {  	v3 =	vperm.xlane v3, v2;
	_ =	sdelay $0x1  }
0x380: {  	s29 =	simm.s32 $0x6400;
	v3 =	vadd.s32 v1, v3  }
0x381: {  	[tilespmem:s29], [sflag:$0x1] =	stream.indirect_vreg.gather [hbm4b:s4+s2], $0x80, v4, vm0, $0xb8;
	[tilespmem:$0x18400] =	vst v63  }
0x382: {  	s30 =	simm.s32 $0x6C00  }
0x383: {  	[tilespmem:s30], [sflag:$0x1] =	stream.indirect_vreg.gather [hbm4b:s5+s2], $0x80, v4, vm1, $0xb8;
	[tilespmem:$0x18400] =	vst v63  }
0x384: {  	s28 =	simm.s32 $0x7000  }
0x385: {  	[tilespmem:s28], [sflag:$0x1] =	stream.indirect_vreg.gather [hbm4b:s4+s2], $0x80, v3, vm0, $0xb8;
	[tilespmem:$0x18400] =	vst v63  }
0x386: {  	s29 =	simm.s32 $0x7800  }
0x387: {  	[tilespmem:s29], [sflag:$0x1] =	stream.indirect_vreg.gather [hbm4b:s5+s2], $0x80, v3, vm1, $0xb8;
	[tilespmem:$0x18400] =	vst v63  }
0x388: {  	v3 =	vld [tilespmem:$0x350];
	_ =	sdelay $0x4  }
0x389: {  	v53 =	vshrl.u32 v3, $0x3  }
0x38a: {  	v4 =	vmul.u32 $0x18, v53  }
0x38b: {  	v3 =	vand.u32 $0x7, v3  }
0x38c: {  	v3 =	vor.u32 v3, v4  }
0x38d: {  	v4 =	vperm.xlane v3, v0;
	_ =	sdelay $0x1  }
0x38e: {  	v4 =	vadd.s32 v1, v4;
	_ =	sdelay $0x1  }
0x38f: {  	v3 =	vperm.xlane v3, v2;
	_ =	sdelay $0x1  }
0x390: {  	s30 =	simm.s32 $0x7C00;
	v3 =	vadd.s32 v1, v3  }
0x391: {  	[tilespmem:s30], [sflag:$0x1] =	stream.indirect_vreg.gather [hbm4b:s4+s2], $0x80, v4, vm0, $0xb8;
	[tilespmem:$0x18400] =	vst v63  }
0x392: {  	s8 =	simm.s32 $0x8400  }
0x393: {  	[tilespmem:s8], [sflag:$0x1] =	stream.indirect_vreg.gather [hbm4b:s5+s2], $0x80, v4, vm1, $0xb8;
	[tilespmem:$0x18400] =	vst v63  }
0x394: {  	s9 =	simm.s32 $0x8800  }
0x395: {  	[tilespmem:s9], [sflag:$0x1] =	stream.indirect_vreg.gather [hbm4b:s4+s2], $0x80, v3, vm0, $0xb8;
	[tilespmem:$0x18400] =	vst v63  }
0x396: {  	s9 =	simm.s32 $0x9000  }
0x397: {  	[tilespmem:s9], [sflag:$0x1] =	stream.indirect_vreg.gather [hbm4b:s5+s2], $0x80, v3, vm1, $0xb8;
	[tilespmem:$0x18400] =	vst v63  }
0x398: {  	v3 =	vld [tilespmem:$0x360];
	_ =	sdelay $0x4  }
0x399: {  	v54 =	vshrl.u32 v3, $0x3  }
0x39a: {  	v4 =	vmul.u32 $0x18, v54  }
0x39b: {  	v3 =	vand.u32 $0x7, v3  }
0x39c: {  	v3 =	vor.u32 v3, v4  }
0x39d: {  	v4 =	vperm.xlane v3, v0;
	_ =	sdelay $0x1  }
0x39e: {  	v4 =	vadd.s32 v1, v4;
	_ =	sdelay $0x1  }
0x39f: {  	v3 =	vperm.xlane v3, v2;
	_ =	sdelay $0x1  }
0x3a0: {  	s10 =	simm.s32 $0x9400;
	v3 =	vadd.s32 v1, v3  }
0x3a1: {  	[tilespmem:s10], [sflag:$0x1] =	stream.indirect_vreg.gather [hbm4b:s4+s2], $0x80, v4, vm0, $0xb8;
	[tilespmem:$0x18400] =	vst v63  }
0x3a2: {  	s11 =	simm.s32 $0x9C00  }
0x3a3: {  	[tilespmem:s11], [sflag:$0x1] =	stream.indirect_vreg.gather [hbm4b:s5+s2], $0x80, v4, vm1, $0xb8;
	[tilespmem:$0x18400] =	vst v63  }
0x3a4: {  	s12 =	simm.s32 $0xA000  }
0x3a5: {  	[tilespmem:s12], [sflag:$0x1] =	stream.indirect_vreg.gather [hbm4b:s4+s2], $0x80, v3, vm0, $0xb8;
	[tilespmem:$0x18400] =	vst v63  }
0x3a6: {  	s10 =	simm.s32 $0xA800  }
0x3a7: {  	[tilespmem:s10], [sflag:$0x1] =	stream.indirect_vreg.gather [hbm4b:s5+s2], $0x80, v3, vm1, $0xb8;
	[tilespmem:$0x18400] =	vst v63  }
0x3a8: {  	v3 =	vld [tilespmem:$0x370];
	_ =	sdelay $0x4  }
0x3a9: {  	v55 =	vshrl.u32 v3, $0x3  }
0x3aa: {  	v4 =	vmul.u32 $0x18, v55  }
0x3ab: {  	v3 =	vand.u32 $0x7, v3  }
0x3ac: {  	v3 =	vor.u32 v3, v4  }
0x3ad: {  	v4 =	vperm.xlane v3, v0;
	_ =	sdelay $0x1  }
0x3ae: {  	v4 =	vadd.s32 v1, v4;
	_ =	sdelay $0x1  }
0x3af: {  	v3 =	vperm.xlane v3, v2;
	_ =	sdelay $0x1  }
0x3b0: {  	s11 =	simm.s32 $0xAC00;
	v3 =	vadd.s32 v1, v3  }
0x3b1: {  	[tilespmem:s11], [sflag:$0x1] =	stream.indirect_vreg.gather [hbm4b:s4+s2], $0x80, v4, vm0, $0xb8;
	[tilespmem:$0x18400] =	vst v63  }
0x3b2: {  	s31 =	simm.s32 $0xB400  }
0x3b3: {  	[tilespmem:s31], [sflag:$0x1] =	stream.indirect_vreg.gather [hbm4b:s5+s2], $0x80, v4, vm1, $0xb8;
	[tilespmem:$0x18400] =	vst v63  }
0x3b4: {  	s12 =	simm.s32 $0xB800  }
0x3b5: {  	[tilespmem:s12], [sflag:$0x1] =	stream.indirect_vreg.gather [hbm4b:s4+s2], $0x80, v3, vm0, $0xb8;
	[tilespmem:$0x18400] =	vst v63  }
0x3b6: {  	s13 =	simm.s32 $0xC000  }
0x3b7: {  	[tilespmem:s13], [sflag:$0x1] =	stream.indirect_vreg.gather [hbm4b:s5+s2], $0x80, v3, vm1, $0xb8;
	[tilespmem:$0x18400] =	vst v63  }
0x3b8: {  	_ =	swait.ge [sflag:s23], $0xC000  }
0x3b9: {  	[sflag:s23] =	ssyncset.done $0x0  }
0x3ba: {  	s3 =	simm.s32 $0xC400;
	s14 =	rddreg [dreg:$0x8];
	[sflag:s23] =	ssyncadd.s32 $0xFFFF4000  }
0x3bb: {  	[hbm4b:s14+s2] =	stream.linear.scatter [tilespmem:s3], [sflag:$0x4], $0xC000, $0x38;
	[tilespmem:$0x18400] =	vst v63  }
0x3bc: {  	_ =	swait.ge [sflag:s24], $0xC000  }
0x3bd: {  	[sflag:s24] =	ssyncset.done $0x0  }
0x3be: {  	[sflag:s24] =	ssyncadd.s32 $0xFFFF4000  }
0x3bf: {  	v3 =	vld [tilespmem:$0x380];
	_ =	sdelay $0x4  }
0x3c0: {  	v56 =	vshrl.u32 v3, $0x3  }
0x3c1: {  	v4 =	vmul.u32 $0x18, v56  }
0x3c2: {  	v3 =	vand.u32 $0x7, v3  }
0x3c3: {  	v3 =	vor.u32 v3, v4  }
0x3c4: {  	v4 =	vperm.xlane v3, v0;
	_ =	sdelay $0x1  }
0x3c5: {  	v4 =	vadd.s32 v1, v4;
	_ =	sdelay $0x1  }
0x3c6: {  	v3 =	vperm.xlane v3, v2;
	_ =	sdelay $0x1  }
0x3c7: {  	v3 =	vadd.s32 v1, v3  }
0x3c8: {  	[tilespmem:s3], [sflag:$0x2] =	stream.indirect_vreg.gather [hbm4b:s4+s2], $0x80, v4, vm0, $0xb8;
	[tilespmem:$0x18400] =	vst v63  }
0x3c9: {  	_ = 	snop  }
0x3ca: {  	[tilespmem:s0], [sflag:$0x2] =	stream.indirect_vreg.gather [hbm4b:s5+s2], $0x80, v4, vm1, $0xb8;
	[tilespmem:$0x18400] =	vst v63  }
0x3cb: {  	s15 =	simm.s32 $0xD000  }
0x3cc: {  	[tilespmem:s15], [sflag:$0x2] =	stream.indirect_vreg.gather [hbm4b:s4+s2], $0x80, v3, vm0, $0xb8;
	[tilespmem:$0x18400] =	vst v63  }
0x3cd: {  	s16 =	simm.s32 $0xD800  }
0x3ce: {  	[tilespmem:s16], [sflag:$0x2] =	stream.indirect_vreg.gather [hbm4b:s5+s2], $0x80, v3, vm1, $0xb8;
	[tilespmem:$0x18400] =	vst v63  }
0x3cf: {  	v3 =	vld [tilespmem:$0x390];
	_ =	sdelay $0x4  }
0x3d0: {  	v57 =	vshrl.u32 v3, $0x3  }
0x3d1: {  	v4 =	vmul.u32 $0x18, v57  }
0x3d2: {  	v3 =	vand.u32 $0x7, v3  }
0x3d3: {  	v3 =	vor.u32 v3, v4  }
0x3d4: {  	v4 =	vperm.xlane v3, v0;
	_ =	sdelay $0x1  }
0x3d5: {  	v4 =	vadd.s32 v1, v4;
	_ =	sdelay $0x1  }
0x3d6: {  	v3 =	vperm.xlane v3, v2;
	_ =	sdelay $0x1  }
0x3d7: {  	s17 =	simm.s32 $0xDC00;
	v3 =	vadd.s32 v1, v3  }
0x3d8: {  	[tilespmem:s17], [sflag:$0x2] =	stream.indirect_vreg.gather [hbm4b:s4+s2], $0x80, v4, vm0, $0xb8;
	[tilespmem:$0x18400] =	vst v63  }
0x3d9: {  	s18 =	simm.s32 $0xE400  }
0x3da: {  	[tilespmem:s18], [sflag:$0x2] =	stream.indirect_vreg.gather [hbm4b:s5+s2], $0x80, v4, vm1, $0xb8;
	[tilespmem:$0x18400] =	vst v63  }
0x3db: {  	s19 =	simm.s32 $0xE800  }
0x3dc: {  	[tilespmem:s19], [sflag:$0x2] =	stream.indirect_vreg.gather [hbm4b:s4+s2], $0x80, v3, vm0, $0xb8;
	[tilespmem:$0x18400] =	vst v63  }
0x3dd: {  	s20 =	simm.s32 $0xF000  }
0x3de: {  	[tilespmem:s20], [sflag:$0x2] =	stream.indirect_vreg.gather [hbm4b:s5+s2], $0x80, v3, vm1, $0xb8;
	[tilespmem:$0x18400] =	vst v63  }
0x3df: {  	v3 =	vld [tilespmem:$0x3A0];
	_ =	sdelay $0x4  }
0x3e0: {  	v58 =	vshrl.u32 v3, $0x3  }
0x3e1: {  	v4 =	vmul.u32 $0x18, v58  }
0x3e2: {  	v3 =	vand.u32 $0x7, v3  }
0x3e3: {  	v3 =	vor.u32 v3, v4  }
0x3e4: {  	v4 =	vperm.xlane v3, v0;
	_ =	sdelay $0x1  }
0x3e5: {  	v4 =	vadd.s32 v1, v4;
	_ =	sdelay $0x1  }
0x3e6: {  	v3 =	vperm.xlane v3, v2;
	_ =	sdelay $0x1  }
0x3e7: {  	s25 =	simm.s32 $0xF400;
	v3 =	vadd.s32 v1, v3  }
0x3e8: {  	[tilespmem:s25], [sflag:$0x2] =	stream.indirect_vreg.gather [hbm4b:s4+s2], $0x80, v4, vm0, $0xb8;
	[tilespmem:$0x18400] =	vst v63  }
0x3e9: {  	s26 =	simm.s32 $0xFC00  }
0x3ea: {  	[tilespmem:s26], [sflag:$0x2] =	stream.indirect_vreg.gather [hbm4b:s5+s2], $0x80, v4, vm1, $0xb8;
	[tilespmem:$0x18400] =	vst v63  }
0x3eb: {  	s28 =	simm.s32 $0x10000  }
0x3ec: {  	[tilespmem:s28], [sflag:$0x2] =	stream.indirect_vreg.gather [hbm4b:s4+s2], $0x80, v3, vm0, $0xb8;
	[tilespmem:$0x18400] =	vst v63  }
0x3ed: {  	s29 =	simm.s32 $0x10800  }
0x3ee: {  	[tilespmem:s29], [sflag:$0x2] =	stream.indirect_vreg.gather [hbm4b:s5+s2], $0x80, v3, vm1, $0xb8;
	[tilespmem:$0x18400] =	vst v63  }
0x3ef: {  	v3 =	vld [tilespmem:$0x3B0];
	_ =	sdelay $0x4  }
0x3f0: {  	v59 =	vshrl.u32 v3, $0x3  }
0x3f1: {  	v4 =	vmul.u32 $0x18, v59  }
0x3f2: {  	v3 =	vand.u32 $0x7, v3  }
0x3f3: {  	v3 =	vor.u32 v3, v4  }
0x3f4: {  	v4 =	vperm.xlane v3, v0;
	_ =	sdelay $0x1  }
0x3f5: {  	v4 =	vadd.s32 v1, v4;
	_ =	sdelay $0x1  }
0x3f6: {  	v3 =	vperm.xlane v3, v2;
	_ =	sdelay $0x1  }
0x3f7: {  	s30 =	simm.s32 $0x10C00;
	v3 =	vadd.s32 v1, v3  }
0x3f8: {  	[tilespmem:s30], [sflag:$0x2] =	stream.indirect_vreg.gather [hbm4b:s4+s2], $0x80, v4, vm0, $0xb8;
	[tilespmem:$0x18400] =	vst v63  }
0x3f9: {  	s31 =	simm.s32 $0x11400  }
0x3fa: {  	[tilespmem:s31], [sflag:$0x2] =	stream.indirect_vreg.gather [hbm4b:s5+s2], $0x80, v4, vm1, $0xb8;
	[tilespmem:$0x18400] =	vst v63  }
0x3fb: {  	s1 =	simm.s32 $0x11800  }
0x3fc: {  	[tilespmem:s1], [sflag:$0x2] =	stream.indirect_vreg.gather [hbm4b:s4+s2], $0x80, v3, vm0, $0xb8;
	[tilespmem:$0x18400] =	vst v63  }
0x3fd: {  	s8 =	simm.s32 $0x12000  }
0x3fe: {  	[tilespmem:s8], [sflag:$0x2] =	stream.indirect_vreg.gather [hbm4b:s5+s2], $0x80, v3, vm1, $0xb8;
	[tilespmem:$0x18400] =	vst v63  }
0x3ff: {  	v3 =	vld [tilespmem:$0x3C0];
	_ =	sdelay $0x4  }
0x400: {  	v60 =	vshrl.u32 v3, $0x3  }
0x401: {  	v4 =	vmul.u32 $0x18, v60  }
0x402: {  	v3 =	vand.u32 $0x7, v3  }
0x403: {  	v3 =	vor.u32 v3, v4  }
0x404: {  	v4 =	vperm.xlane v3, v0;
	_ =	sdelay $0x1  }
0x405: {  	v4 =	vadd.s32 v1, v4;
	_ =	sdelay $0x1  }
0x406: {  	v3 =	vperm.xlane v3, v2;
	_ =	sdelay $0x1  }
0x407: {  	s9 =	simm.s32 $0x12400;
	v3 =	vadd.s32 v1, v3  }
0x408: {  	[tilespmem:s9], [sflag:$0x2] =	stream.indirect_vreg.gather [hbm4b:s4+s2], $0x80, v4, vm0, $0xb8;
	[tilespmem:$0x18400] =	vst v63  }
0x409: {  	s10 =	simm.s32 $0x12C00  }
0x40a: {  	[tilespmem:s10], [sflag:$0x2] =	stream.indirect_vreg.gather [hbm4b:s5+s2], $0x80, v4, vm1, $0xb8;
	[tilespmem:$0x18400] =	vst v63  }
0x40b: {  	s11 =	simm.s32 $0x13000  }
0x40c: {  	[tilespmem:s11], [sflag:$0x2] =	stream.indirect_vreg.gather [hbm4b:s4+s2], $0x80, v3, vm0, $0xb8;
	[tilespmem:$0x18400] =	vst v63  }
0x40d: {  	s12 =	simm.s32 $0x13800  }
0x40e: {  	[tilespmem:s12], [sflag:$0x2] =	stream.indirect_vreg.gather [hbm4b:s5+s2], $0x80, v3, vm1, $0xb8;
	[tilespmem:$0x18400] =	vst v63  }
0x40f: {  	v3 =	vld [tilespmem:$0x3D0];
	_ =	sdelay $0x4  }
0x410: {  	v61 =	vshrl.u32 v3, $0x3  }
0x411: {  	v4 =	vmul.u32 $0x18, v61  }
0x412: {  	v3 =	vand.u32 $0x7, v3  }
0x413: {  	v3 =	vor.u32 v3, v4  }
0x414: {  	v4 =	vperm.xlane v3, v0;
	_ =	sdelay $0x1  }
0x415: {  	v4 =	vadd.s32 v1, v4;
	_ =	sdelay $0x1  }
0x416: {  	v3 =	vperm.xlane v3, v2;
	_ =	sdelay $0x1  }
0x417: {  	s13 =	simm.s32 $0x13C00;
	v3 =	vadd.s32 v1, v3  }
0x418: {  	[tilespmem:s13], [sflag:$0x2] =	stream.indirect_vreg.gather [hbm4b:s4+s2], $0x80, v4, vm0, $0xb8;
	[tilespmem:$0x18400] =	vst v63  }
0x419: {  	s14 =	simm.s32 $0x14400  }
0x41a: {  	[tilespmem:s14], [sflag:$0x2] =	stream.indirect_vreg.gather [hbm4b:s5+s2], $0x80, v4, vm1, $0xb8;
	[tilespmem:$0x18400] =	vst v63  }
0x41b: {  	s15 =	simm.s32 $0x14800  }
0x41c: {  	[tilespmem:s15], [sflag:$0x2] =	stream.indirect_vreg.gather [hbm4b:s4+s2], $0x80, v3, vm0, $0xb8;
	[tilespmem:$0x18400] =	vst v63  }
0x41d: {  	s16 =	simm.s32 $0x15000  }
0x41e: {  	[tilespmem:s16], [sflag:$0x2] =	stream.indirect_vreg.gather [hbm4b:s5+s2], $0x80, v3, vm1, $0xb8;
	[tilespmem:$0x18400] =	vst v63  }
0x41f: {  	v3 =	vld [tilespmem:$0x3E0];
	_ =	sdelay $0x4  }
0x420: {  	v62 =	vshrl.u32 v3, $0x3  }
0x421: {  	v4 =	vmul.u32 $0x18, v62  }
0x422: {  	v3 =	vand.u32 $0x7, v3  }
0x423: {  	v3 =	vor.u32 v3, v4  }
0x424: {  	v4 =	vperm.xlane v3, v0;
	_ =	sdelay $0x1  }
0x425: {  	v4 =	vadd.s32 v1, v4;
	_ =	sdelay $0x1  }
0x426: {  	v3 =	vperm.xlane v3, v2;
	_ =	sdelay $0x1  }
0x427: {  	s17 =	simm.s32 $0x15400;
	v3 =	vadd.s32 v1, v3  }
0x428: {  	[tilespmem:s17], [sflag:$0x2] =	stream.indirect_vreg.gather [hbm4b:s4+s2], $0x80, v4, vm0, $0xb8;
	[tilespmem:$0x18400] =	vst v63  }
0x429: {  	s18 =	simm.s32 $0x15C00  }
0x42a: {  	[tilespmem:s18], [sflag:$0x2] =	stream.indirect_vreg.gather [hbm4b:s5+s2], $0x80, v4, vm1, $0xb8;
	[tilespmem:$0x18400] =	vst v63  }
0x42b: {  	s19 =	simm.s32 $0x16000  }
0x42c: {  	[tilespmem:s19], [sflag:$0x2] =	stream.indirect_vreg.gather [hbm4b:s4+s2], $0x80, v3, vm0, $0xb8;
	[tilespmem:$0x18400] =	vst v63  }
0x42d: {  	s20 =	simm.s32 $0x16800  }
0x42e: {  	[tilespmem:s20], [sflag:$0x2] =	stream.indirect_vreg.gather [hbm4b:s5+s2], $0x80, v3, vm1, $0xb8;
	[tilespmem:$0x18400] =	vst v63  }
0x42f: {  	v3 =	vld [tilespmem:$0x3F0];
	_ =	sdelay $0x4  }
0x430: {  	v63 =	vshrl.u32 v3, $0x3  }
0x431: {  	v4 =	vmul.u32 $0x18, v63  }
0x432: {  	v3 =	vand.u32 $0x7, v3  }
0x433: {  	v3 =	vor.u32 v3, v4  }
0x434: {  	v4 =	vperm.xlane v3, v0;
	_ =	sdelay $0x1  }
0x435: {  	v4 =	vadd.s32 v1, v4;
	_ =	sdelay $0x1  }
0x436: {  	v3 =	vperm.xlane v3, v2;
	_ =	sdelay $0x1  }
0x437: {  	s25 =	simm.s32 $0x16C00;
	v3 =	vadd.s32 v1, v3  }
0x438: {  	[tilespmem:s25], [sflag:$0x2] =	stream.indirect_vreg.gather [hbm4b:s4+s2], $0x80, v4, vm0, $0xb8;
	[tilespmem:$0x18400] =	vst v63  }
0x439: {  	s26 =	simm.s32 $0x17400  }
0x43a: {  	[tilespmem:s26], [sflag:$0x2] =	stream.indirect_vreg.gather [hbm4b:s5+s2], $0x80, v4, vm1, $0xb8;
	[tilespmem:$0x18400] =	vst v63  }
0x43b: {  	s28 =	simm.s32 $0x17800  }
0x43c: {  	[tilespmem:s28], [sflag:$0x2] =	stream.indirect_vreg.gather [hbm4b:s4+s2], $0x80, v3, vm0, $0xb8;
	[tilespmem:$0x18400] =	vst v63  }
0x43d: {  	s29 =	simm.s32 $0x18000  }
0x43e: {  	[tilespmem:s29], [sflag:$0x2] =	stream.indirect_vreg.gather [hbm4b:s5+s2], $0x80, v3, vm1, $0xb8;
	[tilespmem:$0x18400] =	vst v63  }
0x43f: {  	_ =	swait.ge [sflag:s21], $0xC000  }
0x440: {  	[sflag:s21] =	ssyncset.done $0x0  }
0x441: {  	s7 =	simm.s32 $0x400;
	s30 =	rddreg [dreg:$0x9];
	[sflag:s21] =	ssyncadd.s32 $0xFFFF4000  }
0x442: {  	[hbm4b:s30+s2] =	stream.linear.scatter [tilespmem:s7], [sflag:$0x3], $0xC000, $0x38;
	[tilespmem:$0x18400] =	vst v63  }
0x443: {  	_ =	swait.ge [sflag:s23], $0xC000  }
0x444: {  	[sflag:s23] =	ssyncset.done $0x0  }
0x445: {  	s31 =	rddreg [dreg:$0xa];
	[sflag:s23] =	ssyncadd.s32 $0xFFFF4000  }
0x446: {  	[hbm4b:s31+s2] =	stream.linear.scatter [tilespmem:s3], [sflag:$0x4], $0xC000, $0x38;
	[tilespmem:$0x18400] =	vst v63  }
0x447: {  	p0 =	sne.s32 s6, $0x1;
	_ =	swait.ge [sflag:s22], $0xC000  }
.Ltmp0:
0x448: {  	[sflag:s22] =	ssyncset.done $0x0;
	(pc) =	sbr.rel @p0 .LBB2_1-.Ltmp0, $4  }
0x449: {  	[sflag:s22] =	ssyncadd.s32 $0xFFFF4000  }
0x44a: {  	_ =	swait.ge [sflag:s24], $0xC000  }
0x44b: {  	[sflag:s24] =	ssyncset.done $0x0  }
0x44c: {  	s6 =	sadd.s32 $0xFFFFFFFF, s6;
	[sflag:s24] =	ssyncadd.s32 $0xFFFF4000  }
0x44d: {  	_ =	sfence.sel $0x180000  }
0x44e: {  	[bflag:$0x0] =	sbarrier.arrive $0xFFFF  }
0x44f: {  	_ =	strace $0x90000047  }
0x450: {  	s0 =	stileid.u32;
	[bflag:$0x2] =	sbarrier.arrive $0xFFFF  }
0x451: {  	p0 =	sne.s32 s0, $0x0;
	s0 =	rddreg [dreg:$0x2]  }
0x452: {  	s0 =	sadd.s32 @!p0 $0x100000, s0  }
0x453: {  	[sflag:s0] =	ssyncadd.tile.s32 @!p0 $0x1;
	_ =	shalt  }
.Lfunc_end2:
_tile_overlayer_lowered:
.L_overlay_start_2:
0x454: {  	(tag) =	ssettag $0x2  }
0x455: {  	s0 =	rddreg [dreg:$0x0];
	s2 =	stileid.u32  }
0x456: {  	s1 =	rddreg [dreg:$0x1];
	p0 =	sne.s32 s2, $0x0  }
0x457: {  	s3 =	rddreg [dreg:$0x2];
	[bflag:$0x3] =	sbarrier.arrive $0xFFFF;
	s2 =	simm.s32 @!p0 $0x1C05  }
0x458: {  	[timem:s3], [sflag:s2] =	dma.local @!p0 [hbm:s0], s1  }
0x459: {  	s0 =	simm.s32 @!p0 $0x5  }
0x45a: {  	_ =	swait.ge @!p0 [sflag:s0], s1  }
0x45b: {  	s1 =	ssub.s32 @!p0 $0x0, s1;
	[sflag:s0] =	ssyncset.done @!p0 $0x0  }
0x45c: {  	[sflag:s0] =	ssyncadd.s32 @!p0 s1  }
0x45d: {  	[bflag:$0x3] =	sbarrier.arrive $0xFFFF  }
0x45e: {  	_ =	shalt  }

</sc_bundles>
